<compile_context>
chip_gen: v7x
topology: tpu7x:2x2x1
jax: 0.10.2.dev20260603
libtpu: 0.0.44.dev20260713+nightly
codegen_flags: <defaults>
</compile_context>

<pallas_src>
import functools

import jax
import jax.numpy as jnp
from jax import lax
from jax.experimental import pallas as pl
from jax.experimental.pallas import tpu as pltpu
from jax.experimental.pallas import tpu_sc as plsc

def _logits_body(w_ref, x_ref, out_ref):
    out_ref[...] = lax.dot_general(
        w_ref[...], x_ref[...],
        dimension_numbers=(((1,), (1,)), ((), ())),
        preferred_element_type=jnp.float32,
    )


def _make_sc_topk(n_tok, n_exp):
    mesh = plsc.VectorSubcoreMesh(core_axis_name="c", subcore_axis_name="s")
    tpw = n_tok // 32
    n_grp = tpw // 16

    @functools.partial(
        pl.kernel,
        mesh=mesh,
        out_type=[
            jax.ShapeDtypeStruct((2, n_tok), jnp.int32),
            jax.ShapeDtypeStruct((2, n_tok), jnp.float32),
        ],
        scratch_types=[
            pltpu.VMEM((n_exp, tpw), jnp.float32),
            pltpu.VMEM((2, tpw), jnp.int32),
            pltpu.VMEM((2, tpw), jnp.float32),
        ],
    )
    def sc_topk(logits_hbm, idx_hbm, w_hbm, slab, idx_v, w_v):
        wid = lax.axis_index("s") * 2 + lax.axis_index("c")
        base = wid * tpw
        pltpu.sync_copy(logits_hbm.at[:, pl.ds(base, tpw)], slab)

        def group(g, _):
            t0s = (g * 32, g * 32 + 16)
            m1 = [slab[0, pl.ds(t0, 16)] for t0 in t0s]
            i1 = [jnp.zeros((16,), jnp.int32) for _ in t0s]
            m2 = [jnp.full((16,), -jnp.inf, jnp.float32) for _ in t0s]
            i2 = [jnp.zeros((16,), jnp.int32) for _ in t0s]
            for j in range(1, n_exp):
                jv = jnp.full((16,), j, jnp.int32)
                for p, t0 in enumerate(t0s):
                    v = slab[j, pl.ds(t0, 16)]
                    gt1 = v > m1[p]
                    gt2 = v > m2[p]
                    m2[p], i2[p] = (
                        jnp.where(gt1, m1[p], jnp.where(gt2, v, m2[p])),
                        jnp.where(gt1, i1[p], jnp.where(gt2, jv, i2[p])),
                    )
                    m1[p] = jnp.maximum(m1[p], v)
                    i1[p] = jnp.where(gt1, jv, i1[p])
            for p, t0 in enumerate(t0s):
                e = jnp.exp(m2[p] - m1[p])
                w1 = 1.0 / (1.0 + e)
                idx_v[0, pl.ds(t0, 16)] = i1[p]
                idx_v[1, pl.ds(t0, 16)] = i2[p]
                w_v[0, pl.ds(t0, 16)] = w1
                w_v[1, pl.ds(t0, 16)] = 1.0 - w1
            return 0

        lax.fori_loop(0, n_grp // 2, group, 0)
        pltpu.sync_copy(idx_v, idx_hbm.at[:, pl.ds(base, tpw)])
        pltpu.sync_copy(w_v, w_hbm.at[:, pl.ds(base, tpw)])

    return sc_topk


def kernel(hidden_states, weight):
    b, s, h = hidden_states.shape
    n = b * s
    ne = weight.shape[0]
    x = hidden_states.reshape(n, h)

    br = 1024
    logits_t = pl.pallas_call(
        _logits_body,
        grid=(n // br,),
        in_specs=[
            pl.BlockSpec((ne, h), lambda i: (0, 0)),
            pl.BlockSpec((br, h), lambda i: (i, 0)),
        ],
        out_specs=pl.BlockSpec((ne, br), lambda i: (0, i)),
        out_shape=jax.ShapeDtypeStruct((ne, n), jnp.float32),
    )(weight, x)

    sc_topk = _make_sc_topk(n, ne)
    idx2, w2 = sc_topk(logits_t)
    aux_loss = jnp.zeros((), dtype=jnp.float32)
    return idx2.T, w2.T, aux_loss

# --- scband reference (transcript-rebuilt; emitter-appended) ---
"""Pipeline reference for scband-mini-mind-mo-egate-11106785427918 (READ-ONLY COPY).

The authoritative reference and input builder live on the scoring server;
editing this copy changes nothing except your own understanding.
"""

import jax, jax.numpy as jnp
import numpy as np

HIDDEN = 2048
N_EXPERTS = 64
TOP_K = 2
NORM_TOPK = True
B, S = 4, 4096


def setup_inputs(seed: int = 0) -> dict:
    key = jax.random.key(seed)
    k1, k2 = jax.random.split(key)
    hidden_states = jax.random.normal(k1, (B, S, HIDDEN), dtype=jnp.float32)
    # kaiming_uniform_(a=sqrt(5)) on (n_experts, hidden) -> bound = 1/sqrt(fan_in)
    bound = 1.0 / np.sqrt(HIDDEN)
    weight = jax.random.uniform(k2, (N_EXPERTS, HIDDEN), dtype=jnp.float32, minval=-bound, maxval=bound)
    return {"hidden_states": hidden_states, "weight": weight}


def reference(hidden_states, weight):
    batch, seq_len, hidden_dim = hidden_states.shape
    flat_states = hidden_states.reshape(-1, hidden_dim)
    logits = flat_states @ weight.T  # F.linear(x, W) = x @ W^T
    scores = jax.nn.softmax(logits, axis=-1)
    topk_weight, topk_idx = jax.lax.top_k(scores, TOP_K)
    if TOP_K > 1 and NORM_TOPK:
        denominator = jnp.sum(topk_weight, axis=-1, keepdims=True) + 1e-20
        topk_weight = topk_weight / denominator
    # eval mode / alpha == 0.0 -> aux loss is a zero scalar
    aux_loss = jnp.zeros((), dtype=topk_weight.dtype)
    return (topk_idx, topk_weight, aux_loss)

if __name__ == "__main__":
    import jax
    _d = setup_inputs()
    print(jax.jit(kernel)(*tuple(_d.values())))

</pallas_src>

<mosaic_0001>
#map = affine_map<(d0, d1) -> (0, 0)>
module attributes {stable_mosaic.version = 14 : i64} {
  func.func @sc_topk(%arg0: i32, %arg1: i32, %arg2: memref<64x16384xf32, #tpu.memory_space<hbm>>, %arg3: memref<2x16384xi32, #tpu.memory_space<hbm>>, %arg4: memref<2x16384xf32, #tpu.memory_space<hbm>>, %arg5: memref<64x512xf32, #tpu.memory_space<vmem>>, %arg6: memref<2x512xi32, #tpu.memory_space<vmem>>, %arg7: memref<2x512xf32, #tpu.memory_space<vmem>>) attributes {dimension_semantics = [#tpu.dimension_semantics<core_parallel>, #tpu.dimension_semantics<subcore_parallel>], iteration_bounds = array<i64: 2, 16>, scalar_prefetch = 0 : i64, scratch_operands = 3 : i64, tpu.core_type = #tpu.core_type<sc_vector_subcore>, window_params = [{transform_indices = #map}, {transform_indices = #map}, {transform_indices = #map}]} {
    %mul3A = arith.constant 2 : i32
    %mul3A_0 = arith.muli %arg1, %mul3A : i32
    %add3A = arith.addi %mul3A_0, %arg0 : i32
    %mul3A_1 = arith.constant 512 : i32
    %mul3A_2 = arith.muli %add3A, %mul3A_1 : i32
    "tpu.region"() ({
      %run_scoped3A = tpu.sem_alloc : memref<!tpu.dma_semaphore, #tpu.memory_space<semaphore_mem>>
      %dma_start3A = arith.constant 0 : i32
      %dma_start3A_9 = tpu.memref_slice %arg2[%dma_start3A, %mul3A_2] : memref<64x16384xf32, #tpu.memory_space<hbm>> -> memref<64x512xf32, #tpu.memory_space<hbm>>
      %dma_start3A_10 = arith.constant 0 : i32
      %dma_start3A_11 = tpu.memref_slice %arg2[%dma_start3A_10, %mul3A_2] : memref<64x16384xf32, #tpu.memory_space<hbm>> -> memref<64x512xf32, #tpu.memory_space<hbm>>
      tpu.enqueue_dma source(%dma_start3A_11 : memref<64x512xf32, #tpu.memory_space<hbm>>) target(%arg5 : memref<64x512xf32, #tpu.memory_space<vmem>>) target_semaphore(%run_scoped3A : memref<!tpu.dma_semaphore, #tpu.memory_space<semaphore_mem>>)
      %dma_wait3A = arith.constant 0 : i32
      %dma_wait3A_12 = tpu.memref_slice %arg2[%dma_wait3A, %mul3A_2] : memref<64x16384xf32, #tpu.memory_space<hbm>> -> memref<64x512xf32, #tpu.memory_space<hbm>>
      %dma_wait3A_13 = arith.constant 0 : i32
      %dma_wait3A_14 = tpu.memref_slice %arg2[%dma_wait3A_13, %mul3A_2] : memref<64x16384xf32, #tpu.memory_space<hbm>> -> memref<64x512xf32, #tpu.memory_space<hbm>>
      tpu.wait_dma2 semaphore(%run_scoped3A : memref<!tpu.dma_semaphore, #tpu.memory_space<semaphore_mem>>) src(%dma_wait3A_14 : memref<64x512xf32, #tpu.memory_space<hbm>>) dst(%arg5 : memref<64x512xf32, #tpu.memory_space<vmem>>)
      tpu.yield
    }) : () -> ()
    %scan3A = arith.constant 0 : i32
    %scan3A_3 = arith.constant 0 : i32
    %scan3A_4 = arith.constant 16 : i32
    %scan3A_5 = arith.addi %scan3A_3, %scan3A_4 : i32
    %scan3A_6 = arith.constant 1 : i32
    %scan3A_7 = scf.for %scan3A_9 = %scan3A_3 to %scan3A_5 step %scan3A_6 iter_args(%scan3A_10 = %scan3A) -> (i32)  : i32 {
      %mul3A_11 = arith.constant 32 : i32
      %mul3A_12 = arith.muli %scan3A_9, %mul3A_11 : i32
      %mul3A_13 = arith.constant 32 : i32
      %mul3A_14 = arith.muli %scan3A_9, %mul3A_13 : i32
      %add3A_15 = arith.constant 16 : i32
      %add3A_16 = arith.addi %mul3A_14, %add3A_15 : i32
      %get3A = arith.constant 0 : i32
      %get3A_17 = arith.index_cast %get3A : i32 to index
      %get3A_18 = arith.index_cast %mul3A_12 : i32 to index
      %get3A_19 = tpu.vector_load %arg5[%get3A_17, %get3A_18] {strides = array<i32>} : memref<64x512xf32, #tpu.memory_space<vmem>>, vector<1x16xf32>,
      %get3A_20 = vector.shape_cast %get3A_19 : vector<1x16xf32> to vector<16xf32>
      %get3A_21 = arith.constant 0 : i32
      %get3A_22 = arith.index_cast %get3A_21 : i32 to index
      %get3A_23 = arith.index_cast %add3A_16 : i32 to index
      %get3A_24 = tpu.vector_load %arg5[%get3A_22, %get3A_23] {strides = array<i32>} : memref<64x512xf32, #tpu.memory_space<vmem>>, vector<1x16xf32>,
      %get3A_25 = vector.shape_cast %get3A_24 : vector<1x16xf32> to vector<16xf32>
      %broadcast_in_dim3A = arith.constant 0 : i32
      %broadcast_in_dim3A_26 = vector.broadcast %broadcast_in_dim3A : i32 to vector<16xi32>
      %broadcast_in_dim3A_27 = arith.constant 0 : i32
      %broadcast_in_dim3A_28 = vector.broadcast %broadcast_in_dim3A_27 : i32 to vector<16xi32>
      %broadcast_in_dim3A_29 = arith.constant 0xFF800000 : f32
      %broadcast_in_dim3A_30 = vector.broadcast %broadcast_in_dim3A_29 : f32 to vector<16xf32>
      %broadcast_in_dim3A_31 = arith.constant 0xFF800000 : f32
      %broadcast_in_dim3A_32 = vector.broadcast %broadcast_in_dim3A_31 : f32 to vector<16xf32>
      %broadcast_in_dim3A_33 = arith.constant 0 : i32
      %broadcast_in_dim3A_34 = vector.broadcast %broadcast_in_dim3A_33 : i32 to vector<16xi32>
      %broadcast_in_dim3A_35 = arith.constant 0 : i32
      %broadcast_in_dim3A_36 = vector.broadcast %broadcast_in_dim3A_35 : i32 to vector<16xi32>
      %broadcast_in_dim3A_37 = arith.constant 1 : i32
      %broadcast_in_dim3A_38 = vector.broadcast %broadcast_in_dim3A_37 : i32 to vector<16xi32>
      %get3A_39 = arith.constant 1 : i32
      %get3A_40 = arith.index_cast %get3A_39 : i32 to index
      %get3A_41 = arith.index_cast %mul3A_12 : i32 to index
      %get3A_42 = tpu.vector_load %arg5[%get3A_40, %get3A_41] {strides = array<i32>} : memref<64x512xf32, #tpu.memory_space<vmem>>, vector<1x16xf32>,
      %get3A_43 = vector.shape_cast %get3A_42 : vector<1x16xf32> to vector<16xf32>
      %gt3A = arith.cmpf ogt, %get3A_43, %get3A_20 : vector<16xf32>
      %gt3A_44 = arith.cmpf ogt, %get3A_43, %broadcast_in_dim3A_30 : vector<16xf32>
      %select_n3A = arith.select %gt3A_44, %get3A_43, %broadcast_in_dim3A_30 : vector<16xi1>, vector<16xf32>
      %select_n3A_45 = arith.select %gt3A, %get3A_20, %select_n3A : vector<16xi1>, vector<16xf32>
      %select_n3A_46 = arith.select %gt3A_44, %broadcast_in_dim3A_38, %broadcast_in_dim3A_34 : vector<16xi1>, vector<16xi32>
      %select_n3A_47 = arith.select %gt3A, %broadcast_in_dim3A_26, %select_n3A_46 : vector<16xi1>, vector<16xi32>
      %max3A = arith.maximumf %get3A_20, %get3A_43 : vector<16xf32>
      %select_n3A_48 = arith.select %gt3A, %broadcast_in_dim3A_38, %broadcast_in_dim3A_26 : vector<16xi1>, vector<16xi32>
      %get3A_49 = arith.constant 1 : i32
      %get3A_50 = arith.index_cast %get3A_49 : i32 to index
      %get3A_51 = arith.index_cast %add3A_16 : i32 to index
      %get3A_52 = tpu.vector_load %arg5[%get3A_50, %get3A_51] {strides = array<i32>} : memref<64x512xf32, #tpu.memory_space<vmem>>, vector<1x16xf32>,
      %get3A_53 = vector.shape_cast %get3A_52 : vector<1x16xf32> to vector<16xf32>
      %gt3A_54 = arith.cmpf ogt, %get3A_53, %get3A_25 : vector<16xf32>
      %gt3A_55 = arith.cmpf ogt, %get3A_53, %broadcast_in_dim3A_32 : vector<16xf32>
      %select_n3A_56 = arith.select %gt3A_55, %get3A_53, %broadcast_in_dim3A_32 : vector<16xi1>, vector<16xf32>
      %select_n3A_57 = arith.select %gt3A_54, %get3A_25, %select_n3A_56 : vector<16xi1>, vector<16xf32>
      %select_n3A_58 = arith.select %gt3A_55, %broadcast_in_dim3A_38, %broadcast_in_dim3A_36 : vector<16xi1>, vector<16xi32>
      %select_n3A_59 = arith.select %gt3A_54, %broadcast_in_dim3A_28, %select_n3A_58 : vector<16xi1>, vector<16xi32>
      %max3A_60 = arith.maximumf %get3A_25, %get3A_53 : vector<16xf32>
      %select_n3A_61 = arith.select %gt3A_54, %broadcast_in_dim3A_38, %broadcast_in_dim3A_28 : vector<16xi1>, vector<16xi32>
      %broadcast_in_dim3A_62 = arith.constant 2 : i32
      %broadcast_in_dim3A_63 = vector.broadcast %broadcast_in_dim3A_62 : i32 to vector<16xi32>
      %get3A_64 = arith.constant 2 : i32
      %get3A_65 = arith.index_cast %get3A_64 : i32 to index
      %get3A_66 = arith.index_cast %mul3A_12 : i32 to index
      %get3A_67 = tpu.vector_load %arg5[%get3A_65, %get3A_66] {strides = array<i32>} : memref<64x512xf32, #tpu.memory_space<vmem>>, vector<1x16xf32>,
      %get3A_68 = vector.shape_cast %get3A_67 : vector<1x16xf32> to vector<16xf32>
      %gt3A_69 = arith.cmpf ogt, %get3A_68, %max3A : vector<16xf32>
      %gt3A_70 = arith.cmpf ogt, %get3A_68, %select_n3A_45 : vector<16xf32>
      %select_n3A_71 = arith.select %gt3A_70, %get3A_68, %select_n3A_45 : vector<16xi1>, vector<16xf32>
      %select_n3A_72 = arith.select %gt3A_69, %max3A, %select_n3A_71 : vector<16xi1>, vector<16xf32>
      %select_n3A_73 = arith.select %gt3A_70, %broadcast_in_dim3A_63, %select_n3A_47 : vector<16xi1>, vector<16xi32>
      %select_n3A_74 = arith.select %gt3A_69, %select_n3A_48, %select_n3A_73 : vector<16xi1>, vector<16xi32>
      %max3A_75 = arith.maximumf %max3A, %get3A_68 : vector<16xf32>
      %select_n3A_76 = arith.select %gt3A_69, %broadcast_in_dim3A_63, %select_n3A_48 : vector<16xi1>, vector<16xi32>
      %get3A_77 = arith.constant 2 : i32
      %get3A_78 = arith.index_cast %get3A_77 : i32 to index
      %get3A_79 = arith.index_cast %add3A_16 : i32 to index
      %get3A_80 = tpu.vector_load %arg5[%get3A_78, %get3A_79] {strides = array<i32>} : memref<64x512xf32, #tpu.memory_space<vmem>>, vector<1x16xf32>,
      %get3A_81 = vector.shape_cast %get3A_80 : vector<1x16xf32> to vector<16xf32>
      %gt3A_82 = arith.cmpf ogt, %get3A_81, %max3A_60 : vector<16xf32>
      %gt3A_83 = arith.cmpf ogt, %get3A_81, %select_n3A_57 : vector<16xf32>
      %select_n3A_84 = arith.select %gt3A_83, %get3A_81, %select_n3A_57 : vector<16xi1>, vector<16xf32>
      %select_n3A_85 = arith.select %gt3A_82, %max3A_60, %select_n3A_84 : vector<16xi1>, vector<16xf32>
      %select_n3A_86 = arith.select %gt3A_83, %broadcast_in_dim3A_63, %select_n3A_59 : vector<16xi1>, vector<16xi32>
      %select_n3A_87 = arith.select %gt3A_82, %select_n3A_61, %select_n3A_86 : vector<16xi1>, vector<16xi32>
      %max3A_88 = arith.maximumf %max3A_60, %get3A_81 : vector<16xf32>
      %select_n3A_89 = arith.select %gt3A_82, %broadcast_in_dim3A_63, %select_n3A_61 : vector<16xi1>, vector<16xi32>
      %broadcast_in_dim3A_90 = arith.constant 3 : i32
      %broadcast_in_dim3A_91 = vector.broadcast %broadcast_in_dim3A_90 : i32 to vector<16xi32>
      %get3A_92 = arith.constant 3 : i32
      %get3A_93 = arith.index_cast %get3A_92 : i32 to index
      %get3A_94 = arith.index_cast %mul3A_12 : i32 to index
      %get3A_95 = tpu.vector_load %arg5[%get3A_93, %get3A_94] {strides = array<i32>} : memref<64x512xf32, #tpu.memory_space<vmem>>, vector<1x16xf32>,
      %get3A_96 = vector.shape_cast %get3A_95 : vector<1x16xf32> to vector<16xf32>
      %gt3A_97 = arith.cmpf ogt, %get3A_96, %max3A_75 : vector<16xf32>
      %gt3A_98 = arith.cmpf ogt, %get3A_96, %select_n3A_72 : vector<16xf32>
      %select_n3A_99 = arith.select %gt3A_98, %get3A_96, %select_n3A_72 : vector<16xi1>, vector<16xf32>
      %select_n3A_100 = arith.select %gt3A_97, %max3A_75, %select_n3A_99 : vector<16xi1>, vector<16xf32>
      %select_n3A_101 = arith.select %gt3A_98, %broadcast_in_dim3A_91, %select_n3A_74 : vector<16xi1>, vector<16xi32>
      %select_n3A_102 = arith.select %gt3A_97, %select_n3A_76, %select_n3A_101 : vector<16xi1>, vector<16xi32>
      %max3A_103 = arith.maximumf %max3A_75, %get3A_96 : vector<16xf32>
      %select_n3A_104 = arith.select %gt3A_97, %broadcast_in_dim3A_91, %select_n3A_76 : vector<16xi1>, vector<16xi32>
      %get3A_105 = arith.constant 3 : i32
      %get3A_106 = arith.index_cast %get3A_105 : i32 to index
      %get3A_107 = arith.index_cast %add3A_16 : i32 to index
      %get3A_108 = tpu.vector_load %arg5[%get3A_106, %get3A_107] {strides = array<i32>} : memref<64x512xf32, #tpu.memory_space<vmem>>, vector<1x16xf32>,
      %get3A_109 = vector.shape_cast %get3A_108 : vector<1x16xf32> to vector<16xf32>
      %gt3A_110 = arith.cmpf ogt, %get3A_109, %max3A_88 : vector<16xf32>
      %gt3A_111 = arith.cmpf ogt, %get3A_109, %select_n3A_85 : vector<16xf32>
      %select_n3A_112 = arith.select %gt3A_111, %get3A_109, %select_n3A_85 : vector<16xi1>, vector<16xf32>
      %select_n3A_113 = arith.select %gt3A_110, %max3A_88, %select_n3A_112 : vector<16xi1>, vector<16xf32>
      %select_n3A_114 = arith.select %gt3A_111, %broadcast_in_dim3A_91, %select_n3A_87 : vector<16xi1>, vector<16xi32>
      %select_n3A_115 = arith.select %gt3A_110, %select_n3A_89, %select_n3A_114 : vector<16xi1>, vector<16xi32>
      %max3A_116 = arith.maximumf %max3A_88, %get3A_109 : vector<16xf32>
      %select_n3A_117 = arith.select %gt3A_110, %broadcast_in_dim3A_91, %select_n3A_89 : vector<16xi1>, vector<16xi32>
      %broadcast_in_dim3A_118 = arith.constant 4 : i32
      %broadcast_in_dim3A_119 = vector.broadcast %broadcast_in_dim3A_118 : i32 to vector<16xi32>
      %get3A_120 = arith.constant 4 : i32
      %get3A_121 = arith.index_cast %get3A_120 : i32 to index
      %get3A_122 = arith.index_cast %mul3A_12 : i32 to index
      %get3A_123 = tpu.vector_load %arg5[%get3A_121, %get3A_122] {strides = array<i32>} : memref<64x512xf32, #tpu.memory_space<vmem>>, vector<1x16xf32>,
      %get3A_124 = vector.shape_cast %get3A_123 : vector<1x16xf32> to vector<16xf32>
      %gt3A_125 = arith.cmpf ogt, %get3A_124, %max3A_103 : vector<16xf32>
      %gt3A_126 = arith.cmpf ogt, %get3A_124, %select_n3A_100 : vector<16xf32>
      %select_n3A_127 = arith.select %gt3A_126, %get3A_124, %select_n3A_100 : vector<16xi1>, vector<16xf32>
      %select_n3A_128 = arith.select %gt3A_125, %max3A_103, %select_n3A_127 : vector<16xi1>, vector<16xf32>
      %select_n3A_129 = arith.select %gt3A_126, %broadcast_in_dim3A_119, %select_n3A_102 : vector<16xi1>, vector<16xi32>
      %select_n3A_130 = arith.select %gt3A_125, %select_n3A_104, %select_n3A_129 : vector<16xi1>, vector<16xi32>
      %max3A_131 = arith.maximumf %max3A_103, %get3A_124 : vector<16xf32>
      %select_n3A_132 = arith.select %gt3A_125, %broadcast_in_dim3A_119, %select_n3A_104 : vector<16xi1>, vector<16xi32>
      %get3A_133 = arith.constant 4 : i32
      %get3A_134 = arith.index_cast %get3A_133 : i32 to index
      %get3A_135 = arith.index_cast %add3A_16 : i32 to index
      %get3A_136 = tpu.vector_load %arg5[%get3A_134, %get3A_135] {strides = array<i32>} : memref<64x512xf32, #tpu.memory_space<vmem>>, vector<1x16xf32>,
      %get3A_137 = vector.shape_cast %get3A_136 : vector<1x16xf32> to vector<16xf32>
      %gt3A_138 = arith.cmpf ogt, %get3A_137, %max3A_116 : vector<16xf32>
      %gt3A_139 = arith.cmpf ogt, %get3A_137, %select_n3A_113 : vector<16xf32>
      %select_n3A_140 = arith.select %gt3A_139, %get3A_137, %select_n3A_113 : vector<16xi1>, vector<16xf32>
      %select_n3A_141 = arith.select %gt3A_138, %max3A_116, %select_n3A_140 : vector<16xi1>, vector<16xf32>
      %select_n3A_142 = arith.select %gt3A_139, %broadcast_in_dim3A_119, %select_n3A_115 : vector<16xi1>, vector<16xi32>
      %select_n3A_143 = arith.select %gt3A_138, %select_n3A_117, %select_n3A_142 : vector<16xi1>, vector<16xi32>
      %max3A_144 = arith.maximumf %max3A_116, %get3A_137 : vector<16xf32>
      %select_n3A_145 = arith.select %gt3A_138, %broadcast_in_dim3A_119, %select_n3A_117 : vector<16xi1>, vector<16xi32>
      %broadcast_in_dim3A_146 = arith.constant 5 : i32
      %broadcast_in_dim3A_147 = vector.broadcast %broadcast_in_dim3A_146 : i32 to vector<16xi32>
      %get3A_148 = arith.constant 5 : i32
      %get3A_149 = arith.index_cast %get3A_148 : i32 to index
      %get3A_150 = arith.index_cast %mul3A_12 : i32 to index
      %get3A_151 = tpu.vector_load %arg5[%get3A_149, %get3A_150] {strides = array<i32>} : memref<64x512xf32, #tpu.memory_space<vmem>>, vector<1x16xf32>,
      %get3A_152 = vector.shape_cast %get3A_151 : vector<1x16xf32> to vector<16xf32>
      %gt3A_153 = arith.cmpf ogt, %get3A_152, %max3A_131 : vector<16xf32>
      %gt3A_154 = arith.cmpf ogt, %get3A_152, %select_n3A_128 : vector<16xf32>
      %select_n3A_155 = arith.select %gt3A_154, %get3A_152, %select_n3A_128 : vector<16xi1>, vector<16xf32>
      %select_n3A_156 = arith.select %gt3A_153, %max3A_131, %select_n3A_155 : vector<16xi1>, vector<16xf32>
      %select_n3A_157 = arith.select %gt3A_154, %broadcast_in_dim3A_147, %select_n3A_130 : vector<16xi1>, vector<16xi32>
      %select_n3A_158 = arith.select %gt3A_153, %select_n3A_132, %select_n3A_157 : vector<16xi1>, vector<16xi32>
      %max3A_159 = arith.maximumf %max3A_131, %get3A_152 : vector<16xf32>
      %select_n3A_160 = arith.select %gt3A_153, %broadcast_in_dim3A_147, %select_n3A_132 : vector<16xi1>, vector<16xi32>
      %get3A_161 = arith.constant 5 : i32
      %get3A_162 = arith.index_cast %get3A_161 : i32 to index
      %get3A_163 = arith.index_cast %add3A_16 : i32 to index
      %get3A_164 = tpu.vector_load %arg5[%get3A_162, %get3A_163] {strides = array<i32>} : memref<64x512xf32, #tpu.memory_space<vmem>>, vector<1x16xf32>,
      %get3A_165 = vector.shape_cast %get3A_164 : vector<1x16xf32> to vector<16xf32>
      %gt3A_166 = arith.cmpf ogt, %get3A_165, %max3A_144 : vector<16xf32>
      %gt3A_167 = arith.cmpf ogt, %get3A_165, %select_n3A_141 : vector<16xf32>
      %select_n3A_168 = arith.select %gt3A_167, %get3A_165, %select_n3A_141 : vector<16xi1>, vector<16xf32>
      %select_n3A_169 = arith.select %gt3A_166, %max3A_144, %select_n3A_168 : vector<16xi1>, vector<16xf32>
      %select_n3A_170 = arith.select %gt3A_167, %broadcast_in_dim3A_147, %select_n3A_143 : vector<16xi1>, vector<16xi32>
      %select_n3A_171 = arith.select %gt3A_166, %select_n3A_145, %select_n3A_170 : vector<16xi1>, vector<16xi32>
      %max3A_172 = arith.maximumf %max3A_144, %get3A_165 : vector<16xf32>
      %select_n3A_173 = arith.select %gt3A_166, %broadcast_in_dim3A_147, %select_n3A_145 : vector<16xi1>, vector<16xi32>
      %broadcast_in_dim3A_174 = arith.constant 6 : i32
      %broadcast_in_dim3A_175 = vector.broadcast %broadcast_in_dim3A_174 : i32 to vector<16xi32>
      %get3A_176 = arith.constant 6 : i32
      %get3A_177 = arith.index_cast %get3A_176 : i32 to index
      %get3A_178 = arith.index_cast %mul3A_12 : i32 to index
      %get3A_179 = tpu.vector_load %arg5[%get3A_177, %get3A_178] {strides = array<i32>} : memref<64x512xf32, #tpu.memory_space<vmem>>, vector<1x16xf32>,
      %get3A_180 = vector.shape_cast %get3A_179 : vector<1x16xf32> to vector<16xf32>
      %gt3A_181 = arith.cmpf ogt, %get3A_180, %max3A_159 : vector<16xf32>
      %gt3A_182 = arith.cmpf ogt, %get3A_180, %select_n3A_156 : vector<16xf32>
      %select_n3A_183 = arith.select %gt3A_182, %get3A_180, %select_n3A_156 : vector<16xi1>, vector<16xf32>
      %select_n3A_184 = arith.select %gt3A_181, %max3A_159, %select_n3A_183 : vector<16xi1>, vector<16xf32>
      %select_n3A_185 = arith.select %gt3A_182, %broadcast_in_dim3A_175, %select_n3A_158 : vector<16xi1>, vector<16xi32>
      %select_n3A_186 = arith.select %gt3A_181, %select_n3A_160, %select_n3A_185 : vector<16xi1>, vector<16xi32>
      %max3A_187 = arith.maximumf %max3A_159, %get3A_180 : vector<16xf32>
      %select_n3A_188 = arith.select %gt3A_181, %broadcast_in_dim3A_175, %select_n3A_160 : vector<16xi1>, vector<16xi32>
      %get3A_189 = arith.constant 6 : i32
      %get3A_190 = arith.index_cast %get3A_189 : i32 to index
      %get3A_191 = arith.index_cast %add3A_16 : i32 to index
      %get3A_192 = tpu.vector_load %arg5[%get3A_190, %get3A_191] {strides = array<i32>} : memref<64x512xf32, #tpu.memory_space<vmem>>, vector<1x16xf32>,
      %get3A_193 = vector.shape_cast %get3A_192 : vector<1x16xf32> to vector<16xf32>
      %gt3A_194 = arith.cmpf ogt, %get3A_193, %max3A_172 : vector<16xf32>
      %gt3A_195 = arith.cmpf ogt, %get3A_193, %select_n3A_169 : vector<16xf32>
      %select_n3A_196 = arith.select %gt3A_195, %get3A_193, %select_n3A_169 : vector<16xi1>, vector<16xf32>
      %select_n3A_197 = arith.select %gt3A_194, %max3A_172, %select_n3A_196 : vector<16xi1>, vector<16xf32>
      %select_n3A_198 = arith.select %gt3A_195, %broadcast_in_dim3A_175, %select_n3A_171 : vector<16xi1>, vector<16xi32>
      %select_n3A_199 = arith.select %gt3A_194, %select_n3A_173, %select_n3A_198 : vector<16xi1>, vector<16xi32>
      %max3A_200 = arith.maximumf %max3A_172, %get3A_193 : vector<16xf32>
      %select_n3A_201 = arith.select %gt3A_194, %broadcast_in_dim3A_175, %select_n3A_173 : vector<16xi1>, vector<16xi32>
      %broadcast_in_dim3A_202 = arith.constant 7 : i32
      %broadcast_in_dim3A_203 = vector.broadcast %broadcast_in_dim3A_202 : i32 to vector<16xi32>
      %get3A_204 = arith.constant 7 : i32
      %get3A_205 = arith.index_cast %get3A_204 : i32 to index
      %get3A_206 = arith.index_cast %mul3A_12 : i32 to index
      %get3A_207 = tpu.vector_load %arg5[%get3A_205, %get3A_206] {strides = array<i32>} : memref<64x512xf32, #tpu.memory_space<vmem>>, vector<1x16xf32>,
      %get3A_208 = vector.shape_cast %get3A_207 : vector<1x16xf32> to vector<16xf32>
      %gt3A_209 = arith.cmpf ogt, %get3A_208, %max3A_187 : vector<16xf32>
      %gt3A_210 = arith.cmpf ogt, %get3A_208, %select_n3A_184 : vector<16xf32>
      %select_n3A_211 = arith.select %gt3A_210, %get3A_208, %select_n3A_184 : vector<16xi1>, vector<16xf32>
      %select_n3A_212 = arith.select %gt3A_209, %max3A_187, %select_n3A_211 : vector<16xi1>, vector<16xf32>
      %select_n3A_213 = arith.select %gt3A_210, %broadcast_in_dim3A_203, %select_n3A_186 : vector<16xi1>, vector<16xi32>
      %select_n3A_214 = arith.select %gt3A_209, %select_n3A_188, %select_n3A_213 : vector<16xi1>, vector<16xi32>
      %max3A_215 = arith.maximumf %max3A_187, %get3A_208 : vector<16xf32>
      %select_n3A_216 = arith.select %gt3A_209, %broadcast_in_dim3A_203, %select_n3A_188 : vector<16xi1>, vector<16xi32>
      %get3A_217 = arith.constant 7 : i32
      %get3A_218 = arith.index_cast %get3A_217 : i32 to index
      %get3A_219 = arith.index_cast %add3A_16 : i32 to index
      %get3A_220 = tpu.vector_load %arg5[%get3A_218, %get3A_219] {strides = array<i32>} : memref<64x512xf32, #tpu.memory_space<vmem>>, vector<1x16xf32>,
      %get3A_221 = vector.shape_cast %get3A_220 : vector<1x16xf32> to vector<16xf32>
      %gt3A_222 = arith.cmpf ogt, %get3A_221, %max3A_200 : vector<16xf32>
      %gt3A_223 = arith.cmpf ogt, %get3A_221, %select_n3A_197 : vector<16xf32>
      %select_n3A_224 = arith.select %gt3A_223, %get3A_221, %select_n3A_197 : vector<16xi1>, vector<16xf32>
      %select_n3A_225 = arith.select %gt3A_222, %max3A_200, %select_n3A_224 : vector<16xi1>, vector<16xf32>
      %select_n3A_226 = arith.select %gt3A_223, %broadcast_in_dim3A_203, %select_n3A_199 : vector<16xi1>, vector<16xi32>
      %select_n3A_227 = arith.select %gt3A_222, %select_n3A_201, %select_n3A_226 : vector<16xi1>, vector<16xi32>
      %max3A_228 = arith.maximumf %max3A_200, %get3A_221 : vector<16xf32>
      %select_n3A_229 = arith.select %gt3A_222, %broadcast_in_dim3A_203, %select_n3A_201 : vector<16xi1>, vector<16xi32>
      %broadcast_in_dim3A_230 = arith.constant 8 : i32
      %broadcast_in_dim3A_231 = vector.broadcast %broadcast_in_dim3A_230 : i32 to vector<16xi32>
      %get3A_232 = arith.constant 8 : i32
      %get3A_233 = arith.index_cast %get3A_232 : i32 to index
      %get3A_234 = arith.index_cast %mul3A_12 : i32 to index
      %get3A_235 = tpu.vector_load %arg5[%get3A_233, %get3A_234] {strides = array<i32>} : memref<64x512xf32, #tpu.memory_space<vmem>>, vector<1x16xf32>,
      %get3A_236 = vector.shape_cast %get3A_235 : vector<1x16xf32> to vector<16xf32>
      %gt3A_237 = arith.cmpf ogt, %get3A_236, %max3A_215 : vector<16xf32>
      %gt3A_238 = arith.cmpf ogt, %get3A_236, %select_n3A_212 : vector<16xf32>
      %select_n3A_239 = arith.select %gt3A_238, %get3A_236, %select_n3A_212 : vector<16xi1>, vector<16xf32>
      %select_n3A_240 = arith.select %gt3A_237, %max3A_215, %select_n3A_239 : vector<16xi1>, vector<16xf32>
      %select_n3A_241 = arith.select %gt3A_238, %broadcast_in_dim3A_231, %select_n3A_214 : vector<16xi1>, vector<16xi32>
      %select_n3A_242 = arith.select %gt3A_237, %select_n3A_216, %select_n3A_241 : vector<16xi1>, vector<16xi32>
      %max3A_243 = arith.maximumf %max3A_215, %get3A_236 : vector<16xf32>
      %select_n3A_244 = arith.select %gt3A_237, %broadcast_in_dim3A_231, %select_n3A_216 : vector<16xi1>, vector<16xi32>
      %get3A_245 = arith.constant 8 : i32
      %get3A_246 = arith.index_cast %get3A_245 : i32 to index
      %get3A_247 = arith.index_cast %add3A_16 : i32 to index
      %get3A_248 = tpu.vector_load %arg5[%get3A_246, %get3A_247] {strides = array<i32>} : memref<64x512xf32, #tpu.memory_space<vmem>>, vector<1x16xf32>,
      %get3A_249 = vector.shape_cast %get3A_248 : vector<1x16xf32> to vector<16xf32>
      %gt3A_250 = arith.cmpf ogt, %get3A_249, %max3A_228 : vector<16xf32>
      %gt3A_251 = arith.cmpf ogt, %get3A_249, %select_n3A_225 : vector<16xf32>
      %select_n3A_252 = arith.select %gt3A_251, %get3A_249, %select_n3A_225 : vector<16xi1>, vector<16xf32>
      %select_n3A_253 = arith.select %gt3A_250, %max3A_228, %select_n3A_252 : vector<16xi1>, vector<16xf32>
      %select_n3A_254 = arith.select %gt3A_251, %broadcast_in_dim3A_231, %select_n3A_227 : vector<16xi1>, vector<16xi32>
      %select_n3A_255 = arith.select %gt3A_250, %select_n3A_229, %select_n3A_254 : vector<16xi1>, vector<16xi32>
      %max3A_256 = arith.maximumf %max3A_228, %get3A_249 : vector<16xf32>
      %select_n3A_257 = arith.select %gt3A_250, %broadcast_in_dim3A_231, %select_n3A_229 : vector<16xi1>, vector<16xi32>
      %broadcast_in_dim3A_258 = arith.constant 9 : i32
      %broadcast_in_dim3A_259 = vector.broadcast %broadcast_in_dim3A_258 : i32 to vector<16xi32>
      %get3A_260 = arith.constant 9 : i32
      %get3A_261 = arith.index_cast %get3A_260 : i32 to index
      %get3A_262 = arith.index_cast %mul3A_12 : i32 to index
      %get3A_263 = tpu.vector_load %arg5[%get3A_261, %get3A_262] {strides = array<i32>} : memref<64x512xf32, #tpu.memory_space<vmem>>, vector<1x16xf32>,
      %get3A_264 = vector.shape_cast %get3A_263 : vector<1x16xf32> to vector<16xf32>
      %gt3A_265 = arith.cmpf ogt, %get3A_264, %max3A_243 : vector<16xf32>
      %gt3A_266 = arith.cmpf ogt, %get3A_264, %select_n3A_240 : vector<16xf32>
      %select_n3A_267 = arith.select %gt3A_266, %get3A_264, %select_n3A_240 : vector<16xi1>, vector<16xf32>
      %select_n3A_268 = arith.select %gt3A_265, %max3A_243, %select_n3A_267 : vector<16xi1>, vector<16xf32>
      %select_n3A_269 = arith.select %gt3A_266, %broadcast_in_dim3A_259, %select_n3A_242 : vector<16xi1>, vector<16xi32>
      %select_n3A_270 = arith.select %gt3A_265, %select_n3A_244, %select_n3A_269 : vector<16xi1>, vector<16xi32>
      %max3A_271 = arith.maximumf %max3A_243, %get3A_264 : vector<16xf32>
      %select_n3A_272 = arith.select %gt3A_265, %broadcast_in_dim3A_259, %select_n3A_244 : vector<16xi1>, vector<16xi32>
      %get3A_273 = arith.constant 9 : i32
      %get3A_274 = arith.index_cast %get3A_273 : i32 to index
      %get3A_275 = arith.index_cast %add3A_16 : i32 to index
      %get3A_276 = tpu.vector_load %arg5[%get3A_274, %get3A_275] {strides = array<i32>} : memref<64x512xf32, #tpu.memory_space<vmem>>, vector<1x16xf32>,
      %get3A_277 = vector.shape_cast %get3A_276 : vector<1x16xf32> to vector<16xf32>
      %gt3A_278 = arith.cmpf ogt, %get3A_277, %max3A_256 : vector<16xf32>
      %gt3A_279 = arith.cmpf ogt, %get3A_277, %select_n3A_253 : vector<16xf32>
      %select_n3A_280 = arith.select %gt3A_279, %get3A_277, %select_n3A_253 : vector<16xi1>, vector<16xf32>
      %select_n3A_281 = arith.select %gt3A_278, %max3A_256, %select_n3A_280 : vector<16xi1>, vector<16xf32>
      %select_n3A_282 = arith.select %gt3A_279, %broadcast_in_dim3A_259, %select_n3A_255 : vector<16xi1>, vector<16xi32>
      %select_n3A_283 = arith.select %gt3A_278, %select_n3A_257, %select_n3A_282 : vector<16xi1>, vector<16xi32>
      %max3A_284 = arith.maximumf %max3A_256, %get3A_277 : vector<16xf32>
      %select_n3A_285 = arith.select %gt3A_278, %broadcast_in_dim3A_259, %select_n3A_257 : vector<16xi1>, vector<16xi32>
      %broadcast_in_dim3A_286 = arith.constant 10 : i32
      %broadcast_in_dim3A_287 = vector.broadcast %broadcast_in_dim3A_286 : i32 to vector<16xi32>
      %get3A_288 = arith.constant 10 : i32
      %get3A_289 = arith.index_cast %get3A_288 : i32 to index
      %get3A_290 = arith.index_cast %mul3A_12 : i32 to index
      %get3A_291 = tpu.vector_load %arg5[%get3A_289, %get3A_290] {strides = array<i32>} : memref<64x512xf32, #tpu.memory_space<vmem>>, vector<1x16xf32>,
      %get3A_292 = vector.shape_cast %get3A_291 : vector<1x16xf32> to vector<16xf32>
      %gt3A_293 = arith.cmpf ogt, %get3A_292, %max3A_271 : vector<16xf32>
      %gt3A_294 = arith.cmpf ogt, %get3A_292, %select_n3A_268 : vector<16xf32>
      %select_n3A_295 = arith.select %gt3A_294, %get3A_292, %select_n3A_268 : vector<16xi1>, vector<16xf32>
      %select_n3A_296 = arith.select %gt3A_293, %max3A_271, %select_n3A_295 : vector<16xi1>, vector<16xf32>
      %select_n3A_297 = arith.select %gt3A_294, %broadcast_in_dim3A_287, %select_n3A_270 : vector<16xi1>, vector<16xi32>
      %select_n3A_298 = arith.select %gt3A_293, %select_n3A_272, %select_n3A_297 : vector<16xi1>, vector<16xi32>
      %max3A_299 = arith.maximumf %max3A_271, %get3A_292 : vector<16xf32>
      %select_n3A_300 = arith.select %gt3A_293, %broadcast_in_dim3A_287, %select_n3A_272 : vector<16xi1>, vector<16xi32>
      %get3A_301 = arith.constant 10 : i32
      %get3A_302 = arith.index_cast %get3A_301 : i32 to index
      %get3A_303 = arith.index_cast %add3A_16 : i32 to index
      %get3A_304 = tpu.vector_load %arg5[%get3A_302, %get3A_303] {strides = array<i32>} : memref<64x512xf32, #tpu.memory_space<vmem>>, vector<1x16xf32>,
      %get3A_305 = vector.shape_cast %get3A_304 : vector<1x16xf32> to vector<16xf32>
      %gt3A_306 = arith.cmpf ogt, %get3A_305, %max3A_284 : vector<16xf32>
      %gt3A_307 = arith.cmpf ogt, %get3A_305, %select_n3A_281 : vector<16xf32>
      %select_n3A_308 = arith.select %gt3A_307, %get3A_305, %select_n3A_281 : vector<16xi1>, vector<16xf32>
      %select_n3A_309 = arith.select %gt3A_306, %max3A_284, %select_n3A_308 : vector<16xi1>, vector<16xf32>
      %select_n3A_310 = arith.select %gt3A_307, %broadcast_in_dim3A_287, %select_n3A_283 : vector<16xi1>, vector<16xi32>
      %select_n3A_311 = arith.select %gt3A_306, %select_n3A_285, %select_n3A_310 : vector<16xi1>, vector<16xi32>
      %max3A_312 = arith.maximumf %max3A_284, %get3A_305 : vector<16xf32>
      %select_n3A_313 = arith.select %gt3A_306, %broadcast_in_dim3A_287, %select_n3A_285 : vector<16xi1>, vector<16xi32>
      %broadcast_in_dim3A_314 = arith.constant 11 : i32
      %broadcast_in_dim3A_315 = vector.broadcast %broadcast_in_dim3A_314 : i32 to vector<16xi32>
      %get3A_316 = arith.constant 11 : i32
      %get3A_317 = arith.index_cast %get3A_316 : i32 to index
      %get3A_318 = arith.index_cast %mul3A_12 : i32 to index
      %get3A_319 = tpu.vector_load %arg5[%get3A_317, %get3A_318] {strides = array<i32>} : memref<64x512xf32, #tpu.memory_space<vmem>>, vector<1x16xf32>,
      %get3A_320 = vector.shape_cast %get3A_319 : vector<1x16xf32> to vector<16xf32>
      %gt3A_321 = arith.cmpf ogt, %get3A_320, %max3A_299 : vector<16xf32>
      %gt3A_322 = arith.cmpf ogt, %get3A_320, %select_n3A_296 : vector<16xf32>
      %select_n3A_323 = arith.select %gt3A_322, %get3A_320, %select_n3A_296 : vector<16xi1>, vector<16xf32>
      %select_n3A_324 = arith.select %gt3A_321, %max3A_299, %select_n3A_323 : vector<16xi1>, vector<16xf32>
      %select_n3A_325 = arith.select %gt3A_322, %broadcast_in_dim3A_315, %select_n3A_298 : vector<16xi1>, vector<16xi32>
      %select_n3A_326 = arith.select %gt3A_321, %select_n3A_300, %select_n3A_325 : vector<16xi1>, vector<16xi32>
      %max3A_327 = arith.maximumf %max3A_299, %get3A_320 : vector<16xf32>
      %select_n3A_328 = arith.select %gt3A_321, %broadcast_in_dim3A_315, %select_n3A_300 : vector<16xi1>, vector<16xi32>
      %get3A_329 = arith.constant 11 : i32
      %get3A_330 = arith.index_cast %get3A_329 : i32 to index
      %get3A_331 = arith.index_cast %add3A_16 : i32 to index
      %get3A_332 = tpu.vector_load %arg5[%get3A_330, %get3A_331] {strides = array<i32>} : memref<64x512xf32, #tpu.memory_space<vmem>>, vector<1x16xf32>,
      %get3A_333 = vector.shape_cast %get3A_332 : vector<1x16xf32> to vector<16xf32>
      %gt3A_334 = arith.cmpf ogt, %get3A_333, %max3A_312 : vector<16xf32>
      %gt3A_335 = arith.cmpf ogt, %get3A_333, %select_n3A_309 : vector<16xf32>
      %select_n3A_336 = arith.select %gt3A_335, %get3A_333, %select_n3A_309 : vector<16xi1>, vector<16xf32>
      %select_n3A_337 = arith.select %gt3A_334, %max3A_312, %select_n3A_336 : vector<16xi1>, vector<16xf32>
      %select_n3A_338 = arith.select %gt3A_335, %broadcast_in_dim3A_315, %select_n3A_311 : vector<16xi1>, vector<16xi32>
      %select_n3A_339 = arith.select %gt3A_334, %select_n3A_313, %select_n3A_338 : vector<16xi1>, vector<16xi32>
      %max3A_340 = arith.maximumf %max3A_312, %get3A_333 : vector<16xf32>
      %select_n3A_341 = arith.select %gt3A_334, %broadcast_in_dim3A_315, %select_n3A_313 : vector<16xi1>, vector<16xi32>
      %broadcast_in_dim3A_342 = arith.constant 12 : i32
      %broadcast_in_dim3A_343 = vector.broadcast %broadcast_in_dim3A_342 : i32 to vector<16xi32>
      %get3A_344 = arith.constant 12 : i32
      %get3A_345 = arith.index_cast %get3A_344 : i32 to index
      %get3A_346 = arith.index_cast %mul3A_12 : i32 to index
      %get3A_347 = tpu.vector_load %arg5[%get3A_345, %get3A_346] {strides = array<i32>} : memref<64x512xf32, #tpu.memory_space<vmem>>, vector<1x16xf32>,
      %get3A_348 = vector.shape_cast %get3A_347 : vector<1x16xf32> to vector<16xf32>
      %gt3A_349 = arith.cmpf ogt, %get3A_348, %max3A_327 : vector<16xf32>
      %gt3A_350 = arith.cmpf ogt, %get3A_348, %select_n3A_324 : vector<16xf32>
      %select_n3A_351 = arith.select %gt3A_350, %get3A_348, %select_n3A_324 : vector<16xi1>, vector<16xf32>
      %select_n3A_352 = arith.select %gt3A_349, %max3A_327, %select_n3A_351 : vector<16xi1>, vector<16xf32>
      %select_n3A_353 = arith.select %gt3A_350, %broadcast_in_dim3A_343, %select_n3A_326 : vector<16xi1>, vector<16xi32>
      %select_n3A_354 = arith.select %gt3A_349, %select_n3A_328, %select_n3A_353 : vector<16xi1>, vector<16xi32>
      %max3A_355 = arith.maximumf %max3A_327, %get3A_348 : vector<16xf32>
      %select_n3A_356 = arith.select %gt3A_349, %broadcast_in_dim3A_343, %select_n3A_328 : vector<16xi1>, vector<16xi32>
      %get3A_357 = arith.constant 12 : i32
      %get3A_358 = arith.index_cast %get3A_357 : i32 to index
      %get3A_359 = arith.index_cast %add3A_16 : i32 to index
      %get3A_360 = tpu.vector_load %arg5[%get3A_358, %get3A_359] {strides = array<i32>} : memref<64x512xf32, #tpu.memory_space<vmem>>, vector<1x16xf32>,
      %get3A_361 = vector.shape_cast %get3A_360 : vector<1x16xf32> to vector<16xf32>
      %gt3A_362 = arith.cmpf ogt, %get3A_361, %max3A_340 : vector<16xf32>
      %gt3A_363 = arith.cmpf ogt, %get3A_361, %select_n3A_337 : vector<16xf32>
      %select_n3A_364 = arith.select %gt3A_363, %get3A_361, %select_n3A_337 : vector<16xi1>, vector<16xf32>
      %select_n3A_365 = arith.select %gt3A_362, %max3A_340, %select_n3A_364 : vector<16xi1>, vector<16xf32>
      %select_n3A_366 = arith.select %gt3A_363, %broadcast_in_dim3A_343, %select_n3A_339 : vector<16xi1>, vector<16xi32>
      %select_n3A_367 = arith.select %gt3A_362, %select_n3A_341, %select_n3A_366 : vector<16xi1>, vector<16xi32>
      %max3A_368 = arith.maximumf %max3A_340, %get3A_361 : vector<16xf32>
      %select_n3A_369 = arith.select %gt3A_362, %broadcast_in_dim3A_343, %select_n3A_341 : vector<16xi1>, vector<16xi32>
      %broadcast_in_dim3A_370 = arith.constant 13 : i32
      %broadcast_in_dim3A_371 = vector.broadcast %broadcast_in_dim3A_370 : i32 to vector<16xi32>
      %get3A_372 = arith.constant 13 : i32
      %get3A_373 = arith.index_cast %get3A_372 : i32 to index
      %get3A_374 = arith.index_cast %mul3A_12 : i32 to index
      %get3A_375 = tpu.vector_load %arg5[%get3A_373, %get3A_374] {strides = array<i32>} : memref<64x512xf32, #tpu.memory_space<vmem>>, vector<1x16xf32>,
      %get3A_376 = vector.shape_cast %get3A_375 : vector<1x16xf32> to vector<16xf32>
      %gt3A_377 = arith.cmpf ogt, %get3A_376, %max3A_355 : vector<16xf32>
      %gt3A_378 = arith.cmpf ogt, %get3A_376, %select_n3A_352 : vector<16xf32>
      %select_n3A_379 = arith.select %gt3A_378, %get3A_376, %select_n3A_352 : vector<16xi1>, vector<16xf32>
      %select_n3A_380 = arith.select %gt3A_377, %max3A_355, %select_n3A_379 : vector<16xi1>, vector<16xf32>
      %select_n3A_381 = arith.select %gt3A_378, %broadcast_in_dim3A_371, %select_n3A_354 : vector<16xi1>, vector<16xi32>
      %select_n3A_382 = arith.select %gt3A_377, %select_n3A_356, %select_n3A_381 : vector<16xi1>, vector<16xi32>
      %max3A_383 = arith.maximumf %max3A_355, %get3A_376 : vector<16xf32>
      %select_n3A_384 = arith.select %gt3A_377, %broadcast_in_dim3A_371, %select_n3A_356 : vector<16xi1>, vector<16xi32>
      %get3A_385 = arith.constant 13 : i32
      %get3A_386 = arith.index_cast %get3A_385 : i32 to index
      %get3A_387 = arith.index_cast %add3A_16 : i32 to index
      %get3A_388 = tpu.vector_load %arg5[%get3A_386, %get3A_387] {strides = array<i32>} : memref<64x512xf32, #tpu.memory_space<vmem>>, vector<1x16xf32>,
      %get3A_389 = vector.shape_cast %get3A_388 : vector<1x16xf32> to vector<16xf32>
      %gt3A_390 = arith.cmpf ogt, %get3A_389, %max3A_368 : vector<16xf32>
      %gt3A_391 = arith.cmpf ogt, %get3A_389, %select_n3A_365 : vector<16xf32>
      %select_n3A_392 = arith.select %gt3A_391, %get3A_389, %select_n3A_365 : vector<16xi1>, vector<16xf32>
      %select_n3A_393 = arith.select %gt3A_390, %max3A_368, %select_n3A_392 : vector<16xi1>, vector<16xf32>
      %select_n3A_394 = arith.select %gt3A_391, %broadcast_in_dim3A_371, %select_n3A_367 : vector<16xi1>, vector<16xi32>
      %select_n3A_395 = arith.select %gt3A_390, %select_n3A_369, %select_n3A_394 : vector<16xi1>, vector<16xi32>
      %max3A_396 = arith.maximumf %max3A_368, %get3A_389 : vector<16xf32>
      %select_n3A_397 = arith.select %gt3A_390, %broadcast_in_dim3A_371, %select_n3A_369 : vector<16xi1>, vector<16xi32>
      %broadcast_in_dim3A_398 = arith.constant 14 : i32
      %broadcast_in_dim3A_399 = vector.broadcast %broadcast_in_dim3A_398 : i32 to vector<16xi32>
      %get3A_400 = arith.constant 14 : i32
      %get3A_401 = arith.index_cast %get3A_400 : i32 to index
      %get3A_402 = arith.index_cast %mul3A_12 : i32 to index
      %get3A_403 = tpu.vector_load %arg5[%get3A_401, %get3A_402] {strides = array<i32>} : memref<64x512xf32, #tpu.memory_space<vmem>>, vector<1x16xf32>,
      %get3A_404 = vector.shape_cast %get3A_403 : vector<1x16xf32> to vector<16xf32>
      %gt3A_405 = arith.cmpf ogt, %get3A_404, %max3A_383 : vector<16xf32>
      %gt3A_406 = arith.cmpf ogt, %get3A_404, %select_n3A_380 : vector<16xf32>
      %select_n3A_407 = arith.select %gt3A_406, %get3A_404, %select_n3A_380 : vector<16xi1>, vector<16xf32>
      %select_n3A_408 = arith.select %gt3A_405, %max3A_383, %select_n3A_407 : vector<16xi1>, vector<16xf32>
      %select_n3A_409 = arith.select %gt3A_406, %broadcast_in_dim3A_399, %select_n3A_382 : vector<16xi1>, vector<16xi32>
      %select_n3A_410 = arith.select %gt3A_405, %select_n3A_384, %select_n3A_409 : vector<16xi1>, vector<16xi32>
      %max3A_411 = arith.maximumf %max3A_383, %get3A_404 : vector<16xf32>
      %select_n3A_412 = arith.select %gt3A_405, %broadcast_in_dim3A_399, %select_n3A_384 : vector<16xi1>, vector<16xi32>
      %get3A_413 = arith.constant 14 : i32
      %get3A_414 = arith.index_cast %get3A_413 : i32 to index
      %get3A_415 = arith.index_cast %add3A_16 : i32 to index
      %get3A_416 = tpu.vector_load %arg5[%get3A_414, %get3A_415] {strides = array<i32>} : memref<64x512xf32, #tpu.memory_space<vmem>>, vector<1x16xf32>,
      %get3A_417 = vector.shape_cast %get3A_416 : vector<1x16xf32> to vector<16xf32>
      %gt3A_418 = arith.cmpf ogt, %get3A_417, %max3A_396 : vector<16xf32>
      %gt3A_419 = arith.cmpf ogt, %get3A_417, %select_n3A_393 : vector<16xf32>
      %select_n3A_420 = arith.select %gt3A_419, %get3A_417, %select_n3A_393 : vector<16xi1>, vector<16xf32>
      %select_n3A_421 = arith.select %gt3A_418, %max3A_396, %select_n3A_420 : vector<16xi1>, vector<16xf32>
      %select_n3A_422 = arith.select %gt3A_419, %broadcast_in_dim3A_399, %select_n3A_395 : vector<16xi1>, vector<16xi32>
      %select_n3A_423 = arith.select %gt3A_418, %select_n3A_397, %select_n3A_422 : vector<16xi1>, vector<16xi32>
      %max3A_424 = arith.maximumf %max3A_396, %get3A_417 : vector<16xf32>
      %select_n3A_425 = arith.select %gt3A_418, %broadcast_in_dim3A_399, %select_n3A_397 : vector<16xi1>, vector<16xi32>
      %broadcast_in_dim3A_426 = arith.constant 15 : i32
      %broadcast_in_dim3A_427 = vector.broadcast %broadcast_in_dim3A_426 : i32 to vector<16xi32>
      %get3A_428 = arith.constant 15 : i32
      %get3A_429 = arith.index_cast %get3A_428 : i32 to index
      %get3A_430 = arith.index_cast %mul3A_12 : i32 to index
      %get3A_431 = tpu.vector_load %arg5[%get3A_429, %get3A_430] {strides = array<i32>} : memref<64x512xf32, #tpu.memory_space<vmem>>, vector<1x16xf32>,
      %get3A_432 = vector.shape_cast %get3A_431 : vector<1x16xf32> to vector<16xf32>
      %gt3A_433 = arith.cmpf ogt, %get3A_432, %max3A_411 : vector<16xf32>
      %gt3A_434 = arith.cmpf ogt, %get3A_432, %select_n3A_408 : vector<16xf32>
      %select_n3A_435 = arith.select %gt3A_434, %get3A_432, %select_n3A_408 : vector<16xi1>, vector<16xf32>
      %select_n3A_436 = arith.select %gt3A_433, %max3A_411, %select_n3A_435 : vector<16xi1>, vector<16xf32>
      %select_n3A_437 = arith.select %gt3A_434, %broadcast_in_dim3A_427, %select_n3A_410 : vector<16xi1>, vector<16xi32>
      %select_n3A_438 = arith.select %gt3A_433, %select_n3A_412, %select_n3A_437 : vector<16xi1>, vector<16xi32>
      %max3A_439 = arith.maximumf %max3A_411, %get3A_432 : vector<16xf32>
      %select_n3A_440 = arith.select %gt3A_433, %broadcast_in_dim3A_427, %select_n3A_412 : vector<16xi1>, vector<16xi32>
      %get3A_441 = arith.constant 15 : i32
      %get3A_442 = arith.index_cast %get3A_441 : i32 to index
      %get3A_443 = arith.index_cast %add3A_16 : i32 to index
      %get3A_444 = tpu.vector_load %arg5[%get3A_442, %get3A_443] {strides = array<i32>} : memref<64x512xf32, #tpu.memory_space<vmem>>, vector<1x16xf32>,
      %get3A_445 = vector.shape_cast %get3A_444 : vector<1x16xf32> to vector<16xf32>
      %gt3A_446 = arith.cmpf ogt, %get3A_445, %max3A_424 : vector<16xf32>
      %gt3A_447 = arith.cmpf ogt, %get3A_445, %select_n3A_421 : vector<16xf32>
      %select_n3A_448 = arith.select %gt3A_447, %get3A_445, %select_n3A_421 : vector<16xi1>, vector<16xf32>
      %select_n3A_449 = arith.select %gt3A_446, %max3A_424, %select_n3A_448 : vector<16xi1>, vector<16xf32>
      %select_n3A_450 = arith.select %gt3A_447, %broadcast_in_dim3A_427, %select_n3A_423 : vector<16xi1>, vector<16xi32>
      %select_n3A_451 = arith.select %gt3A_446, %select_n3A_425, %select_n3A_450 : vector<16xi1>, vector<16xi32>
      %max3A_452 = arith.maximumf %max3A_424, %get3A_445 : vector<16xf32>
      %select_n3A_453 = arith.select %gt3A_446, %broadcast_in_dim3A_427, %select_n3A_425 : vector<16xi1>, vector<16xi32>
      %broadcast_in_dim3A_454 = arith.constant 16 : i32
      %broadcast_in_dim3A_455 = vector.broadcast %broadcast_in_dim3A_454 : i32 to vector<16xi32>
      %get3A_456 = arith.constant 16 : i32
      %get3A_457 = arith.index_cast %get3A_456 : i32 to index
      %get3A_458 = arith.index_cast %mul3A_12 : i32 to index
      %get3A_459 = tpu.vector_load %arg5[%get3A_457, %get3A_458] {strides = array<i32>} : memref<64x512xf32, #tpu.memory_space<vmem>>, vector<1x16xf32>,
      %get3A_460 = vector.shape_cast %get3A_459 : vector<1x16xf32> to vector<16xf32>
      %gt3A_461 = arith.cmpf ogt, %get3A_460, %max3A_439 : vector<16xf32>
      %gt3A_462 = arith.cmpf ogt, %get3A_460, %select_n3A_436 : vector<16xf32>
      %select_n3A_463 = arith.select %gt3A_462, %get3A_460, %select_n3A_436 : vector<16xi1>, vector<16xf32>
      %select_n3A_464 = arith.select %gt3A_461, %max3A_439, %select_n3A_463 : vector<16xi1>, vector<16xf32>
      %select_n3A_465 = arith.select %gt3A_462, %broadcast_in_dim3A_455, %select_n3A_438 : vector<16xi1>, vector<16xi32>
      %select_n3A_466 = arith.select %gt3A_461, %select_n3A_440, %select_n3A_465 : vector<16xi1>, vector<16xi32>
      %max3A_467 = arith.maximumf %max3A_439, %get3A_460 : vector<16xf32>
      %select_n3A_468 = arith.select %gt3A_461, %broadcast_in_dim3A_455, %select_n3A_440 : vector<16xi1>, vector<16xi32>
      %get3A_469 = arith.constant 16 : i32
      %get3A_470 = arith.index_cast %get3A_469 : i32 to index
      %get3A_471 = arith.index_cast %add3A_16 : i32 to index
      %get3A_472 = tpu.vector_load %arg5[%get3A_470, %get3A_471] {strides = array<i32>} : memref<64x512xf32, #tpu.memory_space<vmem>>, vector<1x16xf32>,
      %get3A_473 = vector.shape_cast %get3A_472 : vector<1x16xf32> to vector<16xf32>
      %gt3A_474 = arith.cmpf ogt, %get3A_473, %max3A_452 : vector<16xf32>
      %gt3A_475 = arith.cmpf ogt, %get3A_473, %select_n3A_449 : vector<16xf32>
      %select_n3A_476 = arith.select %gt3A_475, %get3A_473, %select_n3A_449 : vector<16xi1>, vector<16xf32>
      %select_n3A_477 = arith.select %gt3A_474, %max3A_452, %select_n3A_476 : vector<16xi1>, vector<16xf32>
      %select_n3A_478 = arith.select %gt3A_475, %broadcast_in_dim3A_455, %select_n3A_451 : vector<16xi1>, vector<16xi32>
      %select_n3A_479 = arith.select %gt3A_474, %select_n3A_453, %select_n3A_478 : vector<16xi1>, vector<16xi32>
      %max3A_480 = arith.maximumf %max3A_452, %get3A_473 : vector<16xf32>
      %select_n3A_481 = arith.select %gt3A_474, %broadcast_in_dim3A_455, %select_n3A_453 : vector<16xi1>, vector<16xi32>
      %broadcast_in_dim3A_482 = arith.constant 17 : i32
      %broadcast_in_dim3A_483 = vector.broadcast %broadcast_in_dim3A_482 : i32 to vector<16xi32>
      %get3A_484 = arith.constant 17 : i32
      %get3A_485 = arith.index_cast %get3A_484 : i32 to index
      %get3A_486 = arith.index_cast %mul3A_12 : i32 to index
      %get3A_487 = tpu.vector_load %arg5[%get3A_485, %get3A_486] {strides = array<i32>} : memref<64x512xf32, #tpu.memory_space<vmem>>, vector<1x16xf32>,
      %get3A_488 = vector.shape_cast %get3A_487 : vector<1x16xf32> to vector<16xf32>
      %gt3A_489 = arith.cmpf ogt, %get3A_488, %max3A_467 : vector<16xf32>
      %gt3A_490 = arith.cmpf ogt, %get3A_488, %select_n3A_464 : vector<16xf32>
      %select_n3A_491 = arith.select %gt3A_490, %get3A_488, %select_n3A_464 : vector<16xi1>, vector<16xf32>
      %select_n3A_492 = arith.select %gt3A_489, %max3A_467, %select_n3A_491 : vector<16xi1>, vector<16xf32>
      %select_n3A_493 = arith.select %gt3A_490, %broadcast_in_dim3A_483, %select_n3A_466 : vector<16xi1>, vector<16xi32>
      %select_n3A_494 = arith.select %gt3A_489, %select_n3A_468, %select_n3A_493 : vector<16xi1>, vector<16xi32>
      %max3A_495 = arith.maximumf %max3A_467, %get3A_488 : vector<16xf32>
      %select_n3A_496 = arith.select %gt3A_489, %broadcast_in_dim3A_483, %select_n3A_468 : vector<16xi1>, vector<16xi32>
      %get3A_497 = arith.constant 17 : i32
      %get3A_498 = arith.index_cast %get3A_497 : i32 to index
      %get3A_499 = arith.index_cast %add3A_16 : i32 to index
      %get3A_500 = tpu.vector_load %arg5[%get3A_498, %get3A_499] {strides = array<i32>} : memref<64x512xf32, #tpu.memory_space<vmem>>, vector<1x16xf32>,
      %get3A_501 = vector.shape_cast %get3A_500 : vector<1x16xf32> to vector<16xf32>
      %gt3A_502 = arith.cmpf ogt, %get3A_501, %max3A_480 : vector<16xf32>
      %gt3A_503 = arith.cmpf ogt, %get3A_501, %select_n3A_477 : vector<16xf32>
      %select_n3A_504 = arith.select %gt3A_503, %get3A_501, %select_n3A_477 : vector<16xi1>, vector<16xf32>
      %select_n3A_505 = arith.select %gt3A_502, %max3A_480, %select_n3A_504 : vector<16xi1>, vector<16xf32>
      %select_n3A_506 = arith.select %gt3A_503, %broadcast_in_dim3A_483, %select_n3A_479 : vector<16xi1>, vector<16xi32>
      %select_n3A_507 = arith.select %gt3A_502, %select_n3A_481, %select_n3A_506 : vector<16xi1>, vector<16xi32>
      %max3A_508 = arith.maximumf %max3A_480, %get3A_501 : vector<16xf32>
      %select_n3A_509 = arith.select %gt3A_502, %broadcast_in_dim3A_483, %select_n3A_481 : vector<16xi1>, vector<16xi32>
      %broadcast_in_dim3A_510 = arith.constant 18 : i32
      %broadcast_in_dim3A_511 = vector.broadcast %broadcast_in_dim3A_510 : i32 to vector<16xi32>
      %get3A_512 = arith.constant 18 : i32
      %get3A_513 = arith.index_cast %get3A_512 : i32 to index
      %get3A_514 = arith.index_cast %mul3A_12 : i32 to index
      %get3A_515 = tpu.vector_load %arg5[%get3A_513, %get3A_514] {strides = array<i32>} : memref<64x512xf32, #tpu.memory_space<vmem>>, vector<1x16xf32>,
      %get3A_516 = vector.shape_cast %get3A_515 : vector<1x16xf32> to vector<16xf32>
      %gt3A_517 = arith.cmpf ogt, %get3A_516, %max3A_495 : vector<16xf32>
      %gt3A_518 = arith.cmpf ogt, %get3A_516, %select_n3A_492 : vector<16xf32>
      %select_n3A_519 = arith.select %gt3A_518, %get3A_516, %select_n3A_492 : vector<16xi1>, vector<16xf32>
      %select_n3A_520 = arith.select %gt3A_517, %max3A_495, %select_n3A_519 : vector<16xi1>, vector<16xf32>
      %select_n3A_521 = arith.select %gt3A_518, %broadcast_in_dim3A_511, %select_n3A_494 : vector<16xi1>, vector<16xi32>
      %select_n3A_522 = arith.select %gt3A_517, %select_n3A_496, %select_n3A_521 : vector<16xi1>, vector<16xi32>
      %max3A_523 = arith.maximumf %max3A_495, %get3A_516 : vector<16xf32>
      %select_n3A_524 = arith.select %gt3A_517, %broadcast_in_dim3A_511, %select_n3A_496 : vector<16xi1>, vector<16xi32>
      %get3A_525 = arith.constant 18 : i32
      %get3A_526 = arith.index_cast %get3A_525 : i32 to index
      %get3A_527 = arith.index_cast %add3A_16 : i32 to index
      %get3A_528 = tpu.vector_load %arg5[%get3A_526, %get3A_527] {strides = array<i32>} : memref<64x512xf32, #tpu.memory_space<vmem>>, vector<1x16xf32>,
      %get3A_529 = vector.shape_cast %get3A_528 : vector<1x16xf32> to vector<16xf32>
      %gt3A_530 = arith.cmpf ogt, %get3A_529, %max3A_508 : vector<16xf32>
      %gt3A_531 = arith.cmpf ogt, %get3A_529, %select_n3A_505 : vector<16xf32>
      %select_n3A_532 = arith.select %gt3A_531, %get3A_529, %select_n3A_505 : vector<16xi1>, vector<16xf32>
      %select_n3A_533 = arith.select %gt3A_530, %max3A_508, %select_n3A_532 : vector<16xi1>, vector<16xf32>
      %select_n3A_534 = arith.select %gt3A_531, %broadcast_in_dim3A_511, %select_n3A_507 : vector<16xi1>, vector<16xi32>
      %select_n3A_535 = arith.select %gt3A_530, %select_n3A_509, %select_n3A_534 : vector<16xi1>, vector<16xi32>
      %max3A_536 = arith.maximumf %max3A_508, %get3A_529 : vector<16xf32>
      %select_n3A_537 = arith.select %gt3A_530, %broadcast_in_dim3A_511, %select_n3A_509 : vector<16xi1>, vector<16xi32>
      %broadcast_in_dim3A_538 = arith.constant 19 : i32
      %broadcast_in_dim3A_539 = vector.broadcast %broadcast_in_dim3A_538 : i32 to vector<16xi32>
      %get3A_540 = arith.constant 19 : i32
      %get3A_541 = arith.index_cast %get3A_540 : i32 to index
      %get3A_542 = arith.index_cast %mul3A_12 : i32 to index
      %get3A_543 = tpu.vector_load %arg5[%get3A_541, %get3A_542] {strides = array<i32>} : memref<64x512xf32, #tpu.memory_space<vmem>>, vector<1x16xf32>,
      %get3A_544 = vector.shape_cast %get3A_543 : vector<1x16xf32> to vector<16xf32>
      %gt3A_545 = arith.cmpf ogt, %get3A_544, %max3A_523 : vector<16xf32>
      %gt3A_546 = arith.cmpf ogt, %get3A_544, %select_n3A_520 : vector<16xf32>
      %select_n3A_547 = arith.select %gt3A_546, %get3A_544, %select_n3A_520 : vector<16xi1>, vector<16xf32>
      %select_n3A_548 = arith.select %gt3A_545, %max3A_523, %select_n3A_547 : vector<16xi1>, vector<16xf32>
      %select_n3A_549 = arith.select %gt3A_546, %broadcast_in_dim3A_539, %select_n3A_522 : vector<16xi1>, vector<16xi32>
      %select_n3A_550 = arith.select %gt3A_545, %select_n3A_524, %select_n3A_549 : vector<16xi1>, vector<16xi32>
      %max3A_551 = arith.maximumf %max3A_523, %get3A_544 : vector<16xf32>
      %select_n3A_552 = arith.select %gt3A_545, %broadcast_in_dim3A_539, %select_n3A_524 : vector<16xi1>, vector<16xi32>
      %get3A_553 = arith.constant 19 : i32
      %get3A_554 = arith.index_cast %get3A_553 : i32 to index
      %get3A_555 = arith.index_cast %add3A_16 : i32 to index
      %get3A_556 = tpu.vector_load %arg5[%get3A_554, %get3A_555] {strides = array<i32>} : memref<64x512xf32, #tpu.memory_space<vmem>>, vector<1x16xf32>,
      %get3A_557 = vector.shape_cast %get3A_556 : vector<1x16xf32> to vector<16xf32>
      %gt3A_558 = arith.cmpf ogt, %get3A_557, %max3A_536 : vector<16xf32>
      %gt3A_559 = arith.cmpf ogt, %get3A_557, %select_n3A_533 : vector<16xf32>
      %select_n3A_560 = arith.select %gt3A_559, %get3A_557, %select_n3A_533 : vector<16xi1>, vector<16xf32>
      %select_n3A_561 = arith.select %gt3A_558, %max3A_536, %select_n3A_560 : vector<16xi1>, vector<16xf32>
      %select_n3A_562 = arith.select %gt3A_559, %broadcast_in_dim3A_539, %select_n3A_535 : vector<16xi1>, vector<16xi32>
      %select_n3A_563 = arith.select %gt3A_558, %select_n3A_537, %select_n3A_562 : vector<16xi1>, vector<16xi32>
      %max3A_564 = arith.maximumf %max3A_536, %get3A_557 : vector<16xf32>
      %select_n3A_565 = arith.select %gt3A_558, %broadcast_in_dim3A_539, %select_n3A_537 : vector<16xi1>, vector<16xi32>
      %broadcast_in_dim3A_566 = arith.constant 20 : i32
      %broadcast_in_dim3A_567 = vector.broadcast %broadcast_in_dim3A_566 : i32 to vector<16xi32>
      %get3A_568 = arith.constant 20 : i32
      %get3A_569 = arith.index_cast %get3A_568 : i32 to index
      %get3A_570 = arith.index_cast %mul3A_12 : i32 to index
      %get3A_571 = tpu.vector_load %arg5[%get3A_569, %get3A_570] {strides = array<i32>} : memref<64x512xf32, #tpu.memory_space<vmem>>, vector<1x16xf32>,
      %get3A_572 = vector.shape_cast %get3A_571 : vector<1x16xf32> to vector<16xf32>
      %gt3A_573 = arith.cmpf ogt, %get3A_572, %max3A_551 : vector<16xf32>
      %gt3A_574 = arith.cmpf ogt, %get3A_572, %select_n3A_548 : vector<16xf32>
      %select_n3A_575 = arith.select %gt3A_574, %get3A_572, %select_n3A_548 : vector<16xi1>, vector<16xf32>
      %select_n3A_576 = arith.select %gt3A_573, %max3A_551, %select_n3A_575 : vector<16xi1>, vector<16xf32>
      %select_n3A_577 = arith.select %gt3A_574, %broadcast_in_dim3A_567, %select_n3A_550 : vector<16xi1>, vector<16xi32>
      %select_n3A_578 = arith.select %gt3A_573, %select_n3A_552, %select_n3A_577 : vector<16xi1>, vector<16xi32>
      %max3A_579 = arith.maximumf %max3A_551, %get3A_572 : vector<16xf32>
      %select_n3A_580 = arith.select %gt3A_573, %broadcast_in_dim3A_567, %select_n3A_552 : vector<16xi1>, vector<16xi32>
      %get3A_581 = arith.constant 20 : i32
      %get3A_582 = arith.index_cast %get3A_581 : i32 to index
      %get3A_583 = arith.index_cast %add3A_16 : i32 to index
      %get3A_584 = tpu.vector_load %arg5[%get3A_582, %get3A_583] {strides = array<i32>} : memref<64x512xf32, #tpu.memory_space<vmem>>, vector<1x16xf32>,
      %get3A_585 = vector.shape_cast %get3A_584 : vector<1x16xf32> to vector<16xf32>
      %gt3A_586 = arith.cmpf ogt, %get3A_585, %max3A_564 : vector<16xf32>
      %gt3A_587 = arith.cmpf ogt, %get3A_585, %select_n3A_561 : vector<16xf32>
      %select_n3A_588 = arith.select %gt3A_587, %get3A_585, %select_n3A_561 : vector<16xi1>, vector<16xf32>
      %select_n3A_589 = arith.select %gt3A_586, %max3A_564, %select_n3A_588 : vector<16xi1>, vector<16xf32>
      %select_n3A_590 = arith.select %gt3A_587, %broadcast_in_dim3A_567, %select_n3A_563 : vector<16xi1>, vector<16xi32>
      %select_n3A_591 = arith.select %gt3A_586, %select_n3A_565, %select_n3A_590 : vector<16xi1>, vector<16xi32>
      %max3A_592 = arith.maximumf %max3A_564, %get3A_585 : vector<16xf32>
      %select_n3A_593 = arith.select %gt3A_586, %broadcast_in_dim3A_567, %select_n3A_565 : vector<16xi1>, vector<16xi32>
      %broadcast_in_dim3A_594 = arith.constant 21 : i32
      %broadcast_in_dim3A_595 = vector.broadcast %broadcast_in_dim3A_594 : i32 to vector<16xi32>
      %get3A_596 = arith.constant 21 : i32
      %get3A_597 = arith.index_cast %get3A_596 : i32 to index
      %get3A_598 = arith.index_cast %mul3A_12 : i32 to index
      %get3A_599 = tpu.vector_load %arg5[%get3A_597, %get3A_598] {strides = array<i32>} : memref<64x512xf32, #tpu.memory_space<vmem>>, vector<1x16xf32>,
      %get3A_600 = vector.shape_cast %get3A_599 : vector<1x16xf32> to vector<16xf32>
      %gt3A_601 = arith.cmpf ogt, %get3A_600, %max3A_579 : vector<16xf32>
      %gt3A_602 = arith.cmpf ogt, %get3A_600, %select_n3A_576 : vector<16xf32>
      %select_n3A_603 = arith.select %gt3A_602, %get3A_600, %select_n3A_576 : vector<16xi1>, vector<16xf32>
      %select_n3A_604 = arith.select %gt3A_601, %max3A_579, %select_n3A_603 : vector<16xi1>, vector<16xf32>
      %select_n3A_605 = arith.select %gt3A_602, %broadcast_in_dim3A_595, %select_n3A_578 : vector<16xi1>, vector<16xi32>
      %select_n3A_606 = arith.select %gt3A_601, %select_n3A_580, %select_n3A_605 : vector<16xi1>, vector<16xi32>
      %max3A_607 = arith.maximumf %max3A_579, %get3A_600 : vector<16xf32>
      %select_n3A_608 = arith.select %gt3A_601, %broadcast_in_dim3A_595, %select_n3A_580 : vector<16xi1>, vector<16xi32>
      %get3A_609 = arith.constant 21 : i32
      %get3A_610 = arith.index_cast %get3A_609 : i32 to index
      %get3A_611 = arith.index_cast %add3A_16 : i32 to index
      %get3A_612 = tpu.vector_load %arg5[%get3A_610, %get3A_611] {strides = array<i32>} : memref<64x512xf32, #tpu.memory_space<vmem>>, vector<1x16xf32>,
      %get3A_613 = vector.shape_cast %get3A_612 : vector<1x16xf32> to vector<16xf32>
      %gt3A_614 = arith.cmpf ogt, %get3A_613, %max3A_592 : vector<16xf32>
      %gt3A_615 = arith.cmpf ogt, %get3A_613, %select_n3A_589 : vector<16xf32>
      %select_n3A_616 = arith.select %gt3A_615, %get3A_613, %select_n3A_589 : vector<16xi1>, vector<16xf32>
      %select_n3A_617 = arith.select %gt3A_614, %max3A_592, %select_n3A_616 : vector<16xi1>, vector<16xf32>
      %select_n3A_618 = arith.select %gt3A_615, %broadcast_in_dim3A_595, %select_n3A_591 : vector<16xi1>, vector<16xi32>
      %select_n3A_619 = arith.select %gt3A_614, %select_n3A_593, %select_n3A_618 : vector<16xi1>, vector<16xi32>
      %max3A_620 = arith.maximumf %max3A_592, %get3A_613 : vector<16xf32>
      %select_n3A_621 = arith.select %gt3A_614, %broadcast_in_dim3A_595, %select_n3A_593 : vector<16xi1>, vector<16xi32>
      %broadcast_in_dim3A_622 = arith.constant 22 : i32
      %broadcast_in_dim3A_623 = vector.broadcast %broadcast_in_dim3A_622 : i32 to vector<16xi32>
      %get3A_624 = arith.constant 22 : i32
      %get3A_625 = arith.index_cast %get3A_624 : i32 to index
      %get3A_626 = arith.index_cast %mul3A_12 : i32 to index
      %get3A_627 = tpu.vector_load %arg5[%get3A_625, %get3A_626] {strides = array<i32>} : memref<64x512xf32, #tpu.memory_space<vmem>>, vector<1x16xf32>,
      %get3A_628 = vector.shape_cast %get3A_627 : vector<1x16xf32> to vector<16xf32>
      %gt3A_629 = arith.cmpf ogt, %get3A_628, %max3A_607 : vector<16xf32>
      %gt3A_630 = arith.cmpf ogt, %get3A_628, %select_n3A_604 : vector<16xf32>
      %select_n3A_631 = arith.select %gt3A_630, %get3A_628, %select_n3A_604 : vector<16xi1>, vector<16xf32>
      %select_n3A_632 = arith.select %gt3A_629, %max3A_607, %select_n3A_631 : vector<16xi1>, vector<16xf32>
      %select_n3A_633 = arith.select %gt3A_630, %broadcast_in_dim3A_623, %select_n3A_606 : vector<16xi1>, vector<16xi32>
      %select_n3A_634 = arith.select %gt3A_629, %select_n3A_608, %select_n3A_633 : vector<16xi1>, vector<16xi32>
      %max3A_635 = arith.maximumf %max3A_607, %get3A_628 : vector<16xf32>
      %select_n3A_636 = arith.select %gt3A_629, %broadcast_in_dim3A_623, %select_n3A_608 : vector<16xi1>, vector<16xi32>
      %get3A_637 = arith.constant 22 : i32
      %get3A_638 = arith.index_cast %get3A_637 : i32 to index
      %get3A_639 = arith.index_cast %add3A_16 : i32 to index
      %get3A_640 = tpu.vector_load %arg5[%get3A_638, %get3A_639] {strides = array<i32>} : memref<64x512xf32, #tpu.memory_space<vmem>>, vector<1x16xf32>,
      %get3A_641 = vector.shape_cast %get3A_640 : vector<1x16xf32> to vector<16xf32>
      %gt3A_642 = arith.cmpf ogt, %get3A_641, %max3A_620 : vector<16xf32>
      %gt3A_643 = arith.cmpf ogt, %get3A_641, %select_n3A_617 : vector<16xf32>
      %select_n3A_644 = arith.select %gt3A_643, %get3A_641, %select_n3A_617 : vector<16xi1>, vector<16xf32>
      %select_n3A_645 = arith.select %gt3A_642, %max3A_620, %select_n3A_644 : vector<16xi1>, vector<16xf32>
      %select_n3A_646 = arith.select %gt3A_643, %broadcast_in_dim3A_623, %select_n3A_619 : vector<16xi1>, vector<16xi32>
      %select_n3A_647 = arith.select %gt3A_642, %select_n3A_621, %select_n3A_646 : vector<16xi1>, vector<16xi32>
      %max3A_648 = arith.maximumf %max3A_620, %get3A_641 : vector<16xf32>
      %select_n3A_649 = arith.select %gt3A_642, %broadcast_in_dim3A_623, %select_n3A_621 : vector<16xi1>, vector<16xi32>
      %broadcast_in_dim3A_650 = arith.constant 23 : i32
      %broadcast_in_dim3A_651 = vector.broadcast %broadcast_in_dim3A_650 : i32 to vector<16xi32>
      %get3A_652 = arith.constant 23 : i32
      %get3A_653 = arith.index_cast %get3A_652 : i32 to index
      %get3A_654 = arith.index_cast %mul3A_12 : i32 to index
      %get3A_655 = tpu.vector_load %arg5[%get3A_653, %get3A_654] {strides = array<i32>} : memref<64x512xf32, #tpu.memory_space<vmem>>, vector<1x16xf32>,
      %get3A_656 = vector.shape_cast %get3A_655 : vector<1x16xf32> to vector<16xf32>
      %gt3A_657 = arith.cmpf ogt, %get3A_656, %max3A_635 : vector<16xf32>
      %gt3A_658 = arith.cmpf ogt, %get3A_656, %select_n3A_632 : vector<16xf32>
      %select_n3A_659 = arith.select %gt3A_658, %get3A_656, %select_n3A_632 : vector<16xi1>, vector<16xf32>
      %select_n3A_660 = arith.select %gt3A_657, %max3A_635, %select_n3A_659 : vector<16xi1>, vector<16xf32>
      %select_n3A_661 = arith.select %gt3A_658, %broadcast_in_dim3A_651, %select_n3A_634 : vector<16xi1>, vector<16xi32>
      %select_n3A_662 = arith.select %gt3A_657, %select_n3A_636, %select_n3A_661 : vector<16xi1>, vector<16xi32>
      %max3A_663 = arith.maximumf %max3A_635, %get3A_656 : vector<16xf32>
      %select_n3A_664 = arith.select %gt3A_657, %broadcast_in_dim3A_651, %select_n3A_636 : vector<16xi1>, vector<16xi32>
      %get3A_665 = arith.constant 23 : i32
      %get3A_666 = arith.index_cast %get3A_665 : i32 to index
      %get3A_667 = arith.index_cast %add3A_16 : i32 to index
      %get3A_668 = tpu.vector_load %arg5[%get3A_666, %get3A_667] {strides = array<i32>} : memref<64x512xf32, #tpu.memory_space<vmem>>, vector<1x16xf32>,
      %get3A_669 = vector.shape_cast %get3A_668 : vector<1x16xf32> to vector<16xf32>
      %gt3A_670 = arith.cmpf ogt, %get3A_669, %max3A_648 : vector<16xf32>
      %gt3A_671 = arith.cmpf ogt, %get3A_669, %select_n3A_645 : vector<16xf32>
      %select_n3A_672 = arith.select %gt3A_671, %get3A_669, %select_n3A_645 : vector<16xi1>, vector<16xf32>
      %select_n3A_673 = arith.select %gt3A_670, %max3A_648, %select_n3A_672 : vector<16xi1>, vector<16xf32>
      %select_n3A_674 = arith.select %gt3A_671, %broadcast_in_dim3A_651, %select_n3A_647 : vector<16xi1>, vector<16xi32>
      %select_n3A_675 = arith.select %gt3A_670, %select_n3A_649, %select_n3A_674 : vector<16xi1>, vector<16xi32>
      %max3A_676 = arith.maximumf %max3A_648, %get3A_669 : vector<16xf32>
      %select_n3A_677 = arith.select %gt3A_670, %broadcast_in_dim3A_651, %select_n3A_649 : vector<16xi1>, vector<16xi32>
      %broadcast_in_dim3A_678 = arith.constant 24 : i32
      %broadcast_in_dim3A_679 = vector.broadcast %broadcast_in_dim3A_678 : i32 to vector<16xi32>
      %get3A_680 = arith.constant 24 : i32
      %get3A_681 = arith.index_cast %get3A_680 : i32 to index
      %get3A_682 = arith.index_cast %mul3A_12 : i32 to index
      %get3A_683 = tpu.vector_load %arg5[%get3A_681, %get3A_682] {strides = array<i32>} : memref<64x512xf32, #tpu.memory_space<vmem>>, vector<1x16xf32>,
      %get3A_684 = vector.shape_cast %get3A_683 : vector<1x16xf32> to vector<16xf32>
      %gt3A_685 = arith.cmpf ogt, %get3A_684, %max3A_663 : vector<16xf32>
      %gt3A_686 = arith.cmpf ogt, %get3A_684, %select_n3A_660 : vector<16xf32>
      %select_n3A_687 = arith.select %gt3A_686, %get3A_684, %select_n3A_660 : vector<16xi1>, vector<16xf32>
      %select_n3A_688 = arith.select %gt3A_685, %max3A_663, %select_n3A_687 : vector<16xi1>, vector<16xf32>
      %select_n3A_689 = arith.select %gt3A_686, %broadcast_in_dim3A_679, %select_n3A_662 : vector<16xi1>, vector<16xi32>
      %select_n3A_690 = arith.select %gt3A_685, %select_n3A_664, %select_n3A_689 : vector<16xi1>, vector<16xi32>
      %max3A_691 = arith.maximumf %max3A_663, %get3A_684 : vector<16xf32>
      %select_n3A_692 = arith.select %gt3A_685, %broadcast_in_dim3A_679, %select_n3A_664 : vector<16xi1>, vector<16xi32>
      %get3A_693 = arith.constant 24 : i32
      %get3A_694 = arith.index_cast %get3A_693 : i32 to index
      %get3A_695 = arith.index_cast %add3A_16 : i32 to index
      %get3A_696 = tpu.vector_load %arg5[%get3A_694, %get3A_695] {strides = array<i32>} : memref<64x512xf32, #tpu.memory_space<vmem>>, vector<1x16xf32>,
      %get3A_697 = vector.shape_cast %get3A_696 : vector<1x16xf32> to vector<16xf32>
      %gt3A_698 = arith.cmpf ogt, %get3A_697, %max3A_676 : vector<16xf32>
      %gt3A_699 = arith.cmpf ogt, %get3A_697, %select_n3A_673 : vector<16xf32>
      %select_n3A_700 = arith.select %gt3A_699, %get3A_697, %select_n3A_673 : vector<16xi1>, vector<16xf32>
      %select_n3A_701 = arith.select %gt3A_698, %max3A_676, %select_n3A_700 : vector<16xi1>, vector<16xf32>
      %select_n3A_702 = arith.select %gt3A_699, %broadcast_in_dim3A_679, %select_n3A_675 : vector<16xi1>, vector<16xi32>
      %select_n3A_703 = arith.select %gt3A_698, %select_n3A_677, %select_n3A_702 : vector<16xi1>, vector<16xi32>
      %max3A_704 = arith.maximumf %max3A_676, %get3A_697 : vector<16xf32>
      %select_n3A_705 = arith.select %gt3A_698, %broadcast_in_dim3A_679, %select_n3A_677 : vector<16xi1>, vector<16xi32>
      %broadcast_in_dim3A_706 = arith.constant 25 : i32
      %broadcast_in_dim3A_707 = vector.broadcast %broadcast_in_dim3A_706 : i32 to vector<16xi32>
      %get3A_708 = arith.constant 25 : i32
      %get3A_709 = arith.index_cast %get3A_708 : i32 to index
      %get3A_710 = arith.index_cast %mul3A_12 : i32 to index
      %get3A_711 = tpu.vector_load %arg5[%get3A_709, %get3A_710] {strides = array<i32>} : memref<64x512xf32, #tpu.memory_space<vmem>>, vector<1x16xf32>,
      %get3A_712 = vector.shape_cast %get3A_711 : vector<1x16xf32> to vector<16xf32>
      %gt3A_713 = arith.cmpf ogt, %get3A_712, %max3A_691 : vector<16xf32>
      %gt3A_714 = arith.cmpf ogt, %get3A_712, %select_n3A_688 : vector<16xf32>
      %select_n3A_715 = arith.select %gt3A_714, %get3A_712, %select_n3A_688 : vector<16xi1>, vector<16xf32>
      %select_n3A_716 = arith.select %gt3A_713, %max3A_691, %select_n3A_715 : vector<16xi1>, vector<16xf32>
      %select_n3A_717 = arith.select %gt3A_714, %broadcast_in_dim3A_707, %select_n3A_690 : vector<16xi1>, vector<16xi32>
      %select_n3A_718 = arith.select %gt3A_713, %select_n3A_692, %select_n3A_717 : vector<16xi1>, vector<16xi32>
      %max3A_719 = arith.maximumf %max3A_691, %get3A_712 : vector<16xf32>
      %select_n3A_720 = arith.select %gt3A_713, %broadcast_in_dim3A_707, %select_n3A_692 : vector<16xi1>, vector<16xi32>
      %get3A_721 = arith.constant 25 : i32
      %get3A_722 = arith.index_cast %get3A_721 : i32 to index
      %get3A_723 = arith.index_cast %add3A_16 : i32 to index
      %get3A_724 = tpu.vector_load %arg5[%get3A_722, %get3A_723] {strides = array<i32>} : memref<64x512xf32, #tpu.memory_space<vmem>>, vector<1x16xf32>,
      %get3A_725 = vector.shape_cast %get3A_724 : vector<1x16xf32> to vector<16xf32>
      %gt3A_726 = arith.cmpf ogt, %get3A_725, %max3A_704 : vector<16xf32>
      %gt3A_727 = arith.cmpf ogt, %get3A_725, %select_n3A_701 : vector<16xf32>
      %select_n3A_728 = arith.select %gt3A_727, %get3A_725, %select_n3A_701 : vector<16xi1>, vector<16xf32>
      %select_n3A_729 = arith.select %gt3A_726, %max3A_704, %select_n3A_728 : vector<16xi1>, vector<16xf32>
      %select_n3A_730 = arith.select %gt3A_727, %broadcast_in_dim3A_707, %select_n3A_703 : vector<16xi1>, vector<16xi32>
      %select_n3A_731 = arith.select %gt3A_726, %select_n3A_705, %select_n3A_730 : vector<16xi1>, vector<16xi32>
      %max3A_732 = arith.maximumf %max3A_704, %get3A_725 : vector<16xf32>
      %select_n3A_733 = arith.select %gt3A_726, %broadcast_in_dim3A_707, %select_n3A_705 : vector<16xi1>, vector<16xi32>
      %broadcast_in_dim3A_734 = arith.constant 26 : i32
      %broadcast_in_dim3A_735 = vector.broadcast %broadcast_in_dim3A_734 : i32 to vector<16xi32>
      %get3A_736 = arith.constant 26 : i32
      %get3A_737 = arith.index_cast %get3A_736 : i32 to index
      %get3A_738 = arith.index_cast %mul3A_12 : i32 to index
      %get3A_739 = tpu.vector_load %arg5[%get3A_737, %get3A_738] {strides = array<i32>} : memref<64x512xf32, #tpu.memory_space<vmem>>, vector<1x16xf32>,
      %get3A_740 = vector.shape_cast %get3A_739 : vector<1x16xf32> to vector<16xf32>
      %gt3A_741 = arith.cmpf ogt, %get3A_740, %max3A_719 : vector<16xf32>
      %gt3A_742 = arith.cmpf ogt, %get3A_740, %select_n3A_716 : vector<16xf32>
      %select_n3A_743 = arith.select %gt3A_742, %get3A_740, %select_n3A_716 : vector<16xi1>, vector<16xf32>
      %select_n3A_744 = arith.select %gt3A_741, %max3A_719, %select_n3A_743 : vector<16xi1>, vector<16xf32>
      %select_n3A_745 = arith.select %gt3A_742, %broadcast_in_dim3A_735, %select_n3A_718 : vector<16xi1>, vector<16xi32>
      %select_n3A_746 = arith.select %gt3A_741, %select_n3A_720, %select_n3A_745 : vector<16xi1>, vector<16xi32>
      %max3A_747 = arith.maximumf %max3A_719, %get3A_740 : vector<16xf32>
      %select_n3A_748 = arith.select %gt3A_741, %broadcast_in_dim3A_735, %select_n3A_720 : vector<16xi1>, vector<16xi32>
      %get3A_749 = arith.constant 26 : i32
      %get3A_750 = arith.index_cast %get3A_749 : i32 to index
      %get3A_751 = arith.index_cast %add3A_16 : i32 to index
      %get3A_752 = tpu.vector_load %arg5[%get3A_750, %get3A_751] {strides = array<i32>} : memref<64x512xf32, #tpu.memory_space<vmem>>, vector<1x16xf32>,
      %get3A_753 = vector.shape_cast %get3A_752 : vector<1x16xf32> to vector<16xf32>
      %gt3A_754 = arith.cmpf ogt, %get3A_753, %max3A_732 : vector<16xf32>
      %gt3A_755 = arith.cmpf ogt, %get3A_753, %select_n3A_729 : vector<16xf32>
      %select_n3A_756 = arith.select %gt3A_755, %get3A_753, %select_n3A_729 : vector<16xi1>, vector<16xf32>
      %select_n3A_757 = arith.select %gt3A_754, %max3A_732, %select_n3A_756 : vector<16xi1>, vector<16xf32>
      %select_n3A_758 = arith.select %gt3A_755, %broadcast_in_dim3A_735, %select_n3A_731 : vector<16xi1>, vector<16xi32>
      %select_n3A_759 = arith.select %gt3A_754, %select_n3A_733, %select_n3A_758 : vector<16xi1>, vector<16xi32>
      %max3A_760 = arith.maximumf %max3A_732, %get3A_753 : vector<16xf32>
      %select_n3A_761 = arith.select %gt3A_754, %broadcast_in_dim3A_735, %select_n3A_733 : vector<16xi1>, vector<16xi32>
      %broadcast_in_dim3A_762 = arith.constant 27 : i32
      %broadcast_in_dim3A_763 = vector.broadcast %broadcast_in_dim3A_762 : i32 to vector<16xi32>
      %get3A_764 = arith.constant 27 : i32
      %get3A_765 = arith.index_cast %get3A_764 : i32 to index
      %get3A_766 = arith.index_cast %mul3A_12 : i32 to index
      %get3A_767 = tpu.vector_load %arg5[%get3A_765, %get3A_766] {strides = array<i32>} : memref<64x512xf32, #tpu.memory_space<vmem>>, vector<1x16xf32>,
      %get3A_768 = vector.shape_cast %get3A_767 : vector<1x16xf32> to vector<16xf32>
      %gt3A_769 = arith.cmpf ogt, %get3A_768, %max3A_747 : vector<16xf32>
      %gt3A_770 = arith.cmpf ogt, %get3A_768, %select_n3A_744 : vector<16xf32>
      %select_n3A_771 = arith.select %gt3A_770, %get3A_768, %select_n3A_744 : vector<16xi1>, vector<16xf32>
      %select_n3A_772 = arith.select %gt3A_769, %max3A_747, %select_n3A_771 : vector<16xi1>, vector<16xf32>
      %select_n3A_773 = arith.select %gt3A_770, %broadcast_in_dim3A_763, %select_n3A_746 : vector<16xi1>, vector<16xi32>
      %select_n3A_774 = arith.select %gt3A_769, %select_n3A_748, %select_n3A_773 : vector<16xi1>, vector<16xi32>
      %max3A_775 = arith.maximumf %max3A_747, %get3A_768 : vector<16xf32>
      %select_n3A_776 = arith.select %gt3A_769, %broadcast_in_dim3A_763, %select_n3A_748 : vector<16xi1>, vector<16xi32>
      %get3A_777 = arith.constant 27 : i32
      %get3A_778 = arith.index_cast %get3A_777 : i32 to index
      %get3A_779 = arith.index_cast %add3A_16 : i32 to index
      %get3A_780 = tpu.vector_load %arg5[%get3A_778, %get3A_779] {strides = array<i32>} : memref<64x512xf32, #tpu.memory_space<vmem>>, vector<1x16xf32>,
      %get3A_781 = vector.shape_cast %get3A_780 : vector<1x16xf32> to vector<16xf32>
      %gt3A_782 = arith.cmpf ogt, %get3A_781, %max3A_760 : vector<16xf32>
      %gt3A_783 = arith.cmpf ogt, %get3A_781, %select_n3A_757 : vector<16xf32>
      %select_n3A_784 = arith.select %gt3A_783, %get3A_781, %select_n3A_757 : vector<16xi1>, vector<16xf32>
      %select_n3A_785 = arith.select %gt3A_782, %max3A_760, %select_n3A_784 : vector<16xi1>, vector<16xf32>
      %select_n3A_786 = arith.select %gt3A_783, %broadcast_in_dim3A_763, %select_n3A_759 : vector<16xi1>, vector<16xi32>
      %select_n3A_787 = arith.select %gt3A_782, %select_n3A_761, %select_n3A_786 : vector<16xi1>, vector<16xi32>
      %max3A_788 = arith.maximumf %max3A_760, %get3A_781 : vector<16xf32>
      %select_n3A_789 = arith.select %gt3A_782, %broadcast_in_dim3A_763, %select_n3A_761 : vector<16xi1>, vector<16xi32>
      %broadcast_in_dim3A_790 = arith.constant 28 : i32
      %broadcast_in_dim3A_791 = vector.broadcast %broadcast_in_dim3A_790 : i32 to vector<16xi32>
      %get3A_792 = arith.constant 28 : i32
      %get3A_793 = arith.index_cast %get3A_792 : i32 to index
      %get3A_794 = arith.index_cast %mul3A_12 : i32 to index
      %get3A_795 = tpu.vector_load %arg5[%get3A_793, %get3A_794] {strides = array<i32>} : memref<64x512xf32, #tpu.memory_space<vmem>>, vector<1x16xf32>,
      %get3A_796 = vector.shape_cast %get3A_795 : vector<1x16xf32> to vector<16xf32>
      %gt3A_797 = arith.cmpf ogt, %get3A_796, %max3A_775 : vector<16xf32>
      %gt3A_798 = arith.cmpf ogt, %get3A_796, %select_n3A_772 : vector<16xf32>
      %select_n3A_799 = arith.select %gt3A_798, %get3A_796, %select_n3A_772 : vector<16xi1>, vector<16xf32>
      %select_n3A_800 = arith.select %gt3A_797, %max3A_775, %select_n3A_799 : vector<16xi1>, vector<16xf32>
      %select_n3A_801 = arith.select %gt3A_798, %broadcast_in_dim3A_791, %select_n3A_774 : vector<16xi1>, vector<16xi32>
      %select_n3A_802 = arith.select %gt3A_797, %select_n3A_776, %select_n3A_801 : vector<16xi1>, vector<16xi32>
      %max3A_803 = arith.maximumf %max3A_775, %get3A_796 : vector<16xf32>
      %select_n3A_804 = arith.select %gt3A_797, %broadcast_in_dim3A_791, %select_n3A_776 : vector<16xi1>, vector<16xi32>
      %get3A_805 = arith.constant 28 : i32
      %get3A_806 = arith.index_cast %get3A_805 : i32 to index
      %get3A_807 = arith.index_cast %add3A_16 : i32 to index
      %get3A_808 = tpu.vector_load %arg5[%get3A_806, %get3A_807] {strides = array<i32>} : memref<64x512xf32, #tpu.memory_space<vmem>>, vector<1x16xf32>,
      %get3A_809 = vector.shape_cast %get3A_808 : vector<1x16xf32> to vector<16xf32>
      %gt3A_810 = arith.cmpf ogt, %get3A_809, %max3A_788 : vector<16xf32>
      %gt3A_811 = arith.cmpf ogt, %get3A_809, %select_n3A_785 : vector<16xf32>
      %select_n3A_812 = arith.select %gt3A_811, %get3A_809, %select_n3A_785 : vector<16xi1>, vector<16xf32>
      %select_n3A_813 = arith.select %gt3A_810, %max3A_788, %select_n3A_812 : vector<16xi1>, vector<16xf32>
      %select_n3A_814 = arith.select %gt3A_811, %broadcast_in_dim3A_791, %select_n3A_787 : vector<16xi1>, vector<16xi32>
      %select_n3A_815 = arith.select %gt3A_810, %select_n3A_789, %select_n3A_814 : vector<16xi1>, vector<16xi32>
      %max3A_816 = arith.maximumf %max3A_788, %get3A_809 : vector<16xf32>
      %select_n3A_817 = arith.select %gt3A_810, %broadcast_in_dim3A_791, %select_n3A_789 : vector<16xi1>, vector<16xi32>
      %broadcast_in_dim3A_818 = arith.constant 29 : i32
      %broadcast_in_dim3A_819 = vector.broadcast %broadcast_in_dim3A_818 : i32 to vector<16xi32>
      %get3A_820 = arith.constant 29 : i32
      %get3A_821 = arith.index_cast %get3A_820 : i32 to index
      %get3A_822 = arith.index_cast %mul3A_12 : i32 to index
      %get3A_823 = tpu.vector_load %arg5[%get3A_821, %get3A_822] {strides = array<i32>} : memref<64x512xf32, #tpu.memory_space<vmem>>, vector<1x16xf32>,
      %get3A_824 = vector.shape_cast %get3A_823 : vector<1x16xf32> to vector<16xf32>
      %gt3A_825 = arith.cmpf ogt, %get3A_824, %max3A_803 : vector<16xf32>
      %gt3A_826 = arith.cmpf ogt, %get3A_824, %select_n3A_800 : vector<16xf32>
      %select_n3A_827 = arith.select %gt3A_826, %get3A_824, %select_n3A_800 : vector<16xi1>, vector<16xf32>
      %select_n3A_828 = arith.select %gt3A_825, %max3A_803, %select_n3A_827 : vector<16xi1>, vector<16xf32>
      %select_n3A_829 = arith.select %gt3A_826, %broadcast_in_dim3A_819, %select_n3A_802 : vector<16xi1>, vector<16xi32>
      %select_n3A_830 = arith.select %gt3A_825, %select_n3A_804, %select_n3A_829 : vector<16xi1>, vector<16xi32>
      %max3A_831 = arith.maximumf %max3A_803, %get3A_824 : vector<16xf32>
      %select_n3A_832 = arith.select %gt3A_825, %broadcast_in_dim3A_819, %select_n3A_804 : vector<16xi1>, vector<16xi32>
      %get3A_833 = arith.constant 29 : i32
      %get3A_834 = arith.index_cast %get3A_833 : i32 to index
      %get3A_835 = arith.index_cast %add3A_16 : i32 to index
      %get3A_836 = tpu.vector_load %arg5[%get3A_834, %get3A_835] {strides = array<i32>} : memref<64x512xf32, #tpu.memory_space<vmem>>, vector<1x16xf32>,
      %get3A_837 = vector.shape_cast %get3A_836 : vector<1x16xf32> to vector<16xf32>
      %gt3A_838 = arith.cmpf ogt, %get3A_837, %max3A_816 : vector<16xf32>
      %gt3A_839 = arith.cmpf ogt, %get3A_837, %select_n3A_813 : vector<16xf32>
      %select_n3A_840 = arith.select %gt3A_839, %get3A_837, %select_n3A_813 : vector<16xi1>, vector<16xf32>
      %select_n3A_841 = arith.select %gt3A_838, %max3A_816, %select_n3A_840 : vector<16xi1>, vector<16xf32>
      %select_n3A_842 = arith.select %gt3A_839, %broadcast_in_dim3A_819, %select_n3A_815 : vector<16xi1>, vector<16xi32>
      %select_n3A_843 = arith.select %gt3A_838, %select_n3A_817, %select_n3A_842 : vector<16xi1>, vector<16xi32>
      %max3A_844 = arith.maximumf %max3A_816, %get3A_837 : vector<16xf32>
      %select_n3A_845 = arith.select %gt3A_838, %broadcast_in_dim3A_819, %select_n3A_817 : vector<16xi1>, vector<16xi32>
      %broadcast_in_dim3A_846 = arith.constant 30 : i32
      %broadcast_in_dim3A_847 = vector.broadcast %broadcast_in_dim3A_846 : i32 to vector<16xi32>
      %get3A_848 = arith.constant 30 : i32
      %get3A_849 = arith.index_cast %get3A_848 : i32 to index
      %get3A_850 = arith.index_cast %mul3A_12 : i32 to index
      %get3A_851 = tpu.vector_load %arg5[%get3A_849, %get3A_850] {strides = array<i32>} : memref<64x512xf32, #tpu.memory_space<vmem>>, vector<1x16xf32>,
      %get3A_852 = vector.shape_cast %get3A_851 : vector<1x16xf32> to vector<16xf32>
      %gt3A_853 = arith.cmpf ogt, %get3A_852, %max3A_831 : vector<16xf32>
      %gt3A_854 = arith.cmpf ogt, %get3A_852, %select_n3A_828 : vector<16xf32>
      %select_n3A_855 = arith.select %gt3A_854, %get3A_852, %select_n3A_828 : vector<16xi1>, vector<16xf32>
      %select_n3A_856 = arith.select %gt3A_853, %max3A_831, %select_n3A_855 : vector<16xi1>, vector<16xf32>
      %select_n3A_857 = arith.select %gt3A_854, %broadcast_in_dim3A_847, %select_n3A_830 : vector<16xi1>, vector<16xi32>
      %select_n3A_858 = arith.select %gt3A_853, %select_n3A_832, %select_n3A_857 : vector<16xi1>, vector<16xi32>
      %max3A_859 = arith.maximumf %max3A_831, %get3A_852 : vector<16xf32>
      %select_n3A_860 = arith.select %gt3A_853, %broadcast_in_dim3A_847, %select_n3A_832 : vector<16xi1>, vector<16xi32>
      %get3A_861 = arith.constant 30 : i32
      %get3A_862 = arith.index_cast %get3A_861 : i32 to index
      %get3A_863 = arith.index_cast %add3A_16 : i32 to index
      %get3A_864 = tpu.vector_load %arg5[%get3A_862, %get3A_863] {strides = array<i32>} : memref<64x512xf32, #tpu.memory_space<vmem>>, vector<1x16xf32>,
      %get3A_865 = vector.shape_cast %get3A_864 : vector<1x16xf32> to vector<16xf32>
      %gt3A_866 = arith.cmpf ogt, %get3A_865, %max3A_844 : vector<16xf32>
      %gt3A_867 = arith.cmpf ogt, %get3A_865, %select_n3A_841 : vector<16xf32>
      %select_n3A_868 = arith.select %gt3A_867, %get3A_865, %select_n3A_841 : vector<16xi1>, vector<16xf32>
      %select_n3A_869 = arith.select %gt3A_866, %max3A_844, %select_n3A_868 : vector<16xi1>, vector<16xf32>
      %select_n3A_870 = arith.select %gt3A_867, %broadcast_in_dim3A_847, %select_n3A_843 : vector<16xi1>, vector<16xi32>
      %select_n3A_871 = arith.select %gt3A_866, %select_n3A_845, %select_n3A_870 : vector<16xi1>, vector<16xi32>
      %max3A_872 = arith.maximumf %max3A_844, %get3A_865 : vector<16xf32>
      %select_n3A_873 = arith.select %gt3A_866, %broadcast_in_dim3A_847, %select_n3A_845 : vector<16xi1>, vector<16xi32>
      %broadcast_in_dim3A_874 = arith.constant 31 : i32
      %broadcast_in_dim3A_875 = vector.broadcast %broadcast_in_dim3A_874 : i32 to vector<16xi32>
      %get3A_876 = arith.constant 31 : i32
      %get3A_877 = arith.index_cast %get3A_876 : i32 to index
      %get3A_878 = arith.index_cast %mul3A_12 : i32 to index
      %get3A_879 = tpu.vector_load %arg5[%get3A_877, %get3A_878] {strides = array<i32>} : memref<64x512xf32, #tpu.memory_space<vmem>>, vector<1x16xf32>,
      %get3A_880 = vector.shape_cast %get3A_879 : vector<1x16xf32> to vector<16xf32>
      %gt3A_881 = arith.cmpf ogt, %get3A_880, %max3A_859 : vector<16xf32>
      %gt3A_882 = arith.cmpf ogt, %get3A_880, %select_n3A_856 : vector<16xf32>
      %select_n3A_883 = arith.select %gt3A_882, %get3A_880, %select_n3A_856 : vector<16xi1>, vector<16xf32>
      %select_n3A_884 = arith.select %gt3A_881, %max3A_859, %select_n3A_883 : vector<16xi1>, vector<16xf32>
      %select_n3A_885 = arith.select %gt3A_882, %broadcast_in_dim3A_875, %select_n3A_858 : vector<16xi1>, vector<16xi32>
      %select_n3A_886 = arith.select %gt3A_881, %select_n3A_860, %select_n3A_885 : vector<16xi1>, vector<16xi32>
      %max3A_887 = arith.maximumf %max3A_859, %get3A_880 : vector<16xf32>
      %select_n3A_888 = arith.select %gt3A_881, %broadcast_in_dim3A_875, %select_n3A_860 : vector<16xi1>, vector<16xi32>
      %get3A_889 = arith.constant 31 : i32
      %get3A_890 = arith.index_cast %get3A_889 : i32 to index
      %get3A_891 = arith.index_cast %add3A_16 : i32 to index
      %get3A_892 = tpu.vector_load %arg5[%get3A_890, %get3A_891] {strides = array<i32>} : memref<64x512xf32, #tpu.memory_space<vmem>>, vector<1x16xf32>,
      %get3A_893 = vector.shape_cast %get3A_892 : vector<1x16xf32> to vector<16xf32>
      %gt3A_894 = arith.cmpf ogt, %get3A_893, %max3A_872 : vector<16xf32>
      %gt3A_895 = arith.cmpf ogt, %get3A_893, %select_n3A_869 : vector<16xf32>
      %select_n3A_896 = arith.select %gt3A_895, %get3A_893, %select_n3A_869 : vector<16xi1>, vector<16xf32>
      %select_n3A_897 = arith.select %gt3A_894, %max3A_872, %select_n3A_896 : vector<16xi1>, vector<16xf32>
      %select_n3A_898 = arith.select %gt3A_895, %broadcast_in_dim3A_875, %select_n3A_871 : vector<16xi1>, vector<16xi32>
      %select_n3A_899 = arith.select %gt3A_894, %select_n3A_873, %select_n3A_898 : vector<16xi1>, vector<16xi32>
      %max3A_900 = arith.maximumf %max3A_872, %get3A_893 : vector<16xf32>
      %select_n3A_901 = arith.select %gt3A_894, %broadcast_in_dim3A_875, %select_n3A_873 : vector<16xi1>, vector<16xi32>
      %broadcast_in_dim3A_902 = arith.constant 32 : i32
      %broadcast_in_dim3A_903 = vector.broadcast %broadcast_in_dim3A_902 : i32 to vector<16xi32>
      %get3A_904 = arith.constant 32 : i32
      %get3A_905 = arith.index_cast %get3A_904 : i32 to index
      %get3A_906 = arith.index_cast %mul3A_12 : i32 to index
      %get3A_907 = tpu.vector_load %arg5[%get3A_905, %get3A_906] {strides = array<i32>} : memref<64x512xf32, #tpu.memory_space<vmem>>, vector<1x16xf32>,
      %get3A_908 = vector.shape_cast %get3A_907 : vector<1x16xf32> to vector<16xf32>
      %gt3A_909 = arith.cmpf ogt, %get3A_908, %max3A_887 : vector<16xf32>
      %gt3A_910 = arith.cmpf ogt, %get3A_908, %select_n3A_884 : vector<16xf32>
      %select_n3A_911 = arith.select %gt3A_910, %get3A_908, %select_n3A_884 : vector<16xi1>, vector<16xf32>
      %select_n3A_912 = arith.select %gt3A_909, %max3A_887, %select_n3A_911 : vector<16xi1>, vector<16xf32>
      %select_n3A_913 = arith.select %gt3A_910, %broadcast_in_dim3A_903, %select_n3A_886 : vector<16xi1>, vector<16xi32>
      %select_n3A_914 = arith.select %gt3A_909, %select_n3A_888, %select_n3A_913 : vector<16xi1>, vector<16xi32>
      %max3A_915 = arith.maximumf %max3A_887, %get3A_908 : vector<16xf32>
      %select_n3A_916 = arith.select %gt3A_909, %broadcast_in_dim3A_903, %select_n3A_888 : vector<16xi1>, vector<16xi32>
      %get3A_917 = arith.constant 32 : i32
      %get3A_918 = arith.index_cast %get3A_917 : i32 to index
      %get3A_919 = arith.index_cast %add3A_16 : i32 to index
      %get3A_920 = tpu.vector_load %arg5[%get3A_918, %get3A_919] {strides = array<i32>} : memref<64x512xf32, #tpu.memory_space<vmem>>, vector<1x16xf32>,
      %get3A_921 = vector.shape_cast %get3A_920 : vector<1x16xf32> to vector<16xf32>
      %gt3A_922 = arith.cmpf ogt, %get3A_921, %max3A_900 : vector<16xf32>
      %gt3A_923 = arith.cmpf ogt, %get3A_921, %select_n3A_897 : vector<16xf32>
      %select_n3A_924 = arith.select %gt3A_923, %get3A_921, %select_n3A_897 : vector<16xi1>, vector<16xf32>
      %select_n3A_925 = arith.select %gt3A_922, %max3A_900, %select_n3A_924 : vector<16xi1>, vector<16xf32>
      %select_n3A_926 = arith.select %gt3A_923, %broadcast_in_dim3A_903, %select_n3A_899 : vector<16xi1>, vector<16xi32>
      %select_n3A_927 = arith.select %gt3A_922, %select_n3A_901, %select_n3A_926 : vector<16xi1>, vector<16xi32>
      %max3A_928 = arith.maximumf %max3A_900, %get3A_921 : vector<16xf32>
      %select_n3A_929 = arith.select %gt3A_922, %broadcast_in_dim3A_903, %select_n3A_901 : vector<16xi1>, vector<16xi32>
      %broadcast_in_dim3A_930 = arith.constant 33 : i32
      %broadcast_in_dim3A_931 = vector.broadcast %broadcast_in_dim3A_930 : i32 to vector<16xi32>
      %get3A_932 = arith.constant 33 : i32
      %get3A_933 = arith.index_cast %get3A_932 : i32 to index
      %get3A_934 = arith.index_cast %mul3A_12 : i32 to index
      %get3A_935 = tpu.vector_load %arg5[%get3A_933, %get3A_934] {strides = array<i32>} : memref<64x512xf32, #tpu.memory_space<vmem>>, vector<1x16xf32>,
      %get3A_936 = vector.shape_cast %get3A_935 : vector<1x16xf32> to vector<16xf32>
      %gt3A_937 = arith.cmpf ogt, %get3A_936, %max3A_915 : vector<16xf32>
      %gt3A_938 = arith.cmpf ogt, %get3A_936, %select_n3A_912 : vector<16xf32>
      %select_n3A_939 = arith.select %gt3A_938, %get3A_936, %select_n3A_912 : vector<16xi1>, vector<16xf32>
      %select_n3A_940 = arith.select %gt3A_937, %max3A_915, %select_n3A_939 : vector<16xi1>, vector<16xf32>
      %select_n3A_941 = arith.select %gt3A_938, %broadcast_in_dim3A_931, %select_n3A_914 : vector<16xi1>, vector<16xi32>
      %select_n3A_942 = arith.select %gt3A_937, %select_n3A_916, %select_n3A_941 : vector<16xi1>, vector<16xi32>
      %max3A_943 = arith.maximumf %max3A_915, %get3A_936 : vector<16xf32>
      %select_n3A_944 = arith.select %gt3A_937, %broadcast_in_dim3A_931, %select_n3A_916 : vector<16xi1>, vector<16xi32>
      %get3A_945 = arith.constant 33 : i32
      %get3A_946 = arith.index_cast %get3A_945 : i32 to index
      %get3A_947 = arith.index_cast %add3A_16 : i32 to index
      %get3A_948 = tpu.vector_load %arg5[%get3A_946, %get3A_947] {strides = array<i32>} : memref<64x512xf32, #tpu.memory_space<vmem>>, vector<1x16xf32>,
      %get3A_949 = vector.shape_cast %get3A_948 : vector<1x16xf32> to vector<16xf32>
      %gt3A_950 = arith.cmpf ogt, %get3A_949, %max3A_928 : vector<16xf32>
      %gt3A_951 = arith.cmpf ogt, %get3A_949, %select_n3A_925 : vector<16xf32>
      %select_n3A_952 = arith.select %gt3A_951, %get3A_949, %select_n3A_925 : vector<16xi1>, vector<16xf32>
      %select_n3A_953 = arith.select %gt3A_950, %max3A_928, %select_n3A_952 : vector<16xi1>, vector<16xf32>
      %select_n3A_954 = arith.select %gt3A_951, %broadcast_in_dim3A_931, %select_n3A_927 : vector<16xi1>, vector<16xi32>
      %select_n3A_955 = arith.select %gt3A_950, %select_n3A_929, %select_n3A_954 : vector<16xi1>, vector<16xi32>
      %max3A_956 = arith.maximumf %max3A_928, %get3A_949 : vector<16xf32>
      %select_n3A_957 = arith.select %gt3A_950, %broadcast_in_dim3A_931, %select_n3A_929 : vector<16xi1>, vector<16xi32>
      %broadcast_in_dim3A_958 = arith.constant 34 : i32
      %broadcast_in_dim3A_959 = vector.broadcast %broadcast_in_dim3A_958 : i32 to vector<16xi32>
      %get3A_960 = arith.constant 34 : i32
      %get3A_961 = arith.index_cast %get3A_960 : i32 to index
      %get3A_962 = arith.index_cast %mul3A_12 : i32 to index
      %get3A_963 = tpu.vector_load %arg5[%get3A_961, %get3A_962] {strides = array<i32>} : memref<64x512xf32, #tpu.memory_space<vmem>>, vector<1x16xf32>,
      %get3A_964 = vector.shape_cast %get3A_963 : vector<1x16xf32> to vector<16xf32>
      %gt3A_965 = arith.cmpf ogt, %get3A_964, %max3A_943 : vector<16xf32>
      %gt3A_966 = arith.cmpf ogt, %get3A_964, %select_n3A_940 : vector<16xf32>
      %select_n3A_967 = arith.select %gt3A_966, %get3A_964, %select_n3A_940 : vector<16xi1>, vector<16xf32>
      %select_n3A_968 = arith.select %gt3A_965, %max3A_943, %select_n3A_967 : vector<16xi1>, vector<16xf32>
      %select_n3A_969 = arith.select %gt3A_966, %broadcast_in_dim3A_959, %select_n3A_942 : vector<16xi1>, vector<16xi32>
      %select_n3A_970 = arith.select %gt3A_965, %select_n3A_944, %select_n3A_969 : vector<16xi1>, vector<16xi32>
      %max3A_971 = arith.maximumf %max3A_943, %get3A_964 : vector<16xf32>
      %select_n3A_972 = arith.select %gt3A_965, %broadcast_in_dim3A_959, %select_n3A_944 : vector<16xi1>, vector<16xi32>
      %get3A_973 = arith.constant 34 : i32
      %get3A_974 = arith.index_cast %get3A_973 : i32 to index
      %get3A_975 = arith.index_cast %add3A_16 : i32 to index
      %get3A_976 = tpu.vector_load %arg5[%get3A_974, %get3A_975] {strides = array<i32>} : memref<64x512xf32, #tpu.memory_space<vmem>>, vector<1x16xf32>,
      %get3A_977 = vector.shape_cast %get3A_976 : vector<1x16xf32> to vector<16xf32>
      %gt3A_978 = arith.cmpf ogt, %get3A_977, %max3A_956 : vector<16xf32>
      %gt3A_979 = arith.cmpf ogt, %get3A_977, %select_n3A_953 : vector<16xf32>
      %select_n3A_980 = arith.select %gt3A_979, %get3A_977, %select_n3A_953 : vector<16xi1>, vector<16xf32>
      %select_n3A_981 = arith.select %gt3A_978, %max3A_956, %select_n3A_980 : vector<16xi1>, vector<16xf32>
      %select_n3A_982 = arith.select %gt3A_979, %broadcast_in_dim3A_959, %select_n3A_955 : vector<16xi1>, vector<16xi32>
      %select_n3A_983 = arith.select %gt3A_978, %select_n3A_957, %select_n3A_982 : vector<16xi1>, vector<16xi32>
      %max3A_984 = arith.maximumf %max3A_956, %get3A_977 : vector<16xf32>
      %select_n3A_985 = arith.select %gt3A_978, %broadcast_in_dim3A_959, %select_n3A_957 : vector<16xi1>, vector<16xi32>
      %broadcast_in_dim3A_986 = arith.constant 35 : i32
      %broadcast_in_dim3A_987 = vector.broadcast %broadcast_in_dim3A_986 : i32 to vector<16xi32>
      %get3A_988 = arith.constant 35 : i32
      %get3A_989 = arith.index_cast %get3A_988 : i32 to index
      %get3A_990 = arith.index_cast %mul3A_12 : i32 to index
      %get3A_991 = tpu.vector_load %arg5[%get3A_989, %get3A_990] {strides = array<i32>} : memref<64x512xf32, #tpu.memory_space<vmem>>, vector<1x16xf32>,
      %get3A_992 = vector.shape_cast %get3A_991 : vector<1x16xf32> to vector<16xf32>
      %gt3A_993 = arith.cmpf ogt, %get3A_992, %max3A_971 : vector<16xf32>
      %gt3A_994 = arith.cmpf ogt, %get3A_992, %select_n3A_968 : vector<16xf32>
      %select_n3A_995 = arith.select %gt3A_994, %get3A_992, %select_n3A_968 : vector<16xi1>, vector<16xf32>
      %select_n3A_996 = arith.select %gt3A_993, %max3A_971, %select_n3A_995 : vector<16xi1>, vector<16xf32>
      %select_n3A_997 = arith.select %gt3A_994, %broadcast_in_dim3A_987, %select_n3A_970 : vector<16xi1>, vector<16xi32>
      %select_n3A_998 = arith.select %gt3A_993, %select_n3A_972, %select_n3A_997 : vector<16xi1>, vector<16xi32>
      %max3A_999 = arith.maximumf %max3A_971, %get3A_992 : vector<16xf32>
      %select_n3A_1000 = arith.select %gt3A_993, %broadcast_in_dim3A_987, %select_n3A_972 : vector<16xi1>, vector<16xi32>
      %get3A_1001 = arith.constant 35 : i32
      %get3A_1002 = arith.index_cast %get3A_1001 : i32 to index
      %get3A_1003 = arith.index_cast %add3A_16 : i32 to index
      %get3A_1004 = tpu.vector_load %arg5[%get3A_1002, %get3A_1003] {strides = array<i32>} : memref<64x512xf32, #tpu.memory_space<vmem>>, vector<1x16xf32>,
      %get3A_1005 = vector.shape_cast %get3A_1004 : vector<1x16xf32> to vector<16xf32>
      %gt3A_1006 = arith.cmpf ogt, %get3A_1005, %max3A_984 : vector<16xf32>
      %gt3A_1007 = arith.cmpf ogt, %get3A_1005, %select_n3A_981 : vector<16xf32>
      %select_n3A_1008 = arith.select %gt3A_1007, %get3A_1005, %select_n3A_981 : vector<16xi1>, vector<16xf32>
      %select_n3A_1009 = arith.select %gt3A_1006, %max3A_984, %select_n3A_1008 : vector<16xi1>, vector<16xf32>
      %select_n3A_1010 = arith.select %gt3A_1007, %broadcast_in_dim3A_987, %select_n3A_983 : vector<16xi1>, vector<16xi32>
      %select_n3A_1011 = arith.select %gt3A_1006, %select_n3A_985, %select_n3A_1010 : vector<16xi1>, vector<16xi32>
      %max3A_1012 = arith.maximumf %max3A_984, %get3A_1005 : vector<16xf32>
      %select_n3A_1013 = arith.select %gt3A_1006, %broadcast_in_dim3A_987, %select_n3A_985 : vector<16xi1>, vector<16xi32>
      %broadcast_in_dim3A_1014 = arith.constant 36 : i32
      %broadcast_in_dim3A_1015 = vector.broadcast %broadcast_in_dim3A_1014 : i32 to vector<16xi32>
      %get3A_1016 = arith.constant 36 : i32
      %get3A_1017 = arith.index_cast %get3A_1016 : i32 to index
      %get3A_1018 = arith.index_cast %mul3A_12 : i32 to index
      %get3A_1019 = tpu.vector_load %arg5[%get3A_1017, %get3A_1018] {strides = array<i32>} : memref<64x512xf32, #tpu.memory_space<vmem>>, vector<1x16xf32>,
      %get3A_1020 = vector.shape_cast %get3A_1019 : vector<1x16xf32> to vector<16xf32>
      %gt3A_1021 = arith.cmpf ogt, %get3A_1020, %max3A_999 : vector<16xf32>
      %gt3A_1022 = arith.cmpf ogt, %get3A_1020, %select_n3A_996 : vector<16xf32>
      %select_n3A_1023 = arith.select %gt3A_1022, %get3A_1020, %select_n3A_996 : vector<16xi1>, vector<16xf32>
      %select_n3A_1024 = arith.select %gt3A_1021, %max3A_999, %select_n3A_1023 : vector<16xi1>, vector<16xf32>
      %select_n3A_1025 = arith.select %gt3A_1022, %broadcast_in_dim3A_1015, %select_n3A_998 : vector<16xi1>, vector<16xi32>
      %select_n3A_1026 = arith.select %gt3A_1021, %select_n3A_1000, %select_n3A_1025 : vector<16xi1>, vector<16xi32>
      %max3A_1027 = arith.maximumf %max3A_999, %get3A_1020 : vector<16xf32>
      %select_n3A_1028 = arith.select %gt3A_1021, %broadcast_in_dim3A_1015, %select_n3A_1000 : vector<16xi1>, vector<16xi32>
      %get3A_1029 = arith.constant 36 : i32
      %get3A_1030 = arith.index_cast %get3A_1029 : i32 to index
      %get3A_1031 = arith.index_cast %add3A_16 : i32 to index
      %get3A_1032 = tpu.vector_load %arg5[%get3A_1030, %get3A_1031] {strides = array<i32>} : memref<64x512xf32, #tpu.memory_space<vmem>>, vector<1x16xf32>,
      %get3A_1033 = vector.shape_cast %get3A_1032 : vector<1x16xf32> to vector<16xf32>
      %gt3A_1034 = arith.cmpf ogt, %get3A_1033, %max3A_1012 : vector<16xf32>
      %gt3A_1035 = arith.cmpf ogt, %get3A_1033, %select_n3A_1009 : vector<16xf32>
      %select_n3A_1036 = arith.select %gt3A_1035, %get3A_1033, %select_n3A_1009 : vector<16xi1>, vector<16xf32>
      %select_n3A_1037 = arith.select %gt3A_1034, %max3A_1012, %select_n3A_1036 : vector<16xi1>, vector<16xf32>
      %select_n3A_1038 = arith.select %gt3A_1035, %broadcast_in_dim3A_1015, %select_n3A_1011 : vector<16xi1>, vector<16xi32>
      %select_n3A_1039 = arith.select %gt3A_1034, %select_n3A_1013, %select_n3A_1038 : vector<16xi1>, vector<16xi32>
      %max3A_1040 = arith.maximumf %max3A_1012, %get3A_1033 : vector<16xf32>
      %select_n3A_1041 = arith.select %gt3A_1034, %broadcast_in_dim3A_1015, %select_n3A_1013 : vector<16xi1>, vector<16xi32>
      %broadcast_in_dim3A_1042 = arith.constant 37 : i32
      %broadcast_in_dim3A_1043 = vector.broadcast %broadcast_in_dim3A_1042 : i32 to vector<16xi32>
      %get3A_1044 = arith.constant 37 : i32
      %get3A_1045 = arith.index_cast %get3A_1044 : i32 to index
      %get3A_1046 = arith.index_cast %mul3A_12 : i32 to index
      %get3A_1047 = tpu.vector_load %arg5[%get3A_1045, %get3A_1046] {strides = array<i32>} : memref<64x512xf32, #tpu.memory_space<vmem>>, vector<1x16xf32>,
      %get3A_1048 = vector.shape_cast %get3A_1047 : vector<1x16xf32> to vector<16xf32>
      %gt3A_1049 = arith.cmpf ogt, %get3A_1048, %max3A_1027 : vector<16xf32>
      %gt3A_1050 = arith.cmpf ogt, %get3A_1048, %select_n3A_1024 : vector<16xf32>
      %select_n3A_1051 = arith.select %gt3A_1050, %get3A_1048, %select_n3A_1024 : vector<16xi1>, vector<16xf32>
      %select_n3A_1052 = arith.select %gt3A_1049, %max3A_1027, %select_n3A_1051 : vector<16xi1>, vector<16xf32>
      %select_n3A_1053 = arith.select %gt3A_1050, %broadcast_in_dim3A_1043, %select_n3A_1026 : vector<16xi1>, vector<16xi32>
      %select_n3A_1054 = arith.select %gt3A_1049, %select_n3A_1028, %select_n3A_1053 : vector<16xi1>, vector<16xi32>
      %max3A_1055 = arith.maximumf %max3A_1027, %get3A_1048 : vector<16xf32>
      %select_n3A_1056 = arith.select %gt3A_1049, %broadcast_in_dim3A_1043, %select_n3A_1028 : vector<16xi1>, vector<16xi32>
      %get3A_1057 = arith.constant 37 : i32
      %get3A_1058 = arith.index_cast %get3A_1057 : i32 to index
      %get3A_1059 = arith.index_cast %add3A_16 : i32 to index
      %get3A_1060 = tpu.vector_load %arg5[%get3A_1058, %get3A_1059] {strides = array<i32>} : memref<64x512xf32, #tpu.memory_space<vmem>>, vector<1x16xf32>,
      %get3A_1061 = vector.shape_cast %get3A_1060 : vector<1x16xf32> to vector<16xf32>
      %gt3A_1062 = arith.cmpf ogt, %get3A_1061, %max3A_1040 : vector<16xf32>
      %gt3A_1063 = arith.cmpf ogt, %get3A_1061, %select_n3A_1037 : vector<16xf32>
      %select_n3A_1064 = arith.select %gt3A_1063, %get3A_1061, %select_n3A_1037 : vector<16xi1>, vector<16xf32>
      %select_n3A_1065 = arith.select %gt3A_1062, %max3A_1040, %select_n3A_1064 : vector<16xi1>, vector<16xf32>
      %select_n3A_1066 = arith.select %gt3A_1063, %broadcast_in_dim3A_1043, %select_n3A_1039 : vector<16xi1>, vector<16xi32>
      %select_n3A_1067 = arith.select %gt3A_1062, %select_n3A_1041, %select_n3A_1066 : vector<16xi1>, vector<16xi32>
      %max3A_1068 = arith.maximumf %max3A_1040, %get3A_1061 : vector<16xf32>
      %select_n3A_1069 = arith.select %gt3A_1062, %broadcast_in_dim3A_1043, %select_n3A_1041 : vector<16xi1>, vector<16xi32>
      %broadcast_in_dim3A_1070 = arith.constant 38 : i32
      %broadcast_in_dim3A_1071 = vector.broadcast %broadcast_in_dim3A_1070 : i32 to vector<16xi32>
      %get3A_1072 = arith.constant 38 : i32
      %get3A_1073 = arith.index_cast %get3A_1072 : i32 to index
      %get3A_1074 = arith.index_cast %mul3A_12 : i32 to index
      %get3A_1075 = tpu.vector_load %arg5[%get3A_1073, %get3A_1074] {strides = array<i32>} : memref<64x512xf32, #tpu.memory_space<vmem>>, vector<1x16xf32>,
      %get3A_1076 = vector.shape_cast %get3A_1075 : vector<1x16xf32> to vector<16xf32>
      %gt3A_1077 = arith.cmpf ogt, %get3A_1076, %max3A_1055 : vector<16xf32>
      %gt3A_1078 = arith.cmpf ogt, %get3A_1076, %select_n3A_1052 : vector<16xf32>
      %select_n3A_1079 = arith.select %gt3A_1078, %get3A_1076, %select_n3A_1052 : vector<16xi1>, vector<16xf32>
      %select_n3A_1080 = arith.select %gt3A_1077, %max3A_1055, %select_n3A_1079 : vector<16xi1>, vector<16xf32>
      %select_n3A_1081 = arith.select %gt3A_1078, %broadcast_in_dim3A_1071, %select_n3A_1054 : vector<16xi1>, vector<16xi32>
      %select_n3A_1082 = arith.select %gt3A_1077, %select_n3A_1056, %select_n3A_1081 : vector<16xi1>, vector<16xi32>
      %max3A_1083 = arith.maximumf %max3A_1055, %get3A_1076 : vector<16xf32>
      %select_n3A_1084 = arith.select %gt3A_1077, %broadcast_in_dim3A_1071, %select_n3A_1056 : vector<16xi1>, vector<16xi32>
      %get3A_1085 = arith.constant 38 : i32
      %get3A_1086 = arith.index_cast %get3A_1085 : i32 to index
      %get3A_1087 = arith.index_cast %add3A_16 : i32 to index
      %get3A_1088 = tpu.vector_load %arg5[%get3A_1086, %get3A_1087] {strides = array<i32>} : memref<64x512xf32, #tpu.memory_space<vmem>>, vector<1x16xf32>,
      %get3A_1089 = vector.shape_cast %get3A_1088 : vector<1x16xf32> to vector<16xf32>
      %gt3A_1090 = arith.cmpf ogt, %get3A_1089, %max3A_1068 : vector<16xf32>
      %gt3A_1091 = arith.cmpf ogt, %get3A_1089, %select_n3A_1065 : vector<16xf32>
      %select_n3A_1092 = arith.select %gt3A_1091, %get3A_1089, %select_n3A_1065 : vector<16xi1>, vector<16xf32>
      %select_n3A_1093 = arith.select %gt3A_1090, %max3A_1068, %select_n3A_1092 : vector<16xi1>, vector<16xf32>
      %select_n3A_1094 = arith.select %gt3A_1091, %broadcast_in_dim3A_1071, %select_n3A_1067 : vector<16xi1>, vector<16xi32>
      %select_n3A_1095 = arith.select %gt3A_1090, %select_n3A_1069, %select_n3A_1094 : vector<16xi1>, vector<16xi32>
      %max3A_1096 = arith.maximumf %max3A_1068, %get3A_1089 : vector<16xf32>
      %select_n3A_1097 = arith.select %gt3A_1090, %broadcast_in_dim3A_1071, %select_n3A_1069 : vector<16xi1>, vector<16xi32>
      %broadcast_in_dim3A_1098 = arith.constant 39 : i32
      %broadcast_in_dim3A_1099 = vector.broadcast %broadcast_in_dim3A_1098 : i32 to vector<16xi32>
      %get3A_1100 = arith.constant 39 : i32
      %get3A_1101 = arith.index_cast %get3A_1100 : i32 to index
      %get3A_1102 = arith.index_cast %mul3A_12 : i32 to index
      %get3A_1103 = tpu.vector_load %arg5[%get3A_1101, %get3A_1102] {strides = array<i32>} : memref<64x512xf32, #tpu.memory_space<vmem>>, vector<1x16xf32>,
      %get3A_1104 = vector.shape_cast %get3A_1103 : vector<1x16xf32> to vector<16xf32>
      %gt3A_1105 = arith.cmpf ogt, %get3A_1104, %max3A_1083 : vector<16xf32>
      %gt3A_1106 = arith.cmpf ogt, %get3A_1104, %select_n3A_1080 : vector<16xf32>
      %select_n3A_1107 = arith.select %gt3A_1106, %get3A_1104, %select_n3A_1080 : vector<16xi1>, vector<16xf32>
      %select_n3A_1108 = arith.select %gt3A_1105, %max3A_1083, %select_n3A_1107 : vector<16xi1>, vector<16xf32>
      %select_n3A_1109 = arith.select %gt3A_1106, %broadcast_in_dim3A_1099, %select_n3A_1082 : vector<16xi1>, vector<16xi32>
      %select_n3A_1110 = arith.select %gt3A_1105, %select_n3A_1084, %select_n3A_1109 : vector<16xi1>, vector<16xi32>
      %max3A_1111 = arith.maximumf %max3A_1083, %get3A_1104 : vector<16xf32>
      %select_n3A_1112 = arith.select %gt3A_1105, %broadcast_in_dim3A_1099, %select_n3A_1084 : vector<16xi1>, vector<16xi32>
      %get3A_1113 = arith.constant 39 : i32
      %get3A_1114 = arith.index_cast %get3A_1113 : i32 to index
      %get3A_1115 = arith.index_cast %add3A_16 : i32 to index
      %get3A_1116 = tpu.vector_load %arg5[%get3A_1114, %get3A_1115] {strides = array<i32>} : memref<64x512xf32, #tpu.memory_space<vmem>>, vector<1x16xf32>,
      %get3A_1117 = vector.shape_cast %get3A_1116 : vector<1x16xf32> to vector<16xf32>
      %gt3A_1118 = arith.cmpf ogt, %get3A_1117, %max3A_1096 : vector<16xf32>
      %gt3A_1119 = arith.cmpf ogt, %get3A_1117, %select_n3A_1093 : vector<16xf32>
      %select_n3A_1120 = arith.select %gt3A_1119, %get3A_1117, %select_n3A_1093 : vector<16xi1>, vector<16xf32>
      %select_n3A_1121 = arith.select %gt3A_1118, %max3A_1096, %select_n3A_1120 : vector<16xi1>, vector<16xf32>
      %select_n3A_1122 = arith.select %gt3A_1119, %broadcast_in_dim3A_1099, %select_n3A_1095 : vector<16xi1>, vector<16xi32>
      %select_n3A_1123 = arith.select %gt3A_1118, %select_n3A_1097, %select_n3A_1122 : vector<16xi1>, vector<16xi32>
      %max3A_1124 = arith.maximumf %max3A_1096, %get3A_1117 : vector<16xf32>
      %select_n3A_1125 = arith.select %gt3A_1118, %broadcast_in_dim3A_1099, %select_n3A_1097 : vector<16xi1>, vector<16xi32>
      %broadcast_in_dim3A_1126 = arith.constant 40 : i32
      %broadcast_in_dim3A_1127 = vector.broadcast %broadcast_in_dim3A_1126 : i32 to vector<16xi32>
      %get3A_1128 = arith.constant 40 : i32
      %get3A_1129 = arith.index_cast %get3A_1128 : i32 to index
      %get3A_1130 = arith.index_cast %mul3A_12 : i32 to index
      %get3A_1131 = tpu.vector_load %arg5[%get3A_1129, %get3A_1130] {strides = array<i32>} : memref<64x512xf32, #tpu.memory_space<vmem>>, vector<1x16xf32>,
      %get3A_1132 = vector.shape_cast %get3A_1131 : vector<1x16xf32> to vector<16xf32>
      %gt3A_1133 = arith.cmpf ogt, %get3A_1132, %max3A_1111 : vector<16xf32>
      %gt3A_1134 = arith.cmpf ogt, %get3A_1132, %select_n3A_1108 : vector<16xf32>
      %select_n3A_1135 = arith.select %gt3A_1134, %get3A_1132, %select_n3A_1108 : vector<16xi1>, vector<16xf32>
      %select_n3A_1136 = arith.select %gt3A_1133, %max3A_1111, %select_n3A_1135 : vector<16xi1>, vector<16xf32>
      %select_n3A_1137 = arith.select %gt3A_1134, %broadcast_in_dim3A_1127, %select_n3A_1110 : vector<16xi1>, vector<16xi32>
      %select_n3A_1138 = arith.select %gt3A_1133, %select_n3A_1112, %select_n3A_1137 : vector<16xi1>, vector<16xi32>
      %max3A_1139 = arith.maximumf %max3A_1111, %get3A_1132 : vector<16xf32>
      %select_n3A_1140 = arith.select %gt3A_1133, %broadcast_in_dim3A_1127, %select_n3A_1112 : vector<16xi1>, vector<16xi32>
      %get3A_1141 = arith.constant 40 : i32
      %get3A_1142 = arith.index_cast %get3A_1141 : i32 to index
      %get3A_1143 = arith.index_cast %add3A_16 : i32 to index
      %get3A_1144 = tpu.vector_load %arg5[%get3A_1142, %get3A_1143] {strides = array<i32>} : memref<64x512xf32, #tpu.memory_space<vmem>>, vector<1x16xf32>,
      %get3A_1145 = vector.shape_cast %get3A_1144 : vector<1x16xf32> to vector<16xf32>
      %gt3A_1146 = arith.cmpf ogt, %get3A_1145, %max3A_1124 : vector<16xf32>
      %gt3A_1147 = arith.cmpf ogt, %get3A_1145, %select_n3A_1121 : vector<16xf32>
      %select_n3A_1148 = arith.select %gt3A_1147, %get3A_1145, %select_n3A_1121 : vector<16xi1>, vector<16xf32>
      %select_n3A_1149 = arith.select %gt3A_1146, %max3A_1124, %select_n3A_1148 : vector<16xi1>, vector<16xf32>
      %select_n3A_1150 = arith.select %gt3A_1147, %broadcast_in_dim3A_1127, %select_n3A_1123 : vector<16xi1>, vector<16xi32>
      %select_n3A_1151 = arith.select %gt3A_1146, %select_n3A_1125, %select_n3A_1150 : vector<16xi1>, vector<16xi32>
      %max3A_1152 = arith.maximumf %max3A_1124, %get3A_1145 : vector<16xf32>
      %select_n3A_1153 = arith.select %gt3A_1146, %broadcast_in_dim3A_1127, %select_n3A_1125 : vector<16xi1>, vector<16xi32>
      %broadcast_in_dim3A_1154 = arith.constant 41 : i32
      %broadcast_in_dim3A_1155 = vector.broadcast %broadcast_in_dim3A_1154 : i32 to vector<16xi32>
      %get3A_1156 = arith.constant 41 : i32
      %get3A_1157 = arith.index_cast %get3A_1156 : i32 to index
      %get3A_1158 = arith.index_cast %mul3A_12 : i32 to index
      %get3A_1159 = tpu.vector_load %arg5[%get3A_1157, %get3A_1158] {strides = array<i32>} : memref<64x512xf32, #tpu.memory_space<vmem>>, vector<1x16xf32>,
      %get3A_1160 = vector.shape_cast %get3A_1159 : vector<1x16xf32> to vector<16xf32>
      %gt3A_1161 = arith.cmpf ogt, %get3A_1160, %max3A_1139 : vector<16xf32>
      %gt3A_1162 = arith.cmpf ogt, %get3A_1160, %select_n3A_1136 : vector<16xf32>
      %select_n3A_1163 = arith.select %gt3A_1162, %get3A_1160, %select_n3A_1136 : vector<16xi1>, vector<16xf32>
      %select_n3A_1164 = arith.select %gt3A_1161, %max3A_1139, %select_n3A_1163 : vector<16xi1>, vector<16xf32>
      %select_n3A_1165 = arith.select %gt3A_1162, %broadcast_in_dim3A_1155, %select_n3A_1138 : vector<16xi1>, vector<16xi32>
      %select_n3A_1166 = arith.select %gt3A_1161, %select_n3A_1140, %select_n3A_1165 : vector<16xi1>, vector<16xi32>
      %max3A_1167 = arith.maximumf %max3A_1139, %get3A_1160 : vector<16xf32>
      %select_n3A_1168 = arith.select %gt3A_1161, %broadcast_in_dim3A_1155, %select_n3A_1140 : vector<16xi1>, vector<16xi32>
      %get3A_1169 = arith.constant 41 : i32
      %get3A_1170 = arith.index_cast %get3A_1169 : i32 to index
      %get3A_1171 = arith.index_cast %add3A_16 : i32 to index
      %get3A_1172 = tpu.vector_load %arg5[%get3A_1170, %get3A_1171] {strides = array<i32>} : memref<64x512xf32, #tpu.memory_space<vmem>>, vector<1x16xf32>,
      %get3A_1173 = vector.shape_cast %get3A_1172 : vector<1x16xf32> to vector<16xf32>
      %gt3A_1174 = arith.cmpf ogt, %get3A_1173, %max3A_1152 : vector<16xf32>
      %gt3A_1175 = arith.cmpf ogt, %get3A_1173, %select_n3A_1149 : vector<16xf32>
      %select_n3A_1176 = arith.select %gt3A_1175, %get3A_1173, %select_n3A_1149 : vector<16xi1>, vector<16xf32>
      %select_n3A_1177 = arith.select %gt3A_1174, %max3A_1152, %select_n3A_1176 : vector<16xi1>, vector<16xf32>
      %select_n3A_1178 = arith.select %gt3A_1175, %broadcast_in_dim3A_1155, %select_n3A_1151 : vector<16xi1>, vector<16xi32>
      %select_n3A_1179 = arith.select %gt3A_1174, %select_n3A_1153, %select_n3A_1178 : vector<16xi1>, vector<16xi32>
      %max3A_1180 = arith.maximumf %max3A_1152, %get3A_1173 : vector<16xf32>
      %select_n3A_1181 = arith.select %gt3A_1174, %broadcast_in_dim3A_1155, %select_n3A_1153 : vector<16xi1>, vector<16xi32>
      %broadcast_in_dim3A_1182 = arith.constant 42 : i32
      %broadcast_in_dim3A_1183 = vector.broadcast %broadcast_in_dim3A_1182 : i32 to vector<16xi32>
      %get3A_1184 = arith.constant 42 : i32
      %get3A_1185 = arith.index_cast %get3A_1184 : i32 to index
      %get3A_1186 = arith.index_cast %mul3A_12 : i32 to index
      %get3A_1187 = tpu.vector_load %arg5[%get3A_1185, %get3A_1186] {strides = array<i32>} : memref<64x512xf32, #tpu.memory_space<vmem>>, vector<1x16xf32>,
      %get3A_1188 = vector.shape_cast %get3A_1187 : vector<1x16xf32> to vector<16xf32>
      %gt3A_1189 = arith.cmpf ogt, %get3A_1188, %max3A_1167 : vector<16xf32>
      %gt3A_1190 = arith.cmpf ogt, %get3A_1188, %select_n3A_1164 : vector<16xf32>
      %select_n3A_1191 = arith.select %gt3A_1190, %get3A_1188, %select_n3A_1164 : vector<16xi1>, vector<16xf32>
      %select_n3A_1192 = arith.select %gt3A_1189, %max3A_1167, %select_n3A_1191 : vector<16xi1>, vector<16xf32>
      %select_n3A_1193 = arith.select %gt3A_1190, %broadcast_in_dim3A_1183, %select_n3A_1166 : vector<16xi1>, vector<16xi32>
      %select_n3A_1194 = arith.select %gt3A_1189, %select_n3A_1168, %select_n3A_1193 : vector<16xi1>, vector<16xi32>
      %max3A_1195 = arith.maximumf %max3A_1167, %get3A_1188 : vector<16xf32>
      %select_n3A_1196 = arith.select %gt3A_1189, %broadcast_in_dim3A_1183, %select_n3A_1168 : vector<16xi1>, vector<16xi32>
      %get3A_1197 = arith.constant 42 : i32
      %get3A_1198 = arith.index_cast %get3A_1197 : i32 to index
      %get3A_1199 = arith.index_cast %add3A_16 : i32 to index
      %get3A_1200 = tpu.vector_load %arg5[%get3A_1198, %get3A_1199] {strides = array<i32>} : memref<64x512xf32, #tpu.memory_space<vmem>>, vector<1x16xf32>,
      %get3A_1201 = vector.shape_cast %get3A_1200 : vector<1x16xf32> to vector<16xf32>
      %gt3A_1202 = arith.cmpf ogt, %get3A_1201, %max3A_1180 : vector<16xf32>
      %gt3A_1203 = arith.cmpf ogt, %get3A_1201, %select_n3A_1177 : vector<16xf32>
      %select_n3A_1204 = arith.select %gt3A_1203, %get3A_1201, %select_n3A_1177 : vector<16xi1>, vector<16xf32>
      %select_n3A_1205 = arith.select %gt3A_1202, %max3A_1180, %select_n3A_1204 : vector<16xi1>, vector<16xf32>
      %select_n3A_1206 = arith.select %gt3A_1203, %broadcast_in_dim3A_1183, %select_n3A_1179 : vector<16xi1>, vector<16xi32>
      %select_n3A_1207 = arith.select %gt3A_1202, %select_n3A_1181, %select_n3A_1206 : vector<16xi1>, vector<16xi32>
      %max3A_1208 = arith.maximumf %max3A_1180, %get3A_1201 : vector<16xf32>
      %select_n3A_1209 = arith.select %gt3A_1202, %broadcast_in_dim3A_1183, %select_n3A_1181 : vector<16xi1>, vector<16xi32>
      %broadcast_in_dim3A_1210 = arith.constant 43 : i32
      %broadcast_in_dim3A_1211 = vector.broadcast %broadcast_in_dim3A_1210 : i32 to vector<16xi32>
      %get3A_1212 = arith.constant 43 : i32
      %get3A_1213 = arith.index_cast %get3A_1212 : i32 to index
      %get3A_1214 = arith.index_cast %mul3A_12 : i32 to index
      %get3A_1215 = tpu.vector_load %arg5[%get3A_1213, %get3A_1214] {strides = array<i32>} : memref<64x512xf32, #tpu.memory_space<vmem>>, vector<1x16xf32>,
      %get3A_1216 = vector.shape_cast %get3A_1215 : vector<1x16xf32> to vector<16xf32>
      %gt3A_1217 = arith.cmpf ogt, %get3A_1216, %max3A_1195 : vector<16xf32>
      %gt3A_1218 = arith.cmpf ogt, %get3A_1216, %select_n3A_1192 : vector<16xf32>
      %select_n3A_1219 = arith.select %gt3A_1218, %get3A_1216, %select_n3A_1192 : vector<16xi1>, vector<16xf32>
      %select_n3A_1220 = arith.select %gt3A_1217, %max3A_1195, %select_n3A_1219 : vector<16xi1>, vector<16xf32>
      %select_n3A_1221 = arith.select %gt3A_1218, %broadcast_in_dim3A_1211, %select_n3A_1194 : vector<16xi1>, vector<16xi32>
      %select_n3A_1222 = arith.select %gt3A_1217, %select_n3A_1196, %select_n3A_1221 : vector<16xi1>, vector<16xi32>
      %max3A_1223 = arith.maximumf %max3A_1195, %get3A_1216 : vector<16xf32>
      %select_n3A_1224 = arith.select %gt3A_1217, %broadcast_in_dim3A_1211, %select_n3A_1196 : vector<16xi1>, vector<16xi32>
      %get3A_1225 = arith.constant 43 : i32
      %get3A_1226 = arith.index_cast %get3A_1225 : i32 to index
      %get3A_1227 = arith.index_cast %add3A_16 : i32 to index
      %get3A_1228 = tpu.vector_load %arg5[%get3A_1226, %get3A_1227] {strides = array<i32>} : memref<64x512xf32, #tpu.memory_space<vmem>>, vector<1x16xf32>,
      %get3A_1229 = vector.shape_cast %get3A_1228 : vector<1x16xf32> to vector<16xf32>
      %gt3A_1230 = arith.cmpf ogt, %get3A_1229, %max3A_1208 : vector<16xf32>
      %gt3A_1231 = arith.cmpf ogt, %get3A_1229, %select_n3A_1205 : vector<16xf32>
      %select_n3A_1232 = arith.select %gt3A_1231, %get3A_1229, %select_n3A_1205 : vector<16xi1>, vector<16xf32>
      %select_n3A_1233 = arith.select %gt3A_1230, %max3A_1208, %select_n3A_1232 : vector<16xi1>, vector<16xf32>
      %select_n3A_1234 = arith.select %gt3A_1231, %broadcast_in_dim3A_1211, %select_n3A_1207 : vector<16xi1>, vector<16xi32>
      %select_n3A_1235 = arith.select %gt3A_1230, %select_n3A_1209, %select_n3A_1234 : vector<16xi1>, vector<16xi32>
      %max3A_1236 = arith.maximumf %max3A_1208, %get3A_1229 : vector<16xf32>
      %select_n3A_1237 = arith.select %gt3A_1230, %broadcast_in_dim3A_1211, %select_n3A_1209 : vector<16xi1>, vector<16xi32>
      %broadcast_in_dim3A_1238 = arith.constant 44 : i32
      %broadcast_in_dim3A_1239 = vector.broadcast %broadcast_in_dim3A_1238 : i32 to vector<16xi32>
      %get3A_1240 = arith.constant 44 : i32
      %get3A_1241 = arith.index_cast %get3A_1240 : i32 to index
      %get3A_1242 = arith.index_cast %mul3A_12 : i32 to index
      %get3A_1243 = tpu.vector_load %arg5[%get3A_1241, %get3A_1242] {strides = array<i32>} : memref<64x512xf32, #tpu.memory_space<vmem>>, vector<1x16xf32>,
      %get3A_1244 = vector.shape_cast %get3A_1243 : vector<1x16xf32> to vector<16xf32>
      %gt3A_1245 = arith.cmpf ogt, %get3A_1244, %max3A_1223 : vector<16xf32>
      %gt3A_1246 = arith.cmpf ogt, %get3A_1244, %select_n3A_1220 : vector<16xf32>
      %select_n3A_1247 = arith.select %gt3A_1246, %get3A_1244, %select_n3A_1220 : vector<16xi1>, vector<16xf32>
      %select_n3A_1248 = arith.select %gt3A_1245, %max3A_1223, %select_n3A_1247 : vector<16xi1>, vector<16xf32>
      %select_n3A_1249 = arith.select %gt3A_1246, %broadcast_in_dim3A_1239, %select_n3A_1222 : vector<16xi1>, vector<16xi32>
      %select_n3A_1250 = arith.select %gt3A_1245, %select_n3A_1224, %select_n3A_1249 : vector<16xi1>, vector<16xi32>
      %max3A_1251 = arith.maximumf %max3A_1223, %get3A_1244 : vector<16xf32>
      %select_n3A_1252 = arith.select %gt3A_1245, %broadcast_in_dim3A_1239, %select_n3A_1224 : vector<16xi1>, vector<16xi32>
      %get3A_1253 = arith.constant 44 : i32
      %get3A_1254 = arith.index_cast %get3A_1253 : i32 to index
      %get3A_1255 = arith.index_cast %add3A_16 : i32 to index
      %get3A_1256 = tpu.vector_load %arg5[%get3A_1254, %get3A_1255] {strides = array<i32>} : memref<64x512xf32, #tpu.memory_space<vmem>>, vector<1x16xf32>,
      %get3A_1257 = vector.shape_cast %get3A_1256 : vector<1x16xf32> to vector<16xf32>
      %gt3A_1258 = arith.cmpf ogt, %get3A_1257, %max3A_1236 : vector<16xf32>
      %gt3A_1259 = arith.cmpf ogt, %get3A_1257, %select_n3A_1233 : vector<16xf32>
      %select_n3A_1260 = arith.select %gt3A_1259, %get3A_1257, %select_n3A_1233 : vector<16xi1>, vector<16xf32>
      %select_n3A_1261 = arith.select %gt3A_1258, %max3A_1236, %select_n3A_1260 : vector<16xi1>, vector<16xf32>
      %select_n3A_1262 = arith.select %gt3A_1259, %broadcast_in_dim3A_1239, %select_n3A_1235 : vector<16xi1>, vector<16xi32>
      %select_n3A_1263 = arith.select %gt3A_1258, %select_n3A_1237, %select_n3A_1262 : vector<16xi1>, vector<16xi32>
      %max3A_1264 = arith.maximumf %max3A_1236, %get3A_1257 : vector<16xf32>
      %select_n3A_1265 = arith.select %gt3A_1258, %broadcast_in_dim3A_1239, %select_n3A_1237 : vector<16xi1>, vector<16xi32>
      %broadcast_in_dim3A_1266 = arith.constant 45 : i32
      %broadcast_in_dim3A_1267 = vector.broadcast %broadcast_in_dim3A_1266 : i32 to vector<16xi32>
      %get3A_1268 = arith.constant 45 : i32
      %get3A_1269 = arith.index_cast %get3A_1268 : i32 to index
      %get3A_1270 = arith.index_cast %mul3A_12 : i32 to index
      %get3A_1271 = tpu.vector_load %arg5[%get3A_1269, %get3A_1270] {strides = array<i32>} : memref<64x512xf32, #tpu.memory_space<vmem>>, vector<1x16xf32>,
      %get3A_1272 = vector.shape_cast %get3A_1271 : vector<1x16xf32> to vector<16xf32>
      %gt3A_1273 = arith.cmpf ogt, %get3A_1272, %max3A_1251 : vector<16xf32>
      %gt3A_1274 = arith.cmpf ogt, %get3A_1272, %select_n3A_1248 : vector<16xf32>
      %select_n3A_1275 = arith.select %gt3A_1274, %get3A_1272, %select_n3A_1248 : vector<16xi1>, vector<16xf32>
      %select_n3A_1276 = arith.select %gt3A_1273, %max3A_1251, %select_n3A_1275 : vector<16xi1>, vector<16xf32>
      %select_n3A_1277 = arith.select %gt3A_1274, %broadcast_in_dim3A_1267, %select_n3A_1250 : vector<16xi1>, vector<16xi32>
      %select_n3A_1278 = arith.select %gt3A_1273, %select_n3A_1252, %select_n3A_1277 : vector<16xi1>, vector<16xi32>
      %max3A_1279 = arith.maximumf %max3A_1251, %get3A_1272 : vector<16xf32>
      %select_n3A_1280 = arith.select %gt3A_1273, %broadcast_in_dim3A_1267, %select_n3A_1252 : vector<16xi1>, vector<16xi32>
      %get3A_1281 = arith.constant 45 : i32
      %get3A_1282 = arith.index_cast %get3A_1281 : i32 to index
      %get3A_1283 = arith.index_cast %add3A_16 : i32 to index
      %get3A_1284 = tpu.vector_load %arg5[%get3A_1282, %get3A_1283] {strides = array<i32>} : memref<64x512xf32, #tpu.memory_space<vmem>>, vector<1x16xf32>,
      %get3A_1285 = vector.shape_cast %get3A_1284 : vector<1x16xf32> to vector<16xf32>
      %gt3A_1286 = arith.cmpf ogt, %get3A_1285, %max3A_1264 : vector<16xf32>
      %gt3A_1287 = arith.cmpf ogt, %get3A_1285, %select_n3A_1261 : vector<16xf32>
      %select_n3A_1288 = arith.select %gt3A_1287, %get3A_1285, %select_n3A_1261 : vector<16xi1>, vector<16xf32>
      %select_n3A_1289 = arith.select %gt3A_1286, %max3A_1264, %select_n3A_1288 : vector<16xi1>, vector<16xf32>
      %select_n3A_1290 = arith.select %gt3A_1287, %broadcast_in_dim3A_1267, %select_n3A_1263 : vector<16xi1>, vector<16xi32>
      %select_n3A_1291 = arith.select %gt3A_1286, %select_n3A_1265, %select_n3A_1290 : vector<16xi1>, vector<16xi32>
      %max3A_1292 = arith.maximumf %max3A_1264, %get3A_1285 : vector<16xf32>
      %select_n3A_1293 = arith.select %gt3A_1286, %broadcast_in_dim3A_1267, %select_n3A_1265 : vector<16xi1>, vector<16xi32>
      %broadcast_in_dim3A_1294 = arith.constant 46 : i32
      %broadcast_in_dim3A_1295 = vector.broadcast %broadcast_in_dim3A_1294 : i32 to vector<16xi32>
      %get3A_1296 = arith.constant 46 : i32
      %get3A_1297 = arith.index_cast %get3A_1296 : i32 to index
      %get3A_1298 = arith.index_cast %mul3A_12 : i32 to index
      %get3A_1299 = tpu.vector_load %arg5[%get3A_1297, %get3A_1298] {strides = array<i32>} : memref<64x512xf32, #tpu.memory_space<vmem>>, vector<1x16xf32>,
      %get3A_1300 = vector.shape_cast %get3A_1299 : vector<1x16xf32> to vector<16xf32>
      %gt3A_1301 = arith.cmpf ogt, %get3A_1300, %max3A_1279 : vector<16xf32>
      %gt3A_1302 = arith.cmpf ogt, %get3A_1300, %select_n3A_1276 : vector<16xf32>
      %select_n3A_1303 = arith.select %gt3A_1302, %get3A_1300, %select_n3A_1276 : vector<16xi1>, vector<16xf32>
      %select_n3A_1304 = arith.select %gt3A_1301, %max3A_1279, %select_n3A_1303 : vector<16xi1>, vector<16xf32>
      %select_n3A_1305 = arith.select %gt3A_1302, %broadcast_in_dim3A_1295, %select_n3A_1278 : vector<16xi1>, vector<16xi32>
      %select_n3A_1306 = arith.select %gt3A_1301, %select_n3A_1280, %select_n3A_1305 : vector<16xi1>, vector<16xi32>
      %max3A_1307 = arith.maximumf %max3A_1279, %get3A_1300 : vector<16xf32>
      %select_n3A_1308 = arith.select %gt3A_1301, %broadcast_in_dim3A_1295, %select_n3A_1280 : vector<16xi1>, vector<16xi32>
      %get3A_1309 = arith.constant 46 : i32
      %get3A_1310 = arith.index_cast %get3A_1309 : i32 to index
      %get3A_1311 = arith.index_cast %add3A_16 : i32 to index
      %get3A_1312 = tpu.vector_load %arg5[%get3A_1310, %get3A_1311] {strides = array<i32>} : memref<64x512xf32, #tpu.memory_space<vmem>>, vector<1x16xf32>,
      %get3A_1313 = vector.shape_cast %get3A_1312 : vector<1x16xf32> to vector<16xf32>
      %gt3A_1314 = arith.cmpf ogt, %get3A_1313, %max3A_1292 : vector<16xf32>
      %gt3A_1315 = arith.cmpf ogt, %get3A_1313, %select_n3A_1289 : vector<16xf32>
      %select_n3A_1316 = arith.select %gt3A_1315, %get3A_1313, %select_n3A_1289 : vector<16xi1>, vector<16xf32>
      %select_n3A_1317 = arith.select %gt3A_1314, %max3A_1292, %select_n3A_1316 : vector<16xi1>, vector<16xf32>
      %select_n3A_1318 = arith.select %gt3A_1315, %broadcast_in_dim3A_1295, %select_n3A_1291 : vector<16xi1>, vector<16xi32>
      %select_n3A_1319 = arith.select %gt3A_1314, %select_n3A_1293, %select_n3A_1318 : vector<16xi1>, vector<16xi32>
      %max3A_1320 = arith.maximumf %max3A_1292, %get3A_1313 : vector<16xf32>
      %select_n3A_1321 = arith.select %gt3A_1314, %broadcast_in_dim3A_1295, %select_n3A_1293 : vector<16xi1>, vector<16xi32>
      %broadcast_in_dim3A_1322 = arith.constant 47 : i32
      %broadcast_in_dim3A_1323 = vector.broadcast %broadcast_in_dim3A_1322 : i32 to vector<16xi32>
      %get3A_1324 = arith.constant 47 : i32
      %get3A_1325 = arith.index_cast %get3A_1324 : i32 to index
      %get3A_1326 = arith.index_cast %mul3A_12 : i32 to index
      %get3A_1327 = tpu.vector_load %arg5[%get3A_1325, %get3A_1326] {strides = array<i32>} : memref<64x512xf32, #tpu.memory_space<vmem>>, vector<1x16xf32>,
      %get3A_1328 = vector.shape_cast %get3A_1327 : vector<1x16xf32> to vector<16xf32>
      %gt3A_1329 = arith.cmpf ogt, %get3A_1328, %max3A_1307 : vector<16xf32>
      %gt3A_1330 = arith.cmpf ogt, %get3A_1328, %select_n3A_1304 : vector<16xf32>
      %select_n3A_1331 = arith.select %gt3A_1330, %get3A_1328, %select_n3A_1304 : vector<16xi1>, vector<16xf32>
      %select_n3A_1332 = arith.select %gt3A_1329, %max3A_1307, %select_n3A_1331 : vector<16xi1>, vector<16xf32>
      %select_n3A_1333 = arith.select %gt3A_1330, %broadcast_in_dim3A_1323, %select_n3A_1306 : vector<16xi1>, vector<16xi32>
      %select_n3A_1334 = arith.select %gt3A_1329, %select_n3A_1308, %select_n3A_1333 : vector<16xi1>, vector<16xi32>
      %max3A_1335 = arith.maximumf %max3A_1307, %get3A_1328 : vector<16xf32>
      %select_n3A_1336 = arith.select %gt3A_1329, %broadcast_in_dim3A_1323, %select_n3A_1308 : vector<16xi1>, vector<16xi32>
      %get3A_1337 = arith.constant 47 : i32
      %get3A_1338 = arith.index_cast %get3A_1337 : i32 to index
      %get3A_1339 = arith.index_cast %add3A_16 : i32 to index
      %get3A_1340 = tpu.vector_load %arg5[%get3A_1338, %get3A_1339] {strides = array<i32>} : memref<64x512xf32, #tpu.memory_space<vmem>>, vector<1x16xf32>,
      %get3A_1341 = vector.shape_cast %get3A_1340 : vector<1x16xf32> to vector<16xf32>
      %gt3A_1342 = arith.cmpf ogt, %get3A_1341, %max3A_1320 : vector<16xf32>
      %gt3A_1343 = arith.cmpf ogt, %get3A_1341, %select_n3A_1317 : vector<16xf32>
      %select_n3A_1344 = arith.select %gt3A_1343, %get3A_1341, %select_n3A_1317 : vector<16xi1>, vector<16xf32>
      %select_n3A_1345 = arith.select %gt3A_1342, %max3A_1320, %select_n3A_1344 : vector<16xi1>, vector<16xf32>
      %select_n3A_1346 = arith.select %gt3A_1343, %broadcast_in_dim3A_1323, %select_n3A_1319 : vector<16xi1>, vector<16xi32>
      %select_n3A_1347 = arith.select %gt3A_1342, %select_n3A_1321, %select_n3A_1346 : vector<16xi1>, vector<16xi32>
      %max3A_1348 = arith.maximumf %max3A_1320, %get3A_1341 : vector<16xf32>
      %select_n3A_1349 = arith.select %gt3A_1342, %broadcast_in_dim3A_1323, %select_n3A_1321 : vector<16xi1>, vector<16xi32>
      %broadcast_in_dim3A_1350 = arith.constant 48 : i32
      %broadcast_in_dim3A_1351 = vector.broadcast %broadcast_in_dim3A_1350 : i32 to vector<16xi32>
      %get3A_1352 = arith.constant 48 : i32
      %get3A_1353 = arith.index_cast %get3A_1352 : i32 to index
      %get3A_1354 = arith.index_cast %mul3A_12 : i32 to index
      %get3A_1355 = tpu.vector_load %arg5[%get3A_1353, %get3A_1354] {strides = array<i32>} : memref<64x512xf32, #tpu.memory_space<vmem>>, vector<1x16xf32>,
      %get3A_1356 = vector.shape_cast %get3A_1355 : vector<1x16xf32> to vector<16xf32>
      %gt3A_1357 = arith.cmpf ogt, %get3A_1356, %max3A_1335 : vector<16xf32>
      %gt3A_1358 = arith.cmpf ogt, %get3A_1356, %select_n3A_1332 : vector<16xf32>
      %select_n3A_1359 = arith.select %gt3A_1358, %get3A_1356, %select_n3A_1332 : vector<16xi1>, vector<16xf32>
      %select_n3A_1360 = arith.select %gt3A_1357, %max3A_1335, %select_n3A_1359 : vector<16xi1>, vector<16xf32>
      %select_n3A_1361 = arith.select %gt3A_1358, %broadcast_in_dim3A_1351, %select_n3A_1334 : vector<16xi1>, vector<16xi32>
      %select_n3A_1362 = arith.select %gt3A_1357, %select_n3A_1336, %select_n3A_1361 : vector<16xi1>, vector<16xi32>
      %max3A_1363 = arith.maximumf %max3A_1335, %get3A_1356 : vector<16xf32>
      %select_n3A_1364 = arith.select %gt3A_1357, %broadcast_in_dim3A_1351, %select_n3A_1336 : vector<16xi1>, vector<16xi32>
      %get3A_1365 = arith.constant 48 : i32
      %get3A_1366 = arith.index_cast %get3A_1365 : i32 to index
      %get3A_1367 = arith.index_cast %add3A_16 : i32 to index
      %get3A_1368 = tpu.vector_load %arg5[%get3A_1366, %get3A_1367] {strides = array<i32>} : memref<64x512xf32, #tpu.memory_space<vmem>>, vector<1x16xf32>,
      %get3A_1369 = vector.shape_cast %get3A_1368 : vector<1x16xf32> to vector<16xf32>
      %gt3A_1370 = arith.cmpf ogt, %get3A_1369, %max3A_1348 : vector<16xf32>
      %gt3A_1371 = arith.cmpf ogt, %get3A_1369, %select_n3A_1345 : vector<16xf32>
      %select_n3A_1372 = arith.select %gt3A_1371, %get3A_1369, %select_n3A_1345 : vector<16xi1>, vector<16xf32>
      %select_n3A_1373 = arith.select %gt3A_1370, %max3A_1348, %select_n3A_1372 : vector<16xi1>, vector<16xf32>
      %select_n3A_1374 = arith.select %gt3A_1371, %broadcast_in_dim3A_1351, %select_n3A_1347 : vector<16xi1>, vector<16xi32>
      %select_n3A_1375 = arith.select %gt3A_1370, %select_n3A_1349, %select_n3A_1374 : vector<16xi1>, vector<16xi32>
      %max3A_1376 = arith.maximumf %max3A_1348, %get3A_1369 : vector<16xf32>
      %select_n3A_1377 = arith.select %gt3A_1370, %broadcast_in_dim3A_1351, %select_n3A_1349 : vector<16xi1>, vector<16xi32>
      %broadcast_in_dim3A_1378 = arith.constant 49 : i32
      %broadcast_in_dim3A_1379 = vector.broadcast %broadcast_in_dim3A_1378 : i32 to vector<16xi32>
      %get3A_1380 = arith.constant 49 : i32
      %get3A_1381 = arith.index_cast %get3A_1380 : i32 to index
      %get3A_1382 = arith.index_cast %mul3A_12 : i32 to index
      %get3A_1383 = tpu.vector_load %arg5[%get3A_1381, %get3A_1382] {strides = array<i32>} : memref<64x512xf32, #tpu.memory_space<vmem>>, vector<1x16xf32>,
      %get3A_1384 = vector.shape_cast %get3A_1383 : vector<1x16xf32> to vector<16xf32>
      %gt3A_1385 = arith.cmpf ogt, %get3A_1384, %max3A_1363 : vector<16xf32>
      %gt3A_1386 = arith.cmpf ogt, %get3A_1384, %select_n3A_1360 : vector<16xf32>
      %select_n3A_1387 = arith.select %gt3A_1386, %get3A_1384, %select_n3A_1360 : vector<16xi1>, vector<16xf32>
      %select_n3A_1388 = arith.select %gt3A_1385, %max3A_1363, %select_n3A_1387 : vector<16xi1>, vector<16xf32>
      %select_n3A_1389 = arith.select %gt3A_1386, %broadcast_in_dim3A_1379, %select_n3A_1362 : vector<16xi1>, vector<16xi32>
      %select_n3A_1390 = arith.select %gt3A_1385, %select_n3A_1364, %select_n3A_1389 : vector<16xi1>, vector<16xi32>
      %max3A_1391 = arith.maximumf %max3A_1363, %get3A_1384 : vector<16xf32>
      %select_n3A_1392 = arith.select %gt3A_1385, %broadcast_in_dim3A_1379, %select_n3A_1364 : vector<16xi1>, vector<16xi32>
      %get3A_1393 = arith.constant 49 : i32
      %get3A_1394 = arith.index_cast %get3A_1393 : i32 to index
      %get3A_1395 = arith.index_cast %add3A_16 : i32 to index
      %get3A_1396 = tpu.vector_load %arg5[%get3A_1394, %get3A_1395] {strides = array<i32>} : memref<64x512xf32, #tpu.memory_space<vmem>>, vector<1x16xf32>,
      %get3A_1397 = vector.shape_cast %get3A_1396 : vector<1x16xf32> to vector<16xf32>
      %gt3A_1398 = arith.cmpf ogt, %get3A_1397, %max3A_1376 : vector<16xf32>
      %gt3A_1399 = arith.cmpf ogt, %get3A_1397, %select_n3A_1373 : vector<16xf32>
      %select_n3A_1400 = arith.select %gt3A_1399, %get3A_1397, %select_n3A_1373 : vector<16xi1>, vector<16xf32>
      %select_n3A_1401 = arith.select %gt3A_1398, %max3A_1376, %select_n3A_1400 : vector<16xi1>, vector<16xf32>
      %select_n3A_1402 = arith.select %gt3A_1399, %broadcast_in_dim3A_1379, %select_n3A_1375 : vector<16xi1>, vector<16xi32>
      %select_n3A_1403 = arith.select %gt3A_1398, %select_n3A_1377, %select_n3A_1402 : vector<16xi1>, vector<16xi32>
      %max3A_1404 = arith.maximumf %max3A_1376, %get3A_1397 : vector<16xf32>
      %select_n3A_1405 = arith.select %gt3A_1398, %broadcast_in_dim3A_1379, %select_n3A_1377 : vector<16xi1>, vector<16xi32>
      %broadcast_in_dim3A_1406 = arith.constant 50 : i32
      %broadcast_in_dim3A_1407 = vector.broadcast %broadcast_in_dim3A_1406 : i32 to vector<16xi32>
      %get3A_1408 = arith.constant 50 : i32
      %get3A_1409 = arith.index_cast %get3A_1408 : i32 to index
      %get3A_1410 = arith.index_cast %mul3A_12 : i32 to index
      %get3A_1411 = tpu.vector_load %arg5[%get3A_1409, %get3A_1410] {strides = array<i32>} : memref<64x512xf32, #tpu.memory_space<vmem>>, vector<1x16xf32>,
      %get3A_1412 = vector.shape_cast %get3A_1411 : vector<1x16xf32> to vector<16xf32>
      %gt3A_1413 = arith.cmpf ogt, %get3A_1412, %max3A_1391 : vector<16xf32>
      %gt3A_1414 = arith.cmpf ogt, %get3A_1412, %select_n3A_1388 : vector<16xf32>
      %select_n3A_1415 = arith.select %gt3A_1414, %get3A_1412, %select_n3A_1388 : vector<16xi1>, vector<16xf32>
      %select_n3A_1416 = arith.select %gt3A_1413, %max3A_1391, %select_n3A_1415 : vector<16xi1>, vector<16xf32>
      %select_n3A_1417 = arith.select %gt3A_1414, %broadcast_in_dim3A_1407, %select_n3A_1390 : vector<16xi1>, vector<16xi32>
      %select_n3A_1418 = arith.select %gt3A_1413, %select_n3A_1392, %select_n3A_1417 : vector<16xi1>, vector<16xi32>
      %max3A_1419 = arith.maximumf %max3A_1391, %get3A_1412 : vector<16xf32>
      %select_n3A_1420 = arith.select %gt3A_1413, %broadcast_in_dim3A_1407, %select_n3A_1392 : vector<16xi1>, vector<16xi32>
      %get3A_1421 = arith.constant 50 : i32
      %get3A_1422 = arith.index_cast %get3A_1421 : i32 to index
      %get3A_1423 = arith.index_cast %add3A_16 : i32 to index
      %get3A_1424 = tpu.vector_load %arg5[%get3A_1422, %get3A_1423] {strides = array<i32>} : memref<64x512xf32, #tpu.memory_space<vmem>>, vector<1x16xf32>,
      %get3A_1425 = vector.shape_cast %get3A_1424 : vector<1x16xf32> to vector<16xf32>
      %gt3A_1426 = arith.cmpf ogt, %get3A_1425, %max3A_1404 : vector<16xf32>
      %gt3A_1427 = arith.cmpf ogt, %get3A_1425, %select_n3A_1401 : vector<16xf32>
      %select_n3A_1428 = arith.select %gt3A_1427, %get3A_1425, %select_n3A_1401 : vector<16xi1>, vector<16xf32>
      %select_n3A_1429 = arith.select %gt3A_1426, %max3A_1404, %select_n3A_1428 : vector<16xi1>, vector<16xf32>
      %select_n3A_1430 = arith.select %gt3A_1427, %broadcast_in_dim3A_1407, %select_n3A_1403 : vector<16xi1>, vector<16xi32>
      %select_n3A_1431 = arith.select %gt3A_1426, %select_n3A_1405, %select_n3A_1430 : vector<16xi1>, vector<16xi32>
      %max3A_1432 = arith.maximumf %max3A_1404, %get3A_1425 : vector<16xf32>
      %select_n3A_1433 = arith.select %gt3A_1426, %broadcast_in_dim3A_1407, %select_n3A_1405 : vector<16xi1>, vector<16xi32>
      %broadcast_in_dim3A_1434 = arith.constant 51 : i32
      %broadcast_in_dim3A_1435 = vector.broadcast %broadcast_in_dim3A_1434 : i32 to vector<16xi32>
      %get3A_1436 = arith.constant 51 : i32
      %get3A_1437 = arith.index_cast %get3A_1436 : i32 to index
      %get3A_1438 = arith.index_cast %mul3A_12 : i32 to index
      %get3A_1439 = tpu.vector_load %arg5[%get3A_1437, %get3A_1438] {strides = array<i32>} : memref<64x512xf32, #tpu.memory_space<vmem>>, vector<1x16xf32>,
      %get3A_1440 = vector.shape_cast %get3A_1439 : vector<1x16xf32> to vector<16xf32>
      %gt3A_1441 = arith.cmpf ogt, %get3A_1440, %max3A_1419 : vector<16xf32>
      %gt3A_1442 = arith.cmpf ogt, %get3A_1440, %select_n3A_1416 : vector<16xf32>
      %select_n3A_1443 = arith.select %gt3A_1442, %get3A_1440, %select_n3A_1416 : vector<16xi1>, vector<16xf32>
      %select_n3A_1444 = arith.select %gt3A_1441, %max3A_1419, %select_n3A_1443 : vector<16xi1>, vector<16xf32>
      %select_n3A_1445 = arith.select %gt3A_1442, %broadcast_in_dim3A_1435, %select_n3A_1418 : vector<16xi1>, vector<16xi32>
      %select_n3A_1446 = arith.select %gt3A_1441, %select_n3A_1420, %select_n3A_1445 : vector<16xi1>, vector<16xi32>
      %max3A_1447 = arith.maximumf %max3A_1419, %get3A_1440 : vector<16xf32>
      %select_n3A_1448 = arith.select %gt3A_1441, %broadcast_in_dim3A_1435, %select_n3A_1420 : vector<16xi1>, vector<16xi32>
      %get3A_1449 = arith.constant 51 : i32
      %get3A_1450 = arith.index_cast %get3A_1449 : i32 to index
      %get3A_1451 = arith.index_cast %add3A_16 : i32 to index
      %get3A_1452 = tpu.vector_load %arg5[%get3A_1450, %get3A_1451] {strides = array<i32>} : memref<64x512xf32, #tpu.memory_space<vmem>>, vector<1x16xf32>,
      %get3A_1453 = vector.shape_cast %get3A_1452 : vector<1x16xf32> to vector<16xf32>
      %gt3A_1454 = arith.cmpf ogt, %get3A_1453, %max3A_1432 : vector<16xf32>
      %gt3A_1455 = arith.cmpf ogt, %get3A_1453, %select_n3A_1429 : vector<16xf32>
      %select_n3A_1456 = arith.select %gt3A_1455, %get3A_1453, %select_n3A_1429 : vector<16xi1>, vector<16xf32>
      %select_n3A_1457 = arith.select %gt3A_1454, %max3A_1432, %select_n3A_1456 : vector<16xi1>, vector<16xf32>
      %select_n3A_1458 = arith.select %gt3A_1455, %broadcast_in_dim3A_1435, %select_n3A_1431 : vector<16xi1>, vector<16xi32>
      %select_n3A_1459 = arith.select %gt3A_1454, %select_n3A_1433, %select_n3A_1458 : vector<16xi1>, vector<16xi32>
      %max3A_1460 = arith.maximumf %max3A_1432, %get3A_1453 : vector<16xf32>
      %select_n3A_1461 = arith.select %gt3A_1454, %broadcast_in_dim3A_1435, %select_n3A_1433 : vector<16xi1>, vector<16xi32>
      %broadcast_in_dim3A_1462 = arith.constant 52 : i32
      %broadcast_in_dim3A_1463 = vector.broadcast %broadcast_in_dim3A_1462 : i32 to vector<16xi32>
      %get3A_1464 = arith.constant 52 : i32
      %get3A_1465 = arith.index_cast %get3A_1464 : i32 to index
      %get3A_1466 = arith.index_cast %mul3A_12 : i32 to index
      %get3A_1467 = tpu.vector_load %arg5[%get3A_1465, %get3A_1466] {strides = array<i32>} : memref<64x512xf32, #tpu.memory_space<vmem>>, vector<1x16xf32>,
      %get3A_1468 = vector.shape_cast %get3A_1467 : vector<1x16xf32> to vector<16xf32>
      %gt3A_1469 = arith.cmpf ogt, %get3A_1468, %max3A_1447 : vector<16xf32>
      %gt3A_1470 = arith.cmpf ogt, %get3A_1468, %select_n3A_1444 : vector<16xf32>
      %select_n3A_1471 = arith.select %gt3A_1470, %get3A_1468, %select_n3A_1444 : vector<16xi1>, vector<16xf32>
      %select_n3A_1472 = arith.select %gt3A_1469, %max3A_1447, %select_n3A_1471 : vector<16xi1>, vector<16xf32>
      %select_n3A_1473 = arith.select %gt3A_1470, %broadcast_in_dim3A_1463, %select_n3A_1446 : vector<16xi1>, vector<16xi32>
      %select_n3A_1474 = arith.select %gt3A_1469, %select_n3A_1448, %select_n3A_1473 : vector<16xi1>, vector<16xi32>
      %max3A_1475 = arith.maximumf %max3A_1447, %get3A_1468 : vector<16xf32>
      %select_n3A_1476 = arith.select %gt3A_1469, %broadcast_in_dim3A_1463, %select_n3A_1448 : vector<16xi1>, vector<16xi32>
      %get3A_1477 = arith.constant 52 : i32
      %get3A_1478 = arith.index_cast %get3A_1477 : i32 to index
      %get3A_1479 = arith.index_cast %add3A_16 : i32 to index
      %get3A_1480 = tpu.vector_load %arg5[%get3A_1478, %get3A_1479] {strides = array<i32>} : memref<64x512xf32, #tpu.memory_space<vmem>>, vector<1x16xf32>,
      %get3A_1481 = vector.shape_cast %get3A_1480 : vector<1x16xf32> to vector<16xf32>
      %gt3A_1482 = arith.cmpf ogt, %get3A_1481, %max3A_1460 : vector<16xf32>
      %gt3A_1483 = arith.cmpf ogt, %get3A_1481, %select_n3A_1457 : vector<16xf32>
      %select_n3A_1484 = arith.select %gt3A_1483, %get3A_1481, %select_n3A_1457 : vector<16xi1>, vector<16xf32>
      %select_n3A_1485 = arith.select %gt3A_1482, %max3A_1460, %select_n3A_1484 : vector<16xi1>, vector<16xf32>
      %select_n3A_1486 = arith.select %gt3A_1483, %broadcast_in_dim3A_1463, %select_n3A_1459 : vector<16xi1>, vector<16xi32>
      %select_n3A_1487 = arith.select %gt3A_1482, %select_n3A_1461, %select_n3A_1486 : vector<16xi1>, vector<16xi32>
      %max3A_1488 = arith.maximumf %max3A_1460, %get3A_1481 : vector<16xf32>
      %select_n3A_1489 = arith.select %gt3A_1482, %broadcast_in_dim3A_1463, %select_n3A_1461 : vector<16xi1>, vector<16xi32>
      %broadcast_in_dim3A_1490 = arith.constant 53 : i32
      %broadcast_in_dim3A_1491 = vector.broadcast %broadcast_in_dim3A_1490 : i32 to vector<16xi32>
      %get3A_1492 = arith.constant 53 : i32
      %get3A_1493 = arith.index_cast %get3A_1492 : i32 to index
      %get3A_1494 = arith.index_cast %mul3A_12 : i32 to index
      %get3A_1495 = tpu.vector_load %arg5[%get3A_1493, %get3A_1494] {strides = array<i32>} : memref<64x512xf32, #tpu.memory_space<vmem>>, vector<1x16xf32>,
      %get3A_1496 = vector.shape_cast %get3A_1495 : vector<1x16xf32> to vector<16xf32>
      %gt3A_1497 = arith.cmpf ogt, %get3A_1496, %max3A_1475 : vector<16xf32>
      %gt3A_1498 = arith.cmpf ogt, %get3A_1496, %select_n3A_1472 : vector<16xf32>
      %select_n3A_1499 = arith.select %gt3A_1498, %get3A_1496, %select_n3A_1472 : vector<16xi1>, vector<16xf32>
      %select_n3A_1500 = arith.select %gt3A_1497, %max3A_1475, %select_n3A_1499 : vector<16xi1>, vector<16xf32>
      %select_n3A_1501 = arith.select %gt3A_1498, %broadcast_in_dim3A_1491, %select_n3A_1474 : vector<16xi1>, vector<16xi32>
      %select_n3A_1502 = arith.select %gt3A_1497, %select_n3A_1476, %select_n3A_1501 : vector<16xi1>, vector<16xi32>
      %max3A_1503 = arith.maximumf %max3A_1475, %get3A_1496 : vector<16xf32>
      %select_n3A_1504 = arith.select %gt3A_1497, %broadcast_in_dim3A_1491, %select_n3A_1476 : vector<16xi1>, vector<16xi32>
      %get3A_1505 = arith.constant 53 : i32
      %get3A_1506 = arith.index_cast %get3A_1505 : i32 to index
      %get3A_1507 = arith.index_cast %add3A_16 : i32 to index
      %get3A_1508 = tpu.vector_load %arg5[%get3A_1506, %get3A_1507] {strides = array<i32>} : memref<64x512xf32, #tpu.memory_space<vmem>>, vector<1x16xf32>,
      %get3A_1509 = vector.shape_cast %get3A_1508 : vector<1x16xf32> to vector<16xf32>
      %gt3A_1510 = arith.cmpf ogt, %get3A_1509, %max3A_1488 : vector<16xf32>
      %gt3A_1511 = arith.cmpf ogt, %get3A_1509, %select_n3A_1485 : vector<16xf32>
      %select_n3A_1512 = arith.select %gt3A_1511, %get3A_1509, %select_n3A_1485 : vector<16xi1>, vector<16xf32>
      %select_n3A_1513 = arith.select %gt3A_1510, %max3A_1488, %select_n3A_1512 : vector<16xi1>, vector<16xf32>
      %select_n3A_1514 = arith.select %gt3A_1511, %broadcast_in_dim3A_1491, %select_n3A_1487 : vector<16xi1>, vector<16xi32>
      %select_n3A_1515 = arith.select %gt3A_1510, %select_n3A_1489, %select_n3A_1514 : vector<16xi1>, vector<16xi32>
      %max3A_1516 = arith.maximumf %max3A_1488, %get3A_1509 : vector<16xf32>
      %select_n3A_1517 = arith.select %gt3A_1510, %broadcast_in_dim3A_1491, %select_n3A_1489 : vector<16xi1>, vector<16xi32>
      %broadcast_in_dim3A_1518 = arith.constant 54 : i32
      %broadcast_in_dim3A_1519 = vector.broadcast %broadcast_in_dim3A_1518 : i32 to vector<16xi32>
      %get3A_1520 = arith.constant 54 : i32
      %get3A_1521 = arith.index_cast %get3A_1520 : i32 to index
      %get3A_1522 = arith.index_cast %mul3A_12 : i32 to index
      %get3A_1523 = tpu.vector_load %arg5[%get3A_1521, %get3A_1522] {strides = array<i32>} : memref<64x512xf32, #tpu.memory_space<vmem>>, vector<1x16xf32>,
      %get3A_1524 = vector.shape_cast %get3A_1523 : vector<1x16xf32> to vector<16xf32>
      %gt3A_1525 = arith.cmpf ogt, %get3A_1524, %max3A_1503 : vector<16xf32>
      %gt3A_1526 = arith.cmpf ogt, %get3A_1524, %select_n3A_1500 : vector<16xf32>
      %select_n3A_1527 = arith.select %gt3A_1526, %get3A_1524, %select_n3A_1500 : vector<16xi1>, vector<16xf32>
      %select_n3A_1528 = arith.select %gt3A_1525, %max3A_1503, %select_n3A_1527 : vector<16xi1>, vector<16xf32>
      %select_n3A_1529 = arith.select %gt3A_1526, %broadcast_in_dim3A_1519, %select_n3A_1502 : vector<16xi1>, vector<16xi32>
      %select_n3A_1530 = arith.select %gt3A_1525, %select_n3A_1504, %select_n3A_1529 : vector<16xi1>, vector<16xi32>
      %max3A_1531 = arith.maximumf %max3A_1503, %get3A_1524 : vector<16xf32>
      %select_n3A_1532 = arith.select %gt3A_1525, %broadcast_in_dim3A_1519, %select_n3A_1504 : vector<16xi1>, vector<16xi32>
      %get3A_1533 = arith.constant 54 : i32
      %get3A_1534 = arith.index_cast %get3A_1533 : i32 to index
      %get3A_1535 = arith.index_cast %add3A_16 : i32 to index
      %get3A_1536 = tpu.vector_load %arg5[%get3A_1534, %get3A_1535] {strides = array<i32>} : memref<64x512xf32, #tpu.memory_space<vmem>>, vector<1x16xf32>,
      %get3A_1537 = vector.shape_cast %get3A_1536 : vector<1x16xf32> to vector<16xf32>
      %gt3A_1538 = arith.cmpf ogt, %get3A_1537, %max3A_1516 : vector<16xf32>
      %gt3A_1539 = arith.cmpf ogt, %get3A_1537, %select_n3A_1513 : vector<16xf32>
      %select_n3A_1540 = arith.select %gt3A_1539, %get3A_1537, %select_n3A_1513 : vector<16xi1>, vector<16xf32>
      %select_n3A_1541 = arith.select %gt3A_1538, %max3A_1516, %select_n3A_1540 : vector<16xi1>, vector<16xf32>
      %select_n3A_1542 = arith.select %gt3A_1539, %broadcast_in_dim3A_1519, %select_n3A_1515 : vector<16xi1>, vector<16xi32>
      %select_n3A_1543 = arith.select %gt3A_1538, %select_n3A_1517, %select_n3A_1542 : vector<16xi1>, vector<16xi32>
      %max3A_1544 = arith.maximumf %max3A_1516, %get3A_1537 : vector<16xf32>
      %select_n3A_1545 = arith.select %gt3A_1538, %broadcast_in_dim3A_1519, %select_n3A_1517 : vector<16xi1>, vector<16xi32>
      %broadcast_in_dim3A_1546 = arith.constant 55 : i32
      %broadcast_in_dim3A_1547 = vector.broadcast %broadcast_in_dim3A_1546 : i32 to vector<16xi32>
      %get3A_1548 = arith.constant 55 : i32
      %get3A_1549 = arith.index_cast %get3A_1548 : i32 to index
      %get3A_1550 = arith.index_cast %mul3A_12 : i32 to index
      %get3A_1551 = tpu.vector_load %arg5[%get3A_1549, %get3A_1550] {strides = array<i32>} : memref<64x512xf32, #tpu.memory_space<vmem>>, vector<1x16xf32>,
      %get3A_1552 = vector.shape_cast %get3A_1551 : vector<1x16xf32> to vector<16xf32>
      %gt3A_1553 = arith.cmpf ogt, %get3A_1552, %max3A_1531 : vector<16xf32>
      %gt3A_1554 = arith.cmpf ogt, %get3A_1552, %select_n3A_1528 : vector<16xf32>
      %select_n3A_1555 = arith.select %gt3A_1554, %get3A_1552, %select_n3A_1528 : vector<16xi1>, vector<16xf32>
      %select_n3A_1556 = arith.select %gt3A_1553, %max3A_1531, %select_n3A_1555 : vector<16xi1>, vector<16xf32>
      %select_n3A_1557 = arith.select %gt3A_1554, %broadcast_in_dim3A_1547, %select_n3A_1530 : vector<16xi1>, vector<16xi32>
      %select_n3A_1558 = arith.select %gt3A_1553, %select_n3A_1532, %select_n3A_1557 : vector<16xi1>, vector<16xi32>
      %max3A_1559 = arith.maximumf %max3A_1531, %get3A_1552 : vector<16xf32>
      %select_n3A_1560 = arith.select %gt3A_1553, %broadcast_in_dim3A_1547, %select_n3A_1532 : vector<16xi1>, vector<16xi32>
      %get3A_1561 = arith.constant 55 : i32
      %get3A_1562 = arith.index_cast %get3A_1561 : i32 to index
      %get3A_1563 = arith.index_cast %add3A_16 : i32 to index
      %get3A_1564 = tpu.vector_load %arg5[%get3A_1562, %get3A_1563] {strides = array<i32>} : memref<64x512xf32, #tpu.memory_space<vmem>>, vector<1x16xf32>,
      %get3A_1565 = vector.shape_cast %get3A_1564 : vector<1x16xf32> to vector<16xf32>
      %gt3A_1566 = arith.cmpf ogt, %get3A_1565, %max3A_1544 : vector<16xf32>
      %gt3A_1567 = arith.cmpf ogt, %get3A_1565, %select_n3A_1541 : vector<16xf32>
      %select_n3A_1568 = arith.select %gt3A_1567, %get3A_1565, %select_n3A_1541 : vector<16xi1>, vector<16xf32>
      %select_n3A_1569 = arith.select %gt3A_1566, %max3A_1544, %select_n3A_1568 : vector<16xi1>, vector<16xf32>
      %select_n3A_1570 = arith.select %gt3A_1567, %broadcast_in_dim3A_1547, %select_n3A_1543 : vector<16xi1>, vector<16xi32>
      %select_n3A_1571 = arith.select %gt3A_1566, %select_n3A_1545, %select_n3A_1570 : vector<16xi1>, vector<16xi32>
      %max3A_1572 = arith.maximumf %max3A_1544, %get3A_1565 : vector<16xf32>
      %select_n3A_1573 = arith.select %gt3A_1566, %broadcast_in_dim3A_1547, %select_n3A_1545 : vector<16xi1>, vector<16xi32>
      %broadcast_in_dim3A_1574 = arith.constant 56 : i32
      %broadcast_in_dim3A_1575 = vector.broadcast %broadcast_in_dim3A_1574 : i32 to vector<16xi32>
      %get3A_1576 = arith.constant 56 : i32
      %get3A_1577 = arith.index_cast %get3A_1576 : i32 to index
      %get3A_1578 = arith.index_cast %mul3A_12 : i32 to index
      %get3A_1579 = tpu.vector_load %arg5[%get3A_1577, %get3A_1578] {strides = array<i32>} : memref<64x512xf32, #tpu.memory_space<vmem>>, vector<1x16xf32>,
      %get3A_1580 = vector.shape_cast %get3A_1579 : vector<1x16xf32> to vector<16xf32>
      %gt3A_1581 = arith.cmpf ogt, %get3A_1580, %max3A_1559 : vector<16xf32>
      %gt3A_1582 = arith.cmpf ogt, %get3A_1580, %select_n3A_1556 : vector<16xf32>
      %select_n3A_1583 = arith.select %gt3A_1582, %get3A_1580, %select_n3A_1556 : vector<16xi1>, vector<16xf32>
      %select_n3A_1584 = arith.select %gt3A_1581, %max3A_1559, %select_n3A_1583 : vector<16xi1>, vector<16xf32>
      %select_n3A_1585 = arith.select %gt3A_1582, %broadcast_in_dim3A_1575, %select_n3A_1558 : vector<16xi1>, vector<16xi32>
      %select_n3A_1586 = arith.select %gt3A_1581, %select_n3A_1560, %select_n3A_1585 : vector<16xi1>, vector<16xi32>
      %max3A_1587 = arith.maximumf %max3A_1559, %get3A_1580 : vector<16xf32>
      %select_n3A_1588 = arith.select %gt3A_1581, %broadcast_in_dim3A_1575, %select_n3A_1560 : vector<16xi1>, vector<16xi32>
      %get3A_1589 = arith.constant 56 : i32
      %get3A_1590 = arith.index_cast %get3A_1589 : i32 to index
      %get3A_1591 = arith.index_cast %add3A_16 : i32 to index
      %get3A_1592 = tpu.vector_load %arg5[%get3A_1590, %get3A_1591] {strides = array<i32>} : memref<64x512xf32, #tpu.memory_space<vmem>>, vector<1x16xf32>,
      %get3A_1593 = vector.shape_cast %get3A_1592 : vector<1x16xf32> to vector<16xf32>
      %gt3A_1594 = arith.cmpf ogt, %get3A_1593, %max3A_1572 : vector<16xf32>
      %gt3A_1595 = arith.cmpf ogt, %get3A_1593, %select_n3A_1569 : vector<16xf32>
      %select_n3A_1596 = arith.select %gt3A_1595, %get3A_1593, %select_n3A_1569 : vector<16xi1>, vector<16xf32>
      %select_n3A_1597 = arith.select %gt3A_1594, %max3A_1572, %select_n3A_1596 : vector<16xi1>, vector<16xf32>
      %select_n3A_1598 = arith.select %gt3A_1595, %broadcast_in_dim3A_1575, %select_n3A_1571 : vector<16xi1>, vector<16xi32>
      %select_n3A_1599 = arith.select %gt3A_1594, %select_n3A_1573, %select_n3A_1598 : vector<16xi1>, vector<16xi32>
      %max3A_1600 = arith.maximumf %max3A_1572, %get3A_1593 : vector<16xf32>
      %select_n3A_1601 = arith.select %gt3A_1594, %broadcast_in_dim3A_1575, %select_n3A_1573 : vector<16xi1>, vector<16xi32>
      %broadcast_in_dim3A_1602 = arith.constant 57 : i32
      %broadcast_in_dim3A_1603 = vector.broadcast %broadcast_in_dim3A_1602 : i32 to vector<16xi32>
      %get3A_1604 = arith.constant 57 : i32
      %get3A_1605 = arith.index_cast %get3A_1604 : i32 to index
      %get3A_1606 = arith.index_cast %mul3A_12 : i32 to index
      %get3A_1607 = tpu.vector_load %arg5[%get3A_1605, %get3A_1606] {strides = array<i32>} : memref<64x512xf32, #tpu.memory_space<vmem>>, vector<1x16xf32>,
      %get3A_1608 = vector.shape_cast %get3A_1607 : vector<1x16xf32> to vector<16xf32>
      %gt3A_1609 = arith.cmpf ogt, %get3A_1608, %max3A_1587 : vector<16xf32>
      %gt3A_1610 = arith.cmpf ogt, %get3A_1608, %select_n3A_1584 : vector<16xf32>
      %select_n3A_1611 = arith.select %gt3A_1610, %get3A_1608, %select_n3A_1584 : vector<16xi1>, vector<16xf32>
      %select_n3A_1612 = arith.select %gt3A_1609, %max3A_1587, %select_n3A_1611 : vector<16xi1>, vector<16xf32>
      %select_n3A_1613 = arith.select %gt3A_1610, %broadcast_in_dim3A_1603, %select_n3A_1586 : vector<16xi1>, vector<16xi32>
      %select_n3A_1614 = arith.select %gt3A_1609, %select_n3A_1588, %select_n3A_1613 : vector<16xi1>, vector<16xi32>
      %max3A_1615 = arith.maximumf %max3A_1587, %get3A_1608 : vector<16xf32>
      %select_n3A_1616 = arith.select %gt3A_1609, %broadcast_in_dim3A_1603, %select_n3A_1588 : vector<16xi1>, vector<16xi32>
      %get3A_1617 = arith.constant 57 : i32
      %get3A_1618 = arith.index_cast %get3A_1617 : i32 to index
      %get3A_1619 = arith.index_cast %add3A_16 : i32 to index
      %get3A_1620 = tpu.vector_load %arg5[%get3A_1618, %get3A_1619] {strides = array<i32>} : memref<64x512xf32, #tpu.memory_space<vmem>>, vector<1x16xf32>,
      %get3A_1621 = vector.shape_cast %get3A_1620 : vector<1x16xf32> to vector<16xf32>
      %gt3A_1622 = arith.cmpf ogt, %get3A_1621, %max3A_1600 : vector<16xf32>
      %gt3A_1623 = arith.cmpf ogt, %get3A_1621, %select_n3A_1597 : vector<16xf32>
      %select_n3A_1624 = arith.select %gt3A_1623, %get3A_1621, %select_n3A_1597 : vector<16xi1>, vector<16xf32>
      %select_n3A_1625 = arith.select %gt3A_1622, %max3A_1600, %select_n3A_1624 : vector<16xi1>, vector<16xf32>
      %select_n3A_1626 = arith.select %gt3A_1623, %broadcast_in_dim3A_1603, %select_n3A_1599 : vector<16xi1>, vector<16xi32>
      %select_n3A_1627 = arith.select %gt3A_1622, %select_n3A_1601, %select_n3A_1626 : vector<16xi1>, vector<16xi32>
      %max3A_1628 = arith.maximumf %max3A_1600, %get3A_1621 : vector<16xf32>
      %select_n3A_1629 = arith.select %gt3A_1622, %broadcast_in_dim3A_1603, %select_n3A_1601 : vector<16xi1>, vector<16xi32>
      %broadcast_in_dim3A_1630 = arith.constant 58 : i32
      %broadcast_in_dim3A_1631 = vector.broadcast %broadcast_in_dim3A_1630 : i32 to vector<16xi32>
      %get3A_1632 = arith.constant 58 : i32
      %get3A_1633 = arith.index_cast %get3A_1632 : i32 to index
      %get3A_1634 = arith.index_cast %mul3A_12 : i32 to index
      %get3A_1635 = tpu.vector_load %arg5[%get3A_1633, %get3A_1634] {strides = array<i32>} : memref<64x512xf32, #tpu.memory_space<vmem>>, vector<1x16xf32>,
      %get3A_1636 = vector.shape_cast %get3A_1635 : vector<1x16xf32> to vector<16xf32>
      %gt3A_1637 = arith.cmpf ogt, %get3A_1636, %max3A_1615 : vector<16xf32>
      %gt3A_1638 = arith.cmpf ogt, %get3A_1636, %select_n3A_1612 : vector<16xf32>
      %select_n3A_1639 = arith.select %gt3A_1638, %get3A_1636, %select_n3A_1612 : vector<16xi1>, vector<16xf32>
      %select_n3A_1640 = arith.select %gt3A_1637, %max3A_1615, %select_n3A_1639 : vector<16xi1>, vector<16xf32>
      %select_n3A_1641 = arith.select %gt3A_1638, %broadcast_in_dim3A_1631, %select_n3A_1614 : vector<16xi1>, vector<16xi32>
      %select_n3A_1642 = arith.select %gt3A_1637, %select_n3A_1616, %select_n3A_1641 : vector<16xi1>, vector<16xi32>
      %max3A_1643 = arith.maximumf %max3A_1615, %get3A_1636 : vector<16xf32>
      %select_n3A_1644 = arith.select %gt3A_1637, %broadcast_in_dim3A_1631, %select_n3A_1616 : vector<16xi1>, vector<16xi32>
      %get3A_1645 = arith.constant 58 : i32
      %get3A_1646 = arith.index_cast %get3A_1645 : i32 to index
      %get3A_1647 = arith.index_cast %add3A_16 : i32 to index
      %get3A_1648 = tpu.vector_load %arg5[%get3A_1646, %get3A_1647] {strides = array<i32>} : memref<64x512xf32, #tpu.memory_space<vmem>>, vector<1x16xf32>,
      %get3A_1649 = vector.shape_cast %get3A_1648 : vector<1x16xf32> to vector<16xf32>
      %gt3A_1650 = arith.cmpf ogt, %get3A_1649, %max3A_1628 : vector<16xf32>
      %gt3A_1651 = arith.cmpf ogt, %get3A_1649, %select_n3A_1625 : vector<16xf32>
      %select_n3A_1652 = arith.select %gt3A_1651, %get3A_1649, %select_n3A_1625 : vector<16xi1>, vector<16xf32>
      %select_n3A_1653 = arith.select %gt3A_1650, %max3A_1628, %select_n3A_1652 : vector<16xi1>, vector<16xf32>
      %select_n3A_1654 = arith.select %gt3A_1651, %broadcast_in_dim3A_1631, %select_n3A_1627 : vector<16xi1>, vector<16xi32>
      %select_n3A_1655 = arith.select %gt3A_1650, %select_n3A_1629, %select_n3A_1654 : vector<16xi1>, vector<16xi32>
      %max3A_1656 = arith.maximumf %max3A_1628, %get3A_1649 : vector<16xf32>
      %select_n3A_1657 = arith.select %gt3A_1650, %broadcast_in_dim3A_1631, %select_n3A_1629 : vector<16xi1>, vector<16xi32>
      %broadcast_in_dim3A_1658 = arith.constant 59 : i32
      %broadcast_in_dim3A_1659 = vector.broadcast %broadcast_in_dim3A_1658 : i32 to vector<16xi32>
      %get3A_1660 = arith.constant 59 : i32
      %get3A_1661 = arith.index_cast %get3A_1660 : i32 to index
      %get3A_1662 = arith.index_cast %mul3A_12 : i32 to index
      %get3A_1663 = tpu.vector_load %arg5[%get3A_1661, %get3A_1662] {strides = array<i32>} : memref<64x512xf32, #tpu.memory_space<vmem>>, vector<1x16xf32>,
      %get3A_1664 = vector.shape_cast %get3A_1663 : vector<1x16xf32> to vector<16xf32>
      %gt3A_1665 = arith.cmpf ogt, %get3A_1664, %max3A_1643 : vector<16xf32>
      %gt3A_1666 = arith.cmpf ogt, %get3A_1664, %select_n3A_1640 : vector<16xf32>
      %select_n3A_1667 = arith.select %gt3A_1666, %get3A_1664, %select_n3A_1640 : vector<16xi1>, vector<16xf32>
      %select_n3A_1668 = arith.select %gt3A_1665, %max3A_1643, %select_n3A_1667 : vector<16xi1>, vector<16xf32>
      %select_n3A_1669 = arith.select %gt3A_1666, %broadcast_in_dim3A_1659, %select_n3A_1642 : vector<16xi1>, vector<16xi32>
      %select_n3A_1670 = arith.select %gt3A_1665, %select_n3A_1644, %select_n3A_1669 : vector<16xi1>, vector<16xi32>
      %max3A_1671 = arith.maximumf %max3A_1643, %get3A_1664 : vector<16xf32>
      %select_n3A_1672 = arith.select %gt3A_1665, %broadcast_in_dim3A_1659, %select_n3A_1644 : vector<16xi1>, vector<16xi32>
      %get3A_1673 = arith.constant 59 : i32
      %get3A_1674 = arith.index_cast %get3A_1673 : i32 to index
      %get3A_1675 = arith.index_cast %add3A_16 : i32 to index
      %get3A_1676 = tpu.vector_load %arg5[%get3A_1674, %get3A_1675] {strides = array<i32>} : memref<64x512xf32, #tpu.memory_space<vmem>>, vector<1x16xf32>,
      %get3A_1677 = vector.shape_cast %get3A_1676 : vector<1x16xf32> to vector<16xf32>
      %gt3A_1678 = arith.cmpf ogt, %get3A_1677, %max3A_1656 : vector<16xf32>
      %gt3A_1679 = arith.cmpf ogt, %get3A_1677, %select_n3A_1653 : vector<16xf32>
      %select_n3A_1680 = arith.select %gt3A_1679, %get3A_1677, %select_n3A_1653 : vector<16xi1>, vector<16xf32>
      %select_n3A_1681 = arith.select %gt3A_1678, %max3A_1656, %select_n3A_1680 : vector<16xi1>, vector<16xf32>
      %select_n3A_1682 = arith.select %gt3A_1679, %broadcast_in_dim3A_1659, %select_n3A_1655 : vector<16xi1>, vector<16xi32>
      %select_n3A_1683 = arith.select %gt3A_1678, %select_n3A_1657, %select_n3A_1682 : vector<16xi1>, vector<16xi32>
      %max3A_1684 = arith.maximumf %max3A_1656, %get3A_1677 : vector<16xf32>
      %select_n3A_1685 = arith.select %gt3A_1678, %broadcast_in_dim3A_1659, %select_n3A_1657 : vector<16xi1>, vector<16xi32>
      %broadcast_in_dim3A_1686 = arith.constant 60 : i32
      %broadcast_in_dim3A_1687 = vector.broadcast %broadcast_in_dim3A_1686 : i32 to vector<16xi32>
      %get3A_1688 = arith.constant 60 : i32
      %get3A_1689 = arith.index_cast %get3A_1688 : i32 to index
      %get3A_1690 = arith.index_cast %mul3A_12 : i32 to index
      %get3A_1691 = tpu.vector_load %arg5[%get3A_1689, %get3A_1690] {strides = array<i32>} : memref<64x512xf32, #tpu.memory_space<vmem>>, vector<1x16xf32>,
      %get3A_1692 = vector.shape_cast %get3A_1691 : vector<1x16xf32> to vector<16xf32>
      %gt3A_1693 = arith.cmpf ogt, %get3A_1692, %max3A_1671 : vector<16xf32>
      %gt3A_1694 = arith.cmpf ogt, %get3A_1692, %select_n3A_1668 : vector<16xf32>
      %select_n3A_1695 = arith.select %gt3A_1694, %get3A_1692, %select_n3A_1668 : vector<16xi1>, vector<16xf32>
      %select_n3A_1696 = arith.select %gt3A_1693, %max3A_1671, %select_n3A_1695 : vector<16xi1>, vector<16xf32>
      %select_n3A_1697 = arith.select %gt3A_1694, %broadcast_in_dim3A_1687, %select_n3A_1670 : vector<16xi1>, vector<16xi32>
      %select_n3A_1698 = arith.select %gt3A_1693, %select_n3A_1672, %select_n3A_1697 : vector<16xi1>, vector<16xi32>
      %max3A_1699 = arith.maximumf %max3A_1671, %get3A_1692 : vector<16xf32>
      %select_n3A_1700 = arith.select %gt3A_1693, %broadcast_in_dim3A_1687, %select_n3A_1672 : vector<16xi1>, vector<16xi32>
      %get3A_1701 = arith.constant 60 : i32
      %get3A_1702 = arith.index_cast %get3A_1701 : i32 to index
      %get3A_1703 = arith.index_cast %add3A_16 : i32 to index
      %get3A_1704 = tpu.vector_load %arg5[%get3A_1702, %get3A_1703] {strides = array<i32>} : memref<64x512xf32, #tpu.memory_space<vmem>>, vector<1x16xf32>,
      %get3A_1705 = vector.shape_cast %get3A_1704 : vector<1x16xf32> to vector<16xf32>
      %gt3A_1706 = arith.cmpf ogt, %get3A_1705, %max3A_1684 : vector<16xf32>
      %gt3A_1707 = arith.cmpf ogt, %get3A_1705, %select_n3A_1681 : vector<16xf32>
      %select_n3A_1708 = arith.select %gt3A_1707, %get3A_1705, %select_n3A_1681 : vector<16xi1>, vector<16xf32>
      %select_n3A_1709 = arith.select %gt3A_1706, %max3A_1684, %select_n3A_1708 : vector<16xi1>, vector<16xf32>
      %select_n3A_1710 = arith.select %gt3A_1707, %broadcast_in_dim3A_1687, %select_n3A_1683 : vector<16xi1>, vector<16xi32>
      %select_n3A_1711 = arith.select %gt3A_1706, %select_n3A_1685, %select_n3A_1710 : vector<16xi1>, vector<16xi32>
      %max3A_1712 = arith.maximumf %max3A_1684, %get3A_1705 : vector<16xf32>
      %select_n3A_1713 = arith.select %gt3A_1706, %broadcast_in_dim3A_1687, %select_n3A_1685 : vector<16xi1>, vector<16xi32>
      %broadcast_in_dim3A_1714 = arith.constant 61 : i32
      %broadcast_in_dim3A_1715 = vector.broadcast %broadcast_in_dim3A_1714 : i32 to vector<16xi32>
      %get3A_1716 = arith.constant 61 : i32
      %get3A_1717 = arith.index_cast %get3A_1716 : i32 to index
      %get3A_1718 = arith.index_cast %mul3A_12 : i32 to index
      %get3A_1719 = tpu.vector_load %arg5[%get3A_1717, %get3A_1718] {strides = array<i32>} : memref<64x512xf32, #tpu.memory_space<vmem>>, vector<1x16xf32>,
      %get3A_1720 = vector.shape_cast %get3A_1719 : vector<1x16xf32> to vector<16xf32>
      %gt3A_1721 = arith.cmpf ogt, %get3A_1720, %max3A_1699 : vector<16xf32>
      %gt3A_1722 = arith.cmpf ogt, %get3A_1720, %select_n3A_1696 : vector<16xf32>
      %select_n3A_1723 = arith.select %gt3A_1722, %get3A_1720, %select_n3A_1696 : vector<16xi1>, vector<16xf32>
      %select_n3A_1724 = arith.select %gt3A_1721, %max3A_1699, %select_n3A_1723 : vector<16xi1>, vector<16xf32>
      %select_n3A_1725 = arith.select %gt3A_1722, %broadcast_in_dim3A_1715, %select_n3A_1698 : vector<16xi1>, vector<16xi32>
      %select_n3A_1726 = arith.select %gt3A_1721, %select_n3A_1700, %select_n3A_1725 : vector<16xi1>, vector<16xi32>
      %max3A_1727 = arith.maximumf %max3A_1699, %get3A_1720 : vector<16xf32>
      %select_n3A_1728 = arith.select %gt3A_1721, %broadcast_in_dim3A_1715, %select_n3A_1700 : vector<16xi1>, vector<16xi32>
      %get3A_1729 = arith.constant 61 : i32
      %get3A_1730 = arith.index_cast %get3A_1729 : i32 to index
      %get3A_1731 = arith.index_cast %add3A_16 : i32 to index
      %get3A_1732 = tpu.vector_load %arg5[%get3A_1730, %get3A_1731] {strides = array<i32>} : memref<64x512xf32, #tpu.memory_space<vmem>>, vector<1x16xf32>,
      %get3A_1733 = vector.shape_cast %get3A_1732 : vector<1x16xf32> to vector<16xf32>
      %gt3A_1734 = arith.cmpf ogt, %get3A_1733, %max3A_1712 : vector<16xf32>
      %gt3A_1735 = arith.cmpf ogt, %get3A_1733, %select_n3A_1709 : vector<16xf32>
      %select_n3A_1736 = arith.select %gt3A_1735, %get3A_1733, %select_n3A_1709 : vector<16xi1>, vector<16xf32>
      %select_n3A_1737 = arith.select %gt3A_1734, %max3A_1712, %select_n3A_1736 : vector<16xi1>, vector<16xf32>
      %select_n3A_1738 = arith.select %gt3A_1735, %broadcast_in_dim3A_1715, %select_n3A_1711 : vector<16xi1>, vector<16xi32>
      %select_n3A_1739 = arith.select %gt3A_1734, %select_n3A_1713, %select_n3A_1738 : vector<16xi1>, vector<16xi32>
      %max3A_1740 = arith.maximumf %max3A_1712, %get3A_1733 : vector<16xf32>
      %select_n3A_1741 = arith.select %gt3A_1734, %broadcast_in_dim3A_1715, %select_n3A_1713 : vector<16xi1>, vector<16xi32>
      %broadcast_in_dim3A_1742 = arith.constant 62 : i32
      %broadcast_in_dim3A_1743 = vector.broadcast %broadcast_in_dim3A_1742 : i32 to vector<16xi32>
      %get3A_1744 = arith.constant 62 : i32
      %get3A_1745 = arith.index_cast %get3A_1744 : i32 to index
      %get3A_1746 = arith.index_cast %mul3A_12 : i32 to index
      %get3A_1747 = tpu.vector_load %arg5[%get3A_1745, %get3A_1746] {strides = array<i32>} : memref<64x512xf32, #tpu.memory_space<vmem>>, vector<1x16xf32>,
      %get3A_1748 = vector.shape_cast %get3A_1747 : vector<1x16xf32> to vector<16xf32>
      %gt3A_1749 = arith.cmpf ogt, %get3A_1748, %max3A_1727 : vector<16xf32>
      %gt3A_1750 = arith.cmpf ogt, %get3A_1748, %select_n3A_1724 : vector<16xf32>
      %select_n3A_1751 = arith.select %gt3A_1750, %get3A_1748, %select_n3A_1724 : vector<16xi1>, vector<16xf32>
      %select_n3A_1752 = arith.select %gt3A_1749, %max3A_1727, %select_n3A_1751 : vector<16xi1>, vector<16xf32>
      %select_n3A_1753 = arith.select %gt3A_1750, %broadcast_in_dim3A_1743, %select_n3A_1726 : vector<16xi1>, vector<16xi32>
      %select_n3A_1754 = arith.select %gt3A_1749, %select_n3A_1728, %select_n3A_1753 : vector<16xi1>, vector<16xi32>
      %max3A_1755 = arith.maximumf %max3A_1727, %get3A_1748 : vector<16xf32>
      %select_n3A_1756 = arith.select %gt3A_1749, %broadcast_in_dim3A_1743, %select_n3A_1728 : vector<16xi1>, vector<16xi32>
      %get3A_1757 = arith.constant 62 : i32
      %get3A_1758 = arith.index_cast %get3A_1757 : i32 to index
      %get3A_1759 = arith.index_cast %add3A_16 : i32 to index
      %get3A_1760 = tpu.vector_load %arg5[%get3A_1758, %get3A_1759] {strides = array<i32>} : memref<64x512xf32, #tpu.memory_space<vmem>>, vector<1x16xf32>,
      %get3A_1761 = vector.shape_cast %get3A_1760 : vector<1x16xf32> to vector<16xf32>
      %gt3A_1762 = arith.cmpf ogt, %get3A_1761, %max3A_1740 : vector<16xf32>
      %gt3A_1763 = arith.cmpf ogt, %get3A_1761, %select_n3A_1737 : vector<16xf32>
      %select_n3A_1764 = arith.select %gt3A_1763, %get3A_1761, %select_n3A_1737 : vector<16xi1>, vector<16xf32>
      %select_n3A_1765 = arith.select %gt3A_1762, %max3A_1740, %select_n3A_1764 : vector<16xi1>, vector<16xf32>
      %select_n3A_1766 = arith.select %gt3A_1763, %broadcast_in_dim3A_1743, %select_n3A_1739 : vector<16xi1>, vector<16xi32>
      %select_n3A_1767 = arith.select %gt3A_1762, %select_n3A_1741, %select_n3A_1766 : vector<16xi1>, vector<16xi32>
      %max3A_1768 = arith.maximumf %max3A_1740, %get3A_1761 : vector<16xf32>
      %select_n3A_1769 = arith.select %gt3A_1762, %broadcast_in_dim3A_1743, %select_n3A_1741 : vector<16xi1>, vector<16xi32>
      %broadcast_in_dim3A_1770 = arith.constant 63 : i32
      %broadcast_in_dim3A_1771 = vector.broadcast %broadcast_in_dim3A_1770 : i32 to vector<16xi32>
      %get3A_1772 = arith.constant 63 : i32
      %get3A_1773 = arith.index_cast %get3A_1772 : i32 to index
      %get3A_1774 = arith.index_cast %mul3A_12 : i32 to index
      %get3A_1775 = tpu.vector_load %arg5[%get3A_1773, %get3A_1774] {strides = array<i32>} : memref<64x512xf32, #tpu.memory_space<vmem>>, vector<1x16xf32>,
      %get3A_1776 = vector.shape_cast %get3A_1775 : vector<1x16xf32> to vector<16xf32>
      %gt3A_1777 = arith.cmpf ogt, %get3A_1776, %max3A_1755 : vector<16xf32>
      %gt3A_1778 = arith.cmpf ogt, %get3A_1776, %select_n3A_1752 : vector<16xf32>
      %select_n3A_1779 = arith.select %gt3A_1778, %get3A_1776, %select_n3A_1752 : vector<16xi1>, vector<16xf32>
      %select_n3A_1780 = arith.select %gt3A_1777, %max3A_1755, %select_n3A_1779 : vector<16xi1>, vector<16xf32>
      %select_n3A_1781 = arith.select %gt3A_1778, %broadcast_in_dim3A_1771, %select_n3A_1754 : vector<16xi1>, vector<16xi32>
      %select_n3A_1782 = arith.select %gt3A_1777, %select_n3A_1756, %select_n3A_1781 : vector<16xi1>, vector<16xi32>
      %max3A_1783 = arith.maximumf %max3A_1755, %get3A_1776 : vector<16xf32>
      %select_n3A_1784 = arith.select %gt3A_1777, %broadcast_in_dim3A_1771, %select_n3A_1756 : vector<16xi1>, vector<16xi32>
      %get3A_1785 = arith.constant 63 : i32
      %get3A_1786 = arith.index_cast %get3A_1785 : i32 to index
      %get3A_1787 = arith.index_cast %add3A_16 : i32 to index
      %get3A_1788 = tpu.vector_load %arg5[%get3A_1786, %get3A_1787] {strides = array<i32>} : memref<64x512xf32, #tpu.memory_space<vmem>>, vector<1x16xf32>,
      %get3A_1789 = vector.shape_cast %get3A_1788 : vector<1x16xf32> to vector<16xf32>
      %gt3A_1790 = arith.cmpf ogt, %get3A_1789, %max3A_1768 : vector<16xf32>
      %gt3A_1791 = arith.cmpf ogt, %get3A_1789, %select_n3A_1765 : vector<16xf32>
      %select_n3A_1792 = arith.select %gt3A_1791, %get3A_1789, %select_n3A_1765 : vector<16xi1>, vector<16xf32>
      %select_n3A_1793 = arith.select %gt3A_1790, %max3A_1768, %select_n3A_1792 : vector<16xi1>, vector<16xf32>
      %select_n3A_1794 = arith.select %gt3A_1791, %broadcast_in_dim3A_1771, %select_n3A_1767 : vector<16xi1>, vector<16xi32>
      %select_n3A_1795 = arith.select %gt3A_1790, %select_n3A_1769, %select_n3A_1794 : vector<16xi1>, vector<16xi32>
      %max3A_1796 = arith.maximumf %max3A_1768, %get3A_1789 : vector<16xf32>
      %select_n3A_1797 = arith.select %gt3A_1790, %broadcast_in_dim3A_1771, %select_n3A_1769 : vector<16xi1>, vector<16xi32>
      %sub3A = arith.subf %select_n3A_1780, %max3A_1783 : vector<16xf32>
      %exp3A = math.exp %sub3A : vector<16xf32>
      %add3A_1798 = arith.constant 1.000000e+00 : f32
      %add3A_1799 = vector.broadcast %add3A_1798 : f32 to vector<16xf32>
      %add3A_1800 = arith.addf %add3A_1799, %exp3A : vector<16xf32>
      %div3A = arith.constant 1.000000e+00 : f32
      %div3A_1801 = vector.broadcast %div3A : f32 to vector<16xf32>
      %div3A_1802 = arith.divf %div3A_1801, %add3A_1800 : vector<16xf32>
      %swap3A = arith.constant 0 : i32
      %swap3A_1803 = arith.index_cast %swap3A : i32 to index
      %swap3A_1804 = arith.index_cast %mul3A_12 : i32 to index
      %swap3A_1805 = tpu.vector_load %arg6[%swap3A_1803, %swap3A_1804] {strides = array<i32>} : memref<2x512xi32, #tpu.memory_space<vmem>>, vector<1x16xi32>,
      %swap3A_1806 = vector.shape_cast %swap3A_1805 : vector<1x16xi32> to vector<16xi32>
      %swap3A_1807 = vector.shape_cast %select_n3A_1784 : vector<16xi32> to vector<1x16xi32>
      tpu.vector_store %arg6[%swap3A_1803, %swap3A_1804], %swap3A_1807 {strides = array<i32>} : memref<2x512xi32, #tpu.memory_space<vmem>>, vector<1x16xi32>,
      %swap3A_1808 = arith.constant 1 : i32
      %swap3A_1809 = arith.index_cast %swap3A_1808 : i32 to index
      %swap3A_1810 = arith.index_cast %mul3A_12 : i32 to index
      %swap3A_1811 = tpu.vector_load %arg6[%swap3A_1809, %swap3A_1810] {strides = array<i32>} : memref<2x512xi32, #tpu.memory_space<vmem>>, vector<1x16xi32>,
      %swap3A_1812 = vector.shape_cast %swap3A_1811 : vector<1x16xi32> to vector<16xi32>
      %swap3A_1813 = vector.shape_cast %select_n3A_1782 : vector<16xi32> to vector<1x16xi32>
      tpu.vector_store %arg6[%swap3A_1809, %swap3A_1810], %swap3A_1813 {strides = array<i32>} : memref<2x512xi32, #tpu.memory_space<vmem>>, vector<1x16xi32>,
      %swap3A_1814 = arith.constant 0 : i32
      %swap3A_1815 = arith.index_cast %swap3A_1814 : i32 to index
      %swap3A_1816 = arith.index_cast %mul3A_12 : i32 to index
      %swap3A_1817 = tpu.vector_load %arg7[%swap3A_1815, %swap3A_1816] {strides = array<i32>} : memref<2x512xf32, #tpu.memory_space<vmem>>, vector<1x16xf32>,
      %swap3A_1818 = vector.shape_cast %swap3A_1817 : vector<1x16xf32> to vector<16xf32>
      %swap3A_1819 = vector.shape_cast %div3A_1802 : vector<16xf32> to vector<1x16xf32>
      tpu.vector_store %arg7[%swap3A_1815, %swap3A_1816], %swap3A_1819 {strides = array<i32>} : memref<2x512xf32, #tpu.memory_space<vmem>>, vector<1x16xf32>,
      %sub3A_1820 = arith.constant 1.000000e+00 : f32
      %sub3A_1821 = vector.broadcast %sub3A_1820 : f32 to vector<16xf32>
      %sub3A_1822 = arith.subf %sub3A_1821, %div3A_1802 : vector<16xf32>
      %swap3A_1823 = arith.constant 1 : i32
      %swap3A_1824 = arith.index_cast %swap3A_1823 : i32 to index
      %swap3A_1825 = arith.index_cast %mul3A_12 : i32 to index
      %swap3A_1826 = tpu.vector_load %arg7[%swap3A_1824, %swap3A_1825] {strides = array<i32>} : memref<2x512xf32, #tpu.memory_space<vmem>>, vector<1x16xf32>,
      %swap3A_1827 = vector.shape_cast %swap3A_1826 : vector<1x16xf32> to vector<16xf32>
      %swap3A_1828 = vector.shape_cast %sub3A_1822 : vector<16xf32> to vector<1x16xf32>
      tpu.vector_store %arg7[%swap3A_1824, %swap3A_1825], %swap3A_1828 {strides = array<i32>} : memref<2x512xf32, #tpu.memory_space<vmem>>, vector<1x16xf32>,
      %sub3A_1829 = arith.subf %select_n3A_1793, %max3A_1796 : vector<16xf32>
      %exp3A_1830 = math.exp %sub3A_1829 : vector<16xf32>
      %add3A_1831 = arith.constant 1.000000e+00 : f32
      %add3A_1832 = vector.broadcast %add3A_1831 : f32 to vector<16xf32>
      %add3A_1833 = arith.addf %add3A_1832, %exp3A_1830 : vector<16xf32>
      %div3A_1834 = arith.constant 1.000000e+00 : f32
      %div3A_1835 = vector.broadcast %div3A_1834 : f32 to vector<16xf32>
      %div3A_1836 = arith.divf %div3A_1835, %add3A_1833 : vector<16xf32>
      %swap3A_1837 = arith.constant 0 : i32
      %swap3A_1838 = arith.index_cast %swap3A_1837 : i32 to index
      %swap3A_1839 = arith.index_cast %add3A_16 : i32 to index
      %swap3A_1840 = tpu.vector_load %arg6[%swap3A_1838, %swap3A_1839] {strides = array<i32>} : memref<2x512xi32, #tpu.memory_space<vmem>>, vector<1x16xi32>,
      %swap3A_1841 = vector.shape_cast %swap3A_1840 : vector<1x16xi32> to vector<16xi32>
      %swap3A_1842 = vector.shape_cast %select_n3A_1797 : vector<16xi32> to vector<1x16xi32>
      tpu.vector_store %arg6[%swap3A_1838, %swap3A_1839], %swap3A_1842 {strides = array<i32>} : memref<2x512xi32, #tpu.memory_space<vmem>>, vector<1x16xi32>,
      %swap3A_1843 = arith.constant 1 : i32
      %swap3A_1844 = arith.index_cast %swap3A_1843 : i32 to index
      %swap3A_1845 = arith.index_cast %add3A_16 : i32 to index
      %swap3A_1846 = tpu.vector_load %arg6[%swap3A_1844, %swap3A_1845] {strides = array<i32>} : memref<2x512xi32, #tpu.memory_space<vmem>>, vector<1x16xi32>,
      %swap3A_1847 = vector.shape_cast %swap3A_1846 : vector<1x16xi32> to vector<16xi32>
      %swap3A_1848 = vector.shape_cast %select_n3A_1795 : vector<16xi32> to vector<1x16xi32>
      tpu.vector_store %arg6[%swap3A_1844, %swap3A_1845], %swap3A_1848 {strides = array<i32>} : memref<2x512xi32, #tpu.memory_space<vmem>>, vector<1x16xi32>,
      %swap3A_1849 = arith.constant 0 : i32
      %swap3A_1850 = arith.index_cast %swap3A_1849 : i32 to index
      %swap3A_1851 = arith.index_cast %add3A_16 : i32 to index
      %swap3A_1852 = tpu.vector_load %arg7[%swap3A_1850, %swap3A_1851] {strides = array<i32>} : memref<2x512xf32, #tpu.memory_space<vmem>>, vector<1x16xf32>,
      %swap3A_1853 = vector.shape_cast %swap3A_1852 : vector<1x16xf32> to vector<16xf32>
      %swap3A_1854 = vector.shape_cast %div3A_1836 : vector<16xf32> to vector<1x16xf32>
      tpu.vector_store %arg7[%swap3A_1850, %swap3A_1851], %swap3A_1854 {strides = array<i32>} : memref<2x512xf32, #tpu.memory_space<vmem>>, vector<1x16xf32>,
      %sub3A_1855 = arith.constant 1.000000e+00 : f32
      %sub3A_1856 = vector.broadcast %sub3A_1855 : f32 to vector<16xf32>
      %sub3A_1857 = arith.subf %sub3A_1856, %div3A_1836 : vector<16xf32>
      %swap3A_1858 = arith.constant 1 : i32
      %swap3A_1859 = arith.index_cast %swap3A_1858 : i32 to index
      %swap3A_1860 = arith.index_cast %add3A_16 : i32 to index
      %swap3A_1861 = tpu.vector_load %arg7[%swap3A_1859, %swap3A_1860] {strides = array<i32>} : memref<2x512xf32, #tpu.memory_space<vmem>>, vector<1x16xf32>,
      %swap3A_1862 = vector.shape_cast %swap3A_1861 : vector<1x16xf32> to vector<16xf32>
      %swap3A_1863 = vector.shape_cast %sub3A_1857 : vector<16xf32> to vector<1x16xf32>
      tpu.vector_store %arg7[%swap3A_1859, %swap3A_1860], %swap3A_1863 {strides = array<i32>} : memref<2x512xf32, #tpu.memory_space<vmem>>, vector<1x16xf32>,
      %scan3A_1864 = arith.constant 0 : i32
      scf.yield %scan3A_1864 : i32
    }
    %scan3A_8 = arith.constant 16 : i32
    "tpu.region"() ({
      %run_scoped3A = tpu.sem_alloc : memref<!tpu.dma_semaphore, #tpu.memory_space<semaphore_mem>>
      %dma_start3A = arith.constant 0 : i32
      %dma_start3A_9 = tpu.memref_slice %arg3[%dma_start3A, %mul3A_2] : memref<2x16384xi32, #tpu.memory_space<hbm>> -> memref<2x512xi32, #tpu.memory_space<hbm>>
      %dma_start3A_10 = arith.constant 0 : i32
      %dma_start3A_11 = tpu.memref_slice %arg3[%dma_start3A_10, %mul3A_2] : memref<2x16384xi32, #tpu.memory_space<hbm>> -> memref<2x512xi32, #tpu.memory_space<hbm>>
      tpu.enqueue_dma source(%arg6 : memref<2x512xi32, #tpu.memory_space<vmem>>) target(%dma_start3A_11 : memref<2x512xi32, #tpu.memory_space<hbm>>) target_semaphore(%run_scoped3A : memref<!tpu.dma_semaphore, #tpu.memory_space<semaphore_mem>>)
      %dma_wait3A = arith.constant 0 : i32
      %dma_wait3A_12 = tpu.memref_slice %arg3[%dma_wait3A, %mul3A_2] : memref<2x16384xi32, #tpu.memory_space<hbm>> -> memref<2x512xi32, #tpu.memory_space<hbm>>
      %dma_wait3A_13 = arith.constant 0 : i32
      %dma_wait3A_14 = tpu.memref_slice %arg3[%dma_wait3A_13, %mul3A_2] : memref<2x16384xi32, #tpu.memory_space<hbm>> -> memref<2x512xi32, #tpu.memory_space<hbm>>
      tpu.wait_dma2 semaphore(%run_scoped3A : memref<!tpu.dma_semaphore, #tpu.memory_space<semaphore_mem>>) src(%arg6 : memref<2x512xi32, #tpu.memory_space<vmem>>) dst(%dma_wait3A_14 : memref<2x512xi32, #tpu.memory_space<hbm>>)
      tpu.yield
    }) : () -> ()
    "tpu.region"() ({
      %run_scoped3A = tpu.sem_alloc : memref<!tpu.dma_semaphore, #tpu.memory_space<semaphore_mem>>
      %dma_start3A = arith.constant 0 : i32
      %dma_start3A_9 = tpu.memref_slice %arg4[%dma_start3A, %mul3A_2] : memref<2x16384xf32, #tpu.memory_space<hbm>> -> memref<2x512xf32, #tpu.memory_space<hbm>>
      %dma_start3A_10 = arith.constant 0 : i32
      %dma_start3A_11 = tpu.memref_slice %arg4[%dma_start3A_10, %mul3A_2] : memref<2x16384xf32, #tpu.memory_space<hbm>> -> memref<2x512xf32, #tpu.memory_space<hbm>>
      tpu.enqueue_dma source(%arg7 : memref<2x512xf32, #tpu.memory_space<vmem>>) target(%dma_start3A_11 : memref<2x512xf32, #tpu.memory_space<hbm>>) target_semaphore(%run_scoped3A : memref<!tpu.dma_semaphore, #tpu.memory_space<semaphore_mem>>)
      %dma_wait3A = arith.constant 0 : i32
      %dma_wait3A_12 = tpu.memref_slice %arg4[%dma_wait3A, %mul3A_2] : memref<2x16384xf32, #tpu.memory_space<hbm>> -> memref<2x512xf32, #tpu.memory_space<hbm>>
      %dma_wait3A_13 = arith.constant 0 : i32
      %dma_wait3A_14 = tpu.memref_slice %arg4[%dma_wait3A_13, %mul3A_2] : memref<2x16384xf32, #tpu.memory_space<hbm>> -> memref<2x512xf32, #tpu.memory_space<hbm>>
      tpu.wait_dma2 semaphore(%run_scoped3A : memref<!tpu.dma_semaphore, #tpu.memory_space<semaphore_mem>>) src(%arg7 : memref<2x512xf32, #tpu.memory_space<vmem>>) dst(%dma_wait3A_14 : memref<2x512xf32, #tpu.memory_space<hbm>>)
      tpu.yield
    }) : () -> ()
    return
  }
}

module attributes {stable_mosaic.version = 14 : i64} {
  func.func @_logits_body(%arg0: i32, %arg1: memref<64x2048xf32, #tpu.memory_space<vmem>>, %arg2: memref<1024x2048xf32, #tpu.memory_space<vmem>>, %arg3: memref<64x1024xf32, #tpu.memory_space<vmem>>) attributes {dimension_semantics = [#tpu.dimension_semantics<arbitrary>], iteration_bounds = array<i64: 16>, scalar_prefetch = 0 : i64, scratch_operands = 0 : i64, tpu.core_type = #tpu.core_type<tc>, window_params = [{pipeline_mode = #tpu.pipeline_mode<synchronous>, transform_indices = @transform_0, window_bounds = array<i64: 64, 2048>}, {transform_indices = @transform_1, window_bounds = array<i64: 1024, 2048>}, {transform_indices = @transform_2, window_bounds = array<i64: 64, 1024>}]} {
    %get3A = arith.constant 0 : index
    %get3A_0 = arith.constant 0 : index
    %get3A_1 = vector.load %arg1[%get3A, %get3A_0] : memref<64x2048xf32, #tpu.memory_space<vmem>>, vector<64x2048xf32>
    %get3A_2 = arith.constant 0 : index
    %get3A_3 = arith.constant 0 : index
    %get3A_4 = vector.load %arg2[%get3A_2, %get3A_3] : memref<1024x2048xf32, #tpu.memory_space<vmem>>, vector<1024x2048xf32>
    %dot_general3A = arith.constant dense<0.000000e+00> : vector<64x1024xf32>
    %dot_general3A_5 = tpu.matmul %get3A_1, %get3A_4, %dot_general3A {dimension_numbers = #tpu.dot_dimension_numbers<[1], [1], [0], [0], [0, 0, 1, 0], [], []>, transpose_lhs_hint = false} : vector<64x2048xf32>, vector<1024x2048xf32>, vector<64x1024xf32> -> vector<64x1024xf32>
    %swap3A = arith.constant 0 : index
    %swap3A_6 = arith.constant 0 : index
    %swap3A_7 = vector.load %arg3[%swap3A, %swap3A_6] : memref<64x1024xf32, #tpu.memory_space<vmem>>, vector<64x1024xf32>
    tpu.vector_store %arg3[%swap3A, %swap3A_6], %dot_general3A_5 {strides = array<i32>} : memref<64x1024xf32, #tpu.memory_space<vmem>>, vector<64x1024xf32>,
    return
  }
  func.func @transform_0(%arg0: i32) -> (i32, i32) {
    %c0_i32 = arith.constant 0 : i32
    %c0_i32_0 = arith.constant 0 : i32
    %c0_i32_1 = arith.constant 0 : i32
    return %c0_i32, %c0_i32_0 : i32, i32
  }
  func.func @transform_1(%arg0: i32) -> (i32, i32) {
    %c0_i32 = arith.constant 0 : i32
    %c0_i32_0 = arith.constant 0 : i32
    return %arg0, %c0_i32 : i32, i32
  }
  func.func @transform_2(%arg0: i32) -> (i32, i32) {
    %c0_i32 = arith.constant 0 : i32
    %c0_i32_0 = arith.constant 0 : i32
    return %c0_i32, %arg0 : i32, i32
  }
}

</mosaic_0001>

<sc_bundles>
// kernel: kernel.4.cloned.1.call-start
scs
__scs_entry_jumppad:
0x0: {  	(pc) =	sbr.rel $0x88, $3  }
0x1: {  	(tag) =	ssettag $0x0;
	lr =	simm.s32 $0x1  }
0x2: {  	[smem:$0x3F9F] =	sst lr;
	_ =	strace $0xD0000000  }
0x3: {  	_ = 	snop  }
0x4: {  	_ = 	snop  }
0x5: {  	_ = 	snop  }
0x6: {  	_ = 	snop  }
0x7: {  	_ = 	snop  }
__scs_overlays_trampoline_lowered:
0x8: {  	[smem:$0x3FAE] =	sst s0  }
0x9: {  	[smem:$0x3FAF] =	sst s1  }
0xa: {  	[smem:$0x3FB0] =	sst s2  }
0xb: {  	[smem:$0x3FB1] =	sst s3  }
0xc: {  	[smem:$0x3FB2] =	sst s4  }
0xd: {  	[smem:$0x3FB3] =	sst s5  }
0xe: {  	[smem:$0x3FB4] =	sst s6  }
0xf: {  	[smem:$0x3FB5] =	sst s7  }
0x10: {  	[smem:$0x3FB6] =	sst s8  }
0x11: {  	[smem:$0x3FB7] =	sst s9;
	s0 =	simm.s32 @!p0 $0x0  }
0x12: {  	s1 =	sld [smem:$0x3F9D];
	s0 =	simm.s32 @p0 $0x1  }
0x13: {  	[smem:$0x3FB8] =	sst s0;
	s0 =	simm.s32 @!p1 $0x0  }
0x14: {  	s2 =	sld [smem:$0x3F9C];
	s0 =	simm.s32 @p1 $0x1  }
0x15: {  	[smem:$0x3FB9] =	sst s0;
	s0 =	simm.s32 @!p2 $0x0  }
0x16: {  	s3 =	sld [smem:$0x3FDB];
	s0 =	simm.s32 @p2 $0x1  }
0x17: {  	s4 =	simm.s32 $0x1BF5;
	[smem:$0x3FBB] =	sst s0  }
0x18: {  	s0 =	sld [smem:$0x3F9E];
	_ =	swait.ge [sflag:s4], $0x0  }
0x19: {  	s7 =	sld [smem:$0x3F9F]  }
0x1a: {  	s8 =	sadd.s32 $0xFFFFE003, lr  }
0x1b: {  	s9 =	sadd.s32 $0xFFFFFEF7, lr;
	s5 =	simm.s32 $0xFFFFFFFF;
	p2 =	slt.u32 s8, $0xFFFFF086  }
0x1c: {  	p1 =	slt.u32 s9, $0xF7A;
	s5 =	simm.s32 @!p2 $0x0  }
0x1d: {  	s5 =	simm.s32 @p1 $0x1;
	p0 =	seq.s32 s7, s2  }
0x1e: {  	s7 =	smul.u32 @!p0 $0xF7A, s2;
	p2 =	seq.s32 @!p0 s5, $0x0  }
0x1f: {  	s9 =	smul.u32 $0xF7A, s1;
	s8 =	simm.s32 @!p0 $0x1BF5;
	p2 =	por !p2, p0  }
0x20: {  	[sflag:s8] =	ssyncset.s32 @!p0 $0xFFFFF086;
	s6 =	sadd.s32 @!p0 s3, s7;
	s7 =	simm.s32 @!p0 $0x108  }
0x21: {  	s3 =	sadd.s32 s3, s9;
	s6 =	sadd.s32 @!p0 $0x88, s6;
	s7 =	simm.s32 @p2 $0x1082  }
0x22: {  	[simem:s7], [sflag:s8] =	dma.local @!p0 [hbm:s6], $0xF7A  }
0x23: {  	s9 =	sor.u32 $0xD0000000, s2;
	s6 =	simm.s32 $0x108;
	_ =	swait.ge @!p0 [sflag:s8], $0x0  }
0x24: {  	s3 =	sadd.s32 $0x88, s3;
	s6 =	simm.s32 @!p1 $0x1082;
	[sflag:s4] =	ssyncset.s32 $0xFFFFF086  }
0x25: {  	[simem:s6], [sflag:s4] =	dma.local [hbm:s3], $0xF7A  }
0x26: {  	[smem:$0x3F9F] =	sst s1;
	(tag) =	ssettag s2;
	_ =	strace s9  }
0x27: {  	s1 =	sld [smem:$0x3FAF]  }
0x28: {  	s2 =	sld [smem:$0x3FB0]  }
0x29: {  	s4 =	sld [smem:$0x3FB2]  }
0x2a: {  	p0 =	seq.s32 s5, $0x0;
	s5 =	sld [smem:$0x3FB3]  }
0x2b: {  	s6 =	sld [smem:$0x3FB4]  }
0x2c: {  	s7 =	sld [smem:$0x3FB5]  }
0x2d: {  	s3 =	simm.s32 $0x108;
	s8 =	sld [smem:$0x3FB6]  }
0x2e: {  	s3 =	simm.s32 @!p0 $0x1082;
	s9 =	sld [smem:$0x3FB7]  }
0x2f: {  	lr =	sadd.s32 s0, s3;
	s0 =	sld [smem:$0x3FAE]  }
0x30: {  	s3 =	sld [smem:$0x3FB1]  }
0x31: {  	[smem:$0x3FBA] =	sst s10  }
0x32: {  	s10 =	sld [smem:$0x3FB8];
	_ =	sdelay $0x3  }
0x33: {  	p0 =	seq.s32 s10, $0x1;
	s10 =	sld [smem:$0x3FBA];
	_ =	sdelay $0x3  }
0x34: {  	[smem:$0x3FBA] =	sst s10  }
0x35: {  	s10 =	sld [smem:$0x3FB9];
	_ =	sdelay $0x3  }
0x36: {  	p1 =	seq.s32 s10, $0x1;
	s10 =	sld [smem:$0x3FBA];
	_ =	sdelay $0x3  }
0x37: {  	[smem:$0x3FBA] =	sst s10  }
0x38: {  	s10 =	sld [smem:$0x3FBB]  }
0x39: {  	_ = 	snop;
	(pc) =	sbr.ind lr, $3  }
0x3a: {  	_ = 	snop  }
0x3b: {  	_ = 	snop  }
0x3c: {  	p2 =	seq.s32 s10, $0x1;
	s10 =	sld [smem:$0x3FBA]  }
0x3d: {  	_ =	shalt  }
0x3e: {  	_ =	shalt  }
0x3f: {  	_ =	shalt  }
0x40: {  	_ =	shalt  }
0x41: {  	_ =	shalt  }
0x42: {  	_ =	shalt  }
0x43: {  	_ =	shalt  }
0x44: {  	_ =	shalt  }
0x45: {  	_ =	shalt  }
0x46: {  	_ =	shalt  }
0x47: {  	_ =	shalt  }
0x48: {  	_ =	shalt  }
0x49: {  	_ =	shalt  }
0x4a: {  	_ =	shalt  }
0x4b: {  	_ =	shalt  }
0x4c: {  	_ =	shalt  }
0x4d: {  	_ =	shalt  }
0x4e: {  	_ =	shalt  }
0x4f: {  	_ =	shalt  }
0x50: {  	_ =	shalt  }
0x51: {  	_ =	shalt  }
0x52: {  	_ =	shalt  }
0x53: {  	_ =	shalt  }
0x54: {  	_ =	shalt  }
0x55: {  	_ =	shalt  }
0x56: {  	_ =	shalt  }
0x57: {  	_ =	shalt  }
0x58: {  	_ =	shalt  }
0x59: {  	_ =	shalt  }
0x5a: {  	_ =	shalt  }
0x5b: {  	_ =	shalt  }
0x5c: {  	_ =	shalt  }
0x5d: {  	_ =	shalt  }
0x5e: {  	_ =	shalt  }
0x5f: {  	_ =	shalt  }
0x60: {  	_ =	shalt  }
0x61: {  	_ =	shalt  }
0x62: {  	_ =	shalt  }
0x63: {  	_ =	shalt  }
0x64: {  	_ =	shalt  }
0x65: {  	_ =	shalt  }
0x66: {  	_ =	shalt  }
0x67: {  	_ =	shalt  }
0x68: {  	_ =	shalt  }
0x69: {  	_ =	shalt  }
0x6a: {  	_ =	shalt  }
0x6b: {  	_ =	shalt  }
0x6c: {  	_ =	shalt  }
0x6d: {  	_ =	shalt  }
0x6e: {  	_ =	shalt  }
0x6f: {  	_ =	shalt  }
0x70: {  	_ =	shalt  }
0x71: {  	_ =	shalt  }
0x72: {  	_ =	shalt  }
0x73: {  	_ =	shalt  }
0x74: {  	_ =	shalt  }
0x75: {  	_ =	shalt  }
0x76: {  	_ =	shalt  }
0x77: {  	_ =	shalt  }
0x78: {  	_ =	shalt  }
0x79: {  	_ =	shalt  }
0x7a: {  	_ =	shalt  }
0x7b: {  	_ =	shalt  }
0x7c: {  	_ =	shalt  }
0x7d: {  	_ =	shalt  }
0x7e: {  	_ =	shalt  }
0x7f: {  	_ =	shalt  }
0x80: {  	_ =	shalt  }
0x81: {  	_ =	shalt  }
0x82: {  	_ =	shalt  }
0x83: {  	_ =	shalt  }
0x84: {  	_ =	shalt  }
0x85: {  	_ =	shalt  }
0x86: {  	_ =	shalt  }
0x87: {  	_ =	shalt  }
.Lfunc_end0:
.L_simem_size_0:
called_computation_lowered:
.L_overlay_start_0:
0x88: {  	s2 =	sld [smem:$0x3FD9]  }
0x89: {  	s3 =	sld [smem:$0x3FFE];
	_ =	sdelay $0x1  }
0x8a: {  	s1 =	srdreg.scid  }
0x8b: {  	s0 =	sand.u32 $0x1, s1  }
0x8c: {  	s14 =	sshll.u32 s0, $0xA;
	s2 =	sadd.s32 s3, s2  }
0x8d: {  	s2 =	sadd.s32 s2, s14  }
0x8e: {  	[smem:$0x3FC6] =	sst s2  }
0x8f: {  	_ = 	snop  }
0x90: {  	s2 =	sld [smem:$0x3FD0];
	_ =	sdelay $0x2  }
0x91: {  	s15 =	simm.s32 $0xA;
	s4 =	simm.s32 $0x10  }
0x92: {  	[smem:s4], [sflag:s15] =	dma.local [hbm:s2], $0x1  }
0x93: {  	_ =	swait.eq [sflag:s15], $0x1  }
0x94: {  	[sflag:s15] =	ssyncset.done $0x0  }
0x95: {  	s16 =	sld [smem:$0x10];
	[sflag:s15] =	ssyncadd.s32 $0xFFFFFFFF  }
0x96: {  	s17 =	sld [smem:$0x11];
	(tm) =	ssettm $0x1  }
0x97: {  	s18 =	sld [smem:$0x3FFB];
	_ =	sdelay $0x3  }
0x98: {  	_ =	strace s18  }
0x99: {  	s4 =	sld [smem:$0x3FFC];
	_ =	sdelay $0x3  }
0x9a: {  	_ =	strace s4  }
0x9b: {  	s4 =	sld [smem:$0x3FFD];
	_ =	sdelay $0x3  }
0x9c: {  	_ =	strace s4  }
0x9d: {  	_ =	strace $0x8FFFFFFF  }
0x9e: {  	s19 =	sld [smem:$0x3FDB];
	_ =	sdelay $0x1  }
0x9f: {  	s5 =	simm.s32 $_scs_section_size  }
0xa0: {  	s6 =	simm.s32 $_size__tile_overlayer_lowered;
	s7 =	simm.s32 $_tile_overlayer_lowered  }
0xa1: {  	s22 =	simm.s32 $0x1BFF;
	s21 =	sshll.u32 s7, $0x1;
	s4 =	sadd.s32 s5, s19  }
0xa2: {  	s8 =	simm.s32 $0x0;
	s20 =	sshll.u32 s6, $0x1;
	s6 =	sadd.s32 s21, s4  }
0xa3: {  	[timem:s8], [sflag:s22] =	dma.local [hbm:s6], s20  }
0xa4: {  	_ =	swait.ge [sflag:s22], s20  }
0xa5: {  	s5 =	ssub.s32 $0x0, s20;
	[sflag:s22] =	ssyncset.done $0x0  }
0xa6: {  	[sflag:s22] =	ssyncadd.s32 s5;
	_ =	sdelay $0x1  }
0xa7: {  	s23 =	simm.s32 $0x1B8B  }
0xa8: {  	_ =	swait.ge [sflag:s23], $0x1  }
0xa9: {  	[sflag:s23] =	ssyncset.done $0x0  }
0xaa: {  	s25 =	simm.s32 $0x1B8E;
	s24 =	sld [smem:$0x3FFE];
	[sflag:s23] =	ssyncadd.s32 $0xFFFFFFFF  }
0xab: {  	s26 =	simm.s32 $execute0_lowered;
	[smem:$0x3FD2] =	sst s25  }
0xac: {  	s6 =	sshll.u32 s26, $0x1;
	_ =	strace $0x80000046;
	[dreg:$0x1] =	wrdreg $0xFFFFFFFF  }
0xad: {  	s28 =	simm.s32 $_size_execute0_lowered;
	s4 =	sadd.s32 s4, s6;
	[dreg:$0x0] =	wrdreg $0x0  }
0xae: {  	s6 =	sshll.u32 s28, $0x1;
	[dreg:$0x2] =	wrdreg s4  }
0xaf: {  	[dreg:$0x3] =	wrdreg s6  }
0xb0: {  	[dreg:$0x4] =	wrdreg $0xC0  }
0xb1: {  	_ =	task [dreg:s8], $0x5FFFF  }
0xb2: {  	[dreg:$0x1] =	wrdreg $0xFFFFFFFF  }
0xb3: {  	[dreg:$0x0] =	wrdreg $0x60  }
0xb4: {  	[dreg:$0x2] =	wrdreg s24  }
0xb5: {  	[dreg:$0x3] =	wrdreg s16  }
0xb6: {  	[dreg:$0x4] =	wrdreg s17  }
0xb7: {  	[dreg:$0x5] =	wrdreg $0x9  }
0xb8: {  	_ =	task.clear_ibuf [dreg:s8], $0x6FFFF;
	_ =	strace $0x90000046  }
0xb9: {  	s29 =	simm.s32 $0x9;
	_ =	strace $0x80000048  }
0xba: {  	_ =	swait.ge [sflag:s29], $0x1  }
0xbb: {  	[sflag:s29] =	ssyncadd.s32 $0xFFFFFFFF  }
0xbc: {  	_ =	strace $0x90000048  }
0xbd: {  	_ =	sfence  }
0xbe: {  	s30 =	sld [smem:$0x0];
	_ =	sdelay $0x2  }
0xbf: {  	s31 =	sshll.u32 s1, $0xD;
	s1 =	sshrl.u32 s1, $0x2  }
0xc0: {  	s3 =	sand.u32 $0x4000, s31;
	s1 =	sadd.s32 s1, s30  }
0xc1: {  	s0 =	sor.u32 s3, s0;
	s1 =	sshll.u32 s1, $0x11  }
0xc2: {  	s0 =	sor.u32 s1, s0  }
0xc3: {  	s0 =	sadd.s32 $0x8F2B, s0  }
0xc4: {  	[sflag:s0] =	ssyncadd.remote.s32 $0x1  }
0xc5: {  	_ =	sfence.sel $0xFFFF  }
0xc6: {  	[dreg:$0x0] =	wrdreg $0xFFFFFFFF;
	(pc) =	sbr.abs _section_cstart, $3  }
0xc7: {  	[dreg:$0x1] =	wrdreg $0xFFFFFFFF  }
0xc8: {  	_ =	task.clear_ibuf [dreg:s8], $0x2FFFF;
	_ =	strace $0x9FFFFFFF  }
0xc9: {  	(tm) =	ssettm $0x7FFFFFFF  }
tec
execute0_lowered:
.L_overlay_start_1:
0x0: {  	(tag) =	ssettag $0x1  }
0x1: {  	s3 =	rddreg [dreg:$0x0]  }
0x2: {  	s4 =	rddreg [dreg:$0x1]  }
0x3: {  	s5 =	rddreg [dreg:$0x2];
	s2 =	srdreg.scid  }
0x4: {  	s0 =	rddreg [dreg:$0x3];
	s1 =	stileid.u32;
	s9 =	simm.s32 $0x1  }
0x5: {  	s10 =	simm.s32 $0x8000;
	s11 =	simm.s32 $0x8400;
	s12 =	simm.s32 $0x0  }
0x6: {  	s6 =	sand.u32 $0x1, s2;
	s2 =	simm.s32 $0x0;
	s7 =	sshll.u32 s1, $0xA  }
0x7: {  	s8 =	sshll.u32 s6, $0x9;
	[smem:$0x7FF] =	sst s2;
	s6 =	ssub.s32 $0x2, s6  }
0x8: {  	s7 =	sor.u32 s8, s7;
	_ =	strace $0x80000047;
	s31 =	sshrl.u32 s6, $0x1  }
0x9: {  	s8 =	simm.s32 $0x20000;
	s3 =	sadd.s32 s7, s3;
	s7 =	sshrl.u32 s7, $0x2  }
0xa: {  	s6 =	ssub.s32 s6, s31;
	s3 =	sadd.s32 $0xC00, s3;
	s4 =	sadd.s32 s4, s7  }
0xb: {  	v0 =	vimm.s32 $0x0;
	s5 =	sadd.s32 s5, s7;
	s6 =	smax.u32 s6, $0x1;
	s7 =	simm.s32 $0x1000  }
.LBB2_1:
0xc: {  	[tilespmem:s2], [sflag:$0x1] =	stream.strided.gather [hbm4b:s3+s7], $0x8000, s8, s7, $0x38;
	[tilespmem:$0x8800] =	vst v63  }
0xd: {  	_ =	swait.ge [sflag:s9], $0x8000  }
0xe: {  	[sflag:s9] =	ssyncset.done $0x0  }
0xf: {  	s13 =	simm.s32 $0x0;
	s14 =	simm.s32 $0x0;
	[sflag:s9] =	ssyncadd.s32 $0xFFFF8000  }
.LBB2_2:
0x10: {  	s15 =	sshll.u32 s14, $0x8  }
0x11: {  	s16 =	sand.u32 $0x60, s13;
	s17 =	sand.u32 $0x3FFFFC00, s15  }
0x12: {  	s19 =	sor.u32 s16, s17  }
0x13: {  	s15 =	sor.u32 $0x10, s16;
	v1 =	vld [tilespmem:s19+$0x80]  }
0x14: {  	s18 =	sor.u32 s15, s17;
	v2 =	vld [tilespmem:s19+$0x0]  }
0x15: {  	v3 =	vld [tilespmem:s18+$0x80]  }
0x16: {  	v4 =	vld [tilespmem:s18+$0x0];
	_ =	sdelay $0x2  }
0x17: {  	vm0 =	vlt.f32 v1, $-Inf  }
0x18: {  	vm1 =	vgt.f32 v1, $-Inf;
	vm2 =	vgt.f32 v1, v2;
	vm13 =	vlt.f32 v3, $-Inf  }
0x19: {  	v6 =	vld [tilespmem:s19+$0x100];
	vm3 =	vgt.f32 v3, $-Inf;
	vm14 =	vgt.f32 v3, v4;
	vm0 =	vmor vm1, vm0  }
0x1a: {  	vm12 =	vmneg vm2;
	vm1 =	vmor vm3, vm13;
	vm15 =	vmneg vm14  }
0x1b: {  	v8 =	vld [tilespmem:s18+$0x100];
	v9 =	vsel vm2, $0x1, v0;
	v11 =	vsel vm14, $0x1, v0;
	v5 =	vnsel vm0, $0xFF800000, v1  }
0x1c: {  	vm0 =	vmand vm12, vm0;
	v1 =	vmax.f32 v2, v1;
	v5 =	vsel vm12, v5, v2  }
0x1d: {  	v7 =	vsel vm0, $0x1, v0;
	v2 =	vnsel vm1, $0xFF800000, v3;
	vm1 =	vmand vm15, vm1  }
0x1e: {  	v15 =	vld [tilespmem:s19+$0x180];
	v3 =	vmax.f32 v4, v3;
	vm6 =	vgt.f32 v6, v1;
	v2 =	vsel vm15, v2, v4  }
0x1f: {  	v10 =	vsel vm1, $0x1, v0;
	vm5 =	vgt.f32 v6, v5;
	v16 =	vsel vm6, $0x2, v9  }
0x20: {  	v17 =	vld [tilespmem:s18+$0x180];
	vm8 =	vgt.f32 v8, v3;
	v5 =	vsel vm5, v6, v5;
	v7 =	vsel vm5, $0x2, v7  }
0x21: {  	vm7 =	vgt.f32 v8, v2;
	v5 =	vsel vm6, v1, v5;
	v7 =	vsel vm6, v9, v7  }
0x22: {  	v1 =	vmax.f32 v1, v6;
	v2 =	vsel vm7, v8, v2;
	v10 =	vsel vm7, $0x2, v10  }
0x23: {  	v2 =	vsel vm8, v3, v2;
	v10 =	vsel vm8, v11, v10;
	vm9 =	vgt.f32 v15, v5  }
0x24: {  	v18 =	vld [tilespmem:s19+$0x200];
	v3 =	vmax.f32 v3, v8;
	vm10 =	vgt.f32 v15, v1;
	v11 =	vsel vm8, $0x2, v11  }
0x25: {  	v5 =	vsel vm9, v15, v5;
	v7 =	vsel vm9, $0x3, v7;
	vm11 =	vgt.f32 v17, v2  }
0x26: {  	v19 =	vld [tilespmem:s18+$0x200];
	vm12 =	vgt.f32 v17, v3;
	v6 =	vsel vm10, $0x3, v16;
	v5 =	vsel vm10, v1, v5  }
0x27: {  	v7 =	vsel vm10, v16, v7;
	v1 =	vmax.f32 v1, v15;
	v2 =	vsel vm11, v17, v2  }
0x28: {  	v10 =	vsel vm11, $0x3, v10;
	v20 =	vsel vm12, $0x3, v11;
	v2 =	vsel vm12, v3, v2  }
0x29: {  	v21 =	vld [tilespmem:s19+$0x280];
	v10 =	vsel vm12, v11, v10;
	v3 =	vmax.f32 v3, v17;
	vm13 =	vgt.f32 v18, v5  }
0x2a: {  	vm14 =	vgt.f32 v18, v1;
	v5 =	vsel vm13, v18, v5;
	v7 =	vsel vm13, $0x4, v7  }
0x2b: {  	v22 =	vld [tilespmem:s18+$0x280];
	vm15 =	vgt.f32 v19, v2;
	vm4 =	vgt.f32 v19, v3;
	v5 =	vsel vm14, v1, v5  }
0x2c: {  	v7 =	vsel vm14, v6, v7;
	v1 =	vmax.f32 v1, v18;
	v2 =	vsel vm15, v19, v2  }
0x2d: {  	v6 =	vsel vm14, $0x4, v6;
	v10 =	vsel vm15, $0x4, v10;
	v9 =	vsel vm4, $0x4, v20  }
0x2e: {  	v23 =	vld [tilespmem:s19+$0x300];
	v2 =	vsel vm4, v3, v2;
	v10 =	vsel vm4, v20, v10;
	vm5 =	vgt.f32 v21, v5  }
0x2f: {  	v3 =	vmax.f32 v3, v19;
	vm6 =	vgt.f32 v21, v1;
	v5 =	vsel vm5, v21, v5  }
0x30: {  	v24 =	vld [tilespmem:s18+$0x300];
	v7 =	vsel vm5, $0x5, v7;
	vm7 =	vgt.f32 v22, v2;
	vm8 =	vgt.f32 v22, v3  }
0x31: {  	v5 =	vsel vm6, v1, v5;
	v7 =	vsel vm6, v6, v7;
	v1 =	vmax.f32 v1, v21  }
0x32: {  	v6 =	vsel vm6, $0x5, v6;
	v2 =	vsel vm7, v22, v2;
	v10 =	vsel vm7, $0x5, v10  }
0x33: {  	v2 =	vsel vm8, v3, v2;
	v10 =	vsel vm8, v9, v10;
	vm9 =	vgt.f32 v23, v5  }
0x34: {  	v25 =	vld [tilespmem:s19+$0x380];
	v3 =	vmax.f32 v3, v22;
	vm10 =	vgt.f32 v23, v1;
	v9 =	vsel vm8, $0x5, v9  }
0x35: {  	v5 =	vsel vm9, v23, v5;
	v7 =	vsel vm9, $0x6, v7;
	vm11 =	vgt.f32 v24, v2  }
0x36: {  	v26 =	vld [tilespmem:s18+$0x380];
	vm12 =	vgt.f32 v24, v3;
	v5 =	vsel vm10, v1, v5;
	v7 =	vsel vm10, v6, v7  }
0x37: {  	s24 =	sadd.s32 $0x1000, s17;
	v1 =	vmax.f32 v1, v23;
	v2 =	vsel vm11, v24, v2;
	v10 =	vsel vm11, $0x6, v10  }
0x38: {  	s25 =	sor.u32 s16, s24;
	v6 =	vsel vm10, $0x6, v6;
	v2 =	vsel vm12, v3, v2;
	v10 =	vsel vm12, v9, v10  }
0x39: {  	v27 =	vld [tilespmem:s25+$0x0];
	v3 =	vmax.f32 v3, v24;
	v9 =	vsel vm12, $0x6, v9;
	vm13 =	vgt.f32 v25, v5  }
0x3a: {  	s18 =	sor.u32 s15, s24;
	vm14 =	vgt.f32 v25, v1;
	v5 =	vsel vm13, v25, v5;
	v7 =	vsel vm13, $0x7, v7  }
0x3b: {  	v28 =	vld [tilespmem:s18+$0x0];
	vm15 =	vgt.f32 v26, v2;
	vm4 =	vgt.f32 v26, v3;
	v5 =	vsel vm14, v1, v5  }
0x3c: {  	s26 =	sadd.s32 $0x1080, s17;
	v7 =	vsel vm14, v6, v7;
	v1 =	vmax.f32 v1, v25;
	v2 =	vsel vm15, v26, v2  }
0x3d: {  	s28 =	sor.u32 s16, s26;
	v6 =	vsel vm14, $0x7, v6;
	v10 =	vsel vm15, $0x7, v10;
	v2 =	vsel vm4, v3, v2  }
0x3e: {  	v29 =	vld [tilespmem:s28+$0x0];
	v10 =	vsel vm4, v9, v10;
	v3 =	vmax.f32 v3, v26;
	vm5 =	vgt.f32 v27, v5  }
0x3f: {  	s18 =	sor.u32 s15, s26;
	vm6 =	vgt.f32 v27, v1;
	v9 =	vsel vm4, $0x7, v9;
	v5 =	vsel vm5, v27, v5  }
0x40: {  	v30 =	vld [tilespmem:s18+$0x0];
	v7 =	vsel vm5, $0x8, v7;
	vm7 =	vgt.f32 v28, v2;
	vm8 =	vgt.f32 v28, v3  }
0x41: {  	v5 =	vsel vm6, v1, v5;
	v7 =	vsel vm6, v6, v7;
	v1 =	vmax.f32 v1, v27  }
0x42: {  	s29 =	sadd.s32 $0x1100, s17;
	v6 =	vsel vm6, $0x8, v6;
	v2 =	vsel vm7, v28, v2;
	v10 =	vsel vm7, $0x8, v10  }
0x43: {  	s30 =	sor.u32 s16, s29;
	v2 =	vsel vm8, v3, v2;
	v10 =	vsel vm8, v9, v10;
	vm9 =	vgt.f32 v29, v5  }
0x44: {  	v31 =	vld [tilespmem:s30+$0x0];
	v3 =	vmax.f32 v3, v28;
	vm10 =	vgt.f32 v29, v1;
	v9 =	vsel vm8, $0x8, v9  }
0x45: {  	s18 =	sor.u32 s15, s29;
	v5 =	vsel vm9, v29, v5;
	v7 =	vsel vm9, $0x9, v7;
	vm11 =	vgt.f32 v30, v2  }
0x46: {  	v32 =	vld [tilespmem:s18+$0x0];
	vm12 =	vgt.f32 v30, v3;
	v5 =	vsel vm10, v1, v5;
	v7 =	vsel vm10, v6, v7  }
0x47: {  	s31 =	sadd.s32 $0x1180, s17;
	v1 =	vmax.f32 v1, v29;
	v2 =	vsel vm11, v30, v2;
	v10 =	vsel vm11, $0x9, v10  }
0x48: {  	s20 =	sor.u32 s16, s31;
	v6 =	vsel vm10, $0x9, v6;
	v2 =	vsel vm12, v3, v2;
	v10 =	vsel vm12, v9, v10  }
0x49: {  	v33 =	vld [tilespmem:s20+$0x0];
	v3 =	vmax.f32 v3, v30;
	v9 =	vsel vm12, $0x9, v9;
	vm13 =	vgt.f32 v31, v5  }
0x4a: {  	s18 =	sor.u32 s15, s31;
	vm14 =	vgt.f32 v31, v1;
	v5 =	vsel vm13, v31, v5;
	v7 =	vsel vm13, $0xA, v7  }
0x4b: {  	v34 =	vld [tilespmem:s18+$0x0];
	vm15 =	vgt.f32 v32, v2;
	vm4 =	vgt.f32 v32, v3;
	v5 =	vsel vm14, v1, v5  }
0x4c: {  	s21 =	sadd.s32 $0x1200, s17;
	v7 =	vsel vm14, v6, v7;
	v1 =	vmax.f32 v1, v31;
	v2 =	vsel vm15, v32, v2  }
0x4d: {  	s22 =	sor.u32 s16, s21;
	v6 =	vsel vm14, $0xA, v6;
	v10 =	vsel vm15, $0xA, v10;
	v2 =	vsel vm4, v3, v2  }
0x4e: {  	v35 =	vld [tilespmem:s22+$0x0];
	v10 =	vsel vm4, v9, v10;
	v3 =	vmax.f32 v3, v32;
	vm5 =	vgt.f32 v33, v5  }
0x4f: {  	s18 =	sor.u32 s15, s21;
	vm6 =	vgt.f32 v33, v1;
	v9 =	vsel vm4, $0xA, v9;
	v5 =	vsel vm5, v33, v5  }
0x50: {  	v36 =	vld [tilespmem:s18+$0x0];
	v7 =	vsel vm5, $0xB, v7;
	vm7 =	vgt.f32 v34, v2;
	vm8 =	vgt.f32 v34, v3  }
0x51: {  	v5 =	vsel vm6, v1, v5;
	v7 =	vsel vm6, v6, v7;
	v1 =	vmax.f32 v1, v33  }
0x52: {  	s23 =	sadd.s32 $0x1280, s17;
	v6 =	vsel vm6, $0xB, v6;
	v2 =	vsel vm7, v34, v2;
	v10 =	vsel vm7, $0xB, v10  }
0x53: {  	s24 =	sor.u32 s16, s23;
	v2 =	vsel vm8, v3, v2;
	v10 =	vsel vm8, v9, v10;
	vm9 =	vgt.f32 v35, v5  }
0x54: {  	v37 =	vld [tilespmem:s24+$0x0];
	v3 =	vmax.f32 v3, v34;
	vm10 =	vgt.f32 v35, v1;
	v9 =	vsel vm8, $0xB, v9  }
0x55: {  	s18 =	sor.u32 s15, s23;
	v5 =	vsel vm9, v35, v5;
	v7 =	vsel vm9, $0xC, v7;
	vm11 =	vgt.f32 v36, v2  }
0x56: {  	v38 =	vld [tilespmem:s18+$0x0];
	vm12 =	vgt.f32 v36, v3;
	v5 =	vsel vm10, v1, v5;
	v7 =	vsel vm10, v6, v7  }
0x57: {  	s25 =	sadd.s32 $0x1300, s17;
	v1 =	vmax.f32 v1, v35;
	v2 =	vsel vm11, v36, v2;
	v10 =	vsel vm11, $0xC, v10  }
0x58: {  	s26 =	sor.u32 s16, s25;
	v6 =	vsel vm10, $0xC, v6;
	v2 =	vsel vm12, v3, v2;
	v10 =	vsel vm12, v9, v10  }
0x59: {  	v39 =	vld [tilespmem:s26+$0x0];
	v3 =	vmax.f32 v3, v36;
	v9 =	vsel vm12, $0xC, v9;
	vm13 =	vgt.f32 v37, v5  }
0x5a: {  	s18 =	sor.u32 s15, s25;
	vm14 =	vgt.f32 v37, v1;
	v5 =	vsel vm13, v37, v5;
	v7 =	vsel vm13, $0xD, v7  }
0x5b: {  	v40 =	vld [tilespmem:s18+$0x0];
	vm15 =	vgt.f32 v38, v2;
	vm4 =	vgt.f32 v38, v3;
	v5 =	vsel vm14, v1, v5  }
0x5c: {  	s28 =	sadd.s32 $0x1380, s17;
	v7 =	vsel vm14, v6, v7;
	v1 =	vmax.f32 v1, v37;
	v2 =	vsel vm15, v38, v2  }
0x5d: {  	s29 =	sor.u32 s16, s28;
	v6 =	vsel vm14, $0xD, v6;
	v10 =	vsel vm15, $0xD, v10;
	v2 =	vsel vm4, v3, v2  }
0x5e: {  	v41 =	vld [tilespmem:s29+$0x0];
	v10 =	vsel vm4, v9, v10;
	v3 =	vmax.f32 v3, v38;
	vm5 =	vgt.f32 v39, v5  }
0x5f: {  	s18 =	sor.u32 s15, s28;
	vm6 =	vgt.f32 v39, v1;
	v9 =	vsel vm4, $0xD, v9;
	v5 =	vsel vm5, v39, v5  }
0x60: {  	v42 =	vld [tilespmem:s18+$0x0];
	v7 =	vsel vm5, $0xE, v7;
	vm7 =	vgt.f32 v40, v2;
	vm8 =	vgt.f32 v40, v3  }
0x61: {  	v5 =	vsel vm6, v1, v5;
	v7 =	vsel vm6, v6, v7;
	v1 =	vmax.f32 v1, v39  }
0x62: {  	s30 =	sadd.s32 $0x2000, s17;
	v6 =	vsel vm6, $0xE, v6;
	v2 =	vsel vm7, v40, v2;
	v10 =	vsel vm7, $0xE, v10  }
0x63: {  	s31 =	sor.u32 s16, s30;
	v2 =	vsel vm8, v3, v2;
	v10 =	vsel vm8, v9, v10;
	vm9 =	vgt.f32 v41, v5  }
0x64: {  	v43 =	vld [tilespmem:s31+$0x0];
	v3 =	vmax.f32 v3, v40;
	vm10 =	vgt.f32 v41, v1;
	v9 =	vsel vm8, $0xE, v9  }
0x65: {  	s18 =	sor.u32 s15, s30;
	v5 =	vsel vm9, v41, v5;
	v7 =	vsel vm9, $0xF, v7;
	vm11 =	vgt.f32 v42, v2  }
0x66: {  	v44 =	vld [tilespmem:s18+$0x0];
	vm12 =	vgt.f32 v42, v3;
	v5 =	vsel vm10, v1, v5;
	v7 =	vsel vm10, v6, v7  }
0x67: {  	s20 =	sadd.s32 $0x2080, s17;
	v1 =	vmax.f32 v1, v41;
	v2 =	vsel vm11, v42, v2;
	v10 =	vsel vm11, $0xF, v10  }
0x68: {  	s21 =	sor.u32 s16, s20;
	v6 =	vsel vm10, $0xF, v6;
	v2 =	vsel vm12, v3, v2;
	v10 =	vsel vm12, v9, v10  }
0x69: {  	v45 =	vld [tilespmem:s21+$0x0];
	v3 =	vmax.f32 v3, v42;
	v9 =	vsel vm12, $0xF, v9;
	vm13 =	vgt.f32 v43, v5  }
0x6a: {  	s18 =	sor.u32 s15, s20;
	vm14 =	vgt.f32 v43, v1;
	v5 =	vsel vm13, v43, v5;
	v7 =	vsel vm13, $0x10, v7  }
0x6b: {  	v46 =	vld [tilespmem:s18+$0x0];
	vm15 =	vgt.f32 v44, v2;
	vm4 =	vgt.f32 v44, v3;
	v5 =	vsel vm14, v1, v5  }
0x6c: {  	s22 =	sadd.s32 $0x2100, s17;
	v7 =	vsel vm14, v6, v7;
	v1 =	vmax.f32 v1, v43;
	v2 =	vsel vm15, v44, v2  }
0x6d: {  	s23 =	sor.u32 s16, s22;
	v6 =	vsel vm14, $0x10, v6;
	v10 =	vsel vm15, $0x10, v10;
	v2 =	vsel vm4, v3, v2  }
0x6e: {  	v47 =	vld [tilespmem:s23+$0x0];
	v10 =	vsel vm4, v9, v10;
	v3 =	vmax.f32 v3, v44;
	vm5 =	vgt.f32 v45, v5  }
0x6f: {  	s18 =	sor.u32 s15, s22;
	vm6 =	vgt.f32 v45, v1;
	v9 =	vsel vm4, $0x10, v9;
	v5 =	vsel vm5, v45, v5  }
0x70: {  	v48 =	vld [tilespmem:s18+$0x0];
	v7 =	vsel vm5, $0x11, v7;
	vm7 =	vgt.f32 v46, v2;
	vm8 =	vgt.f32 v46, v3  }
0x71: {  	v5 =	vsel vm6, v1, v5;
	v7 =	vsel vm6, v6, v7;
	v1 =	vmax.f32 v1, v45  }
0x72: {  	s24 =	sadd.s32 $0x2180, s17;
	v6 =	vsel vm6, $0x11, v6;
	v2 =	vsel vm7, v46, v2;
	v10 =	vsel vm7, $0x11, v10  }
0x73: {  	s25 =	sor.u32 s16, s24;
	v2 =	vsel vm8, v3, v2;
	v10 =	vsel vm8, v9, v10;
	vm9 =	vgt.f32 v47, v5  }
0x74: {  	v49 =	vld [tilespmem:s25+$0x0];
	v3 =	vmax.f32 v3, v46;
	vm10 =	vgt.f32 v47, v1;
	v9 =	vsel vm8, $0x11, v9  }
0x75: {  	s18 =	sor.u32 s15, s24;
	v5 =	vsel vm9, v47, v5;
	v7 =	vsel vm9, $0x12, v7;
	vm11 =	vgt.f32 v48, v2  }
0x76: {  	v50 =	vld [tilespmem:s18+$0x0];
	vm12 =	vgt.f32 v48, v3;
	v5 =	vsel vm10, v1, v5;
	v7 =	vsel vm10, v6, v7  }
0x77: {  	s26 =	sadd.s32 $0x2200, s17;
	v1 =	vmax.f32 v1, v47;
	v2 =	vsel vm11, v48, v2;
	v10 =	vsel vm11, $0x12, v10  }
0x78: {  	s28 =	sor.u32 s16, s26;
	v6 =	vsel vm10, $0x12, v6;
	v2 =	vsel vm12, v3, v2;
	v10 =	vsel vm12, v9, v10  }
0x79: {  	v51 =	vld [tilespmem:s28+$0x0];
	v3 =	vmax.f32 v3, v48;
	v9 =	vsel vm12, $0x12, v9;
	vm13 =	vgt.f32 v49, v5  }
0x7a: {  	s18 =	sor.u32 s15, s26;
	vm14 =	vgt.f32 v49, v1;
	v5 =	vsel vm13, v49, v5;
	v7 =	vsel vm13, $0x13, v7  }
0x7b: {  	v52 =	vld [tilespmem:s18+$0x0];
	vm15 =	vgt.f32 v50, v2;
	vm4 =	vgt.f32 v50, v3;
	v5 =	vsel vm14, v1, v5  }
0x7c: {  	s29 =	sadd.s32 $0x2280, s17;
	v7 =	vsel vm14, v6, v7;
	v1 =	vmax.f32 v1, v49;
	v2 =	vsel vm15, v50, v2  }
0x7d: {  	s30 =	sor.u32 s16, s29;
	v6 =	vsel vm14, $0x13, v6;
	v10 =	vsel vm15, $0x13, v10;
	v2 =	vsel vm4, v3, v2  }
0x7e: {  	v53 =	vld [tilespmem:s30+$0x0];
	v10 =	vsel vm4, v9, v10;
	v3 =	vmax.f32 v3, v50;
	vm5 =	vgt.f32 v51, v5  }
0x7f: {  	s18 =	sor.u32 s15, s29;
	vm6 =	vgt.f32 v51, v1;
	v9 =	vsel vm4, $0x13, v9;
	v5 =	vsel vm5, v51, v5  }
0x80: {  	v54 =	vld [tilespmem:s18+$0x0];
	v7 =	vsel vm5, $0x14, v7;
	vm7 =	vgt.f32 v52, v2;
	vm8 =	vgt.f32 v52, v3  }
0x81: {  	v5 =	vsel vm6, v1, v5;
	v7 =	vsel vm6, v6, v7;
	v1 =	vmax.f32 v1, v51  }
0x82: {  	s31 =	sadd.s32 $0x2300, s17;
	v6 =	vsel vm6, $0x14, v6;
	v2 =	vsel vm7, v52, v2;
	v10 =	vsel vm7, $0x14, v10  }
0x83: {  	s20 =	sor.u32 s16, s31;
	v2 =	vsel vm8, v3, v2;
	v10 =	vsel vm8, v9, v10;
	vm9 =	vgt.f32 v53, v5  }
0x84: {  	v55 =	vld [tilespmem:s20+$0x0];
	v3 =	vmax.f32 v3, v52;
	vm10 =	vgt.f32 v53, v1;
	v9 =	vsel vm8, $0x14, v9  }
0x85: {  	s18 =	sor.u32 s15, s31;
	v5 =	vsel vm9, v53, v5;
	v7 =	vsel vm9, $0x15, v7;
	vm11 =	vgt.f32 v54, v2  }
0x86: {  	v56 =	vld [tilespmem:s18+$0x0];
	vm12 =	vgt.f32 v54, v3;
	v5 =	vsel vm10, v1, v5;
	v7 =	vsel vm10, v6, v7  }
0x87: {  	s21 =	sadd.s32 $0x2380, s17;
	v1 =	vmax.f32 v1, v53;
	v2 =	vsel vm11, v54, v2;
	v10 =	vsel vm11, $0x15, v10  }
0x88: {  	s22 =	sor.u32 s16, s21;
	v6 =	vsel vm10, $0x15, v6;
	v2 =	vsel vm12, v3, v2;
	v10 =	vsel vm12, v9, v10  }
0x89: {  	v57 =	vld [tilespmem:s22+$0x0];
	v3 =	vmax.f32 v3, v54;
	v9 =	vsel vm12, $0x15, v9;
	vm13 =	vgt.f32 v55, v5  }
0x8a: {  	s18 =	sor.u32 s15, s21;
	vm14 =	vgt.f32 v55, v1;
	v5 =	vsel vm13, v55, v5;
	v7 =	vsel vm13, $0x16, v7  }
0x8b: {  	v58 =	vld [tilespmem:s18+$0x0];
	vm15 =	vgt.f32 v56, v2;
	vm4 =	vgt.f32 v56, v3;
	v5 =	vsel vm14, v1, v5  }
0x8c: {  	s23 =	sadd.s32 $0x3000, s17;
	v7 =	vsel vm14, v6, v7;
	v1 =	vmax.f32 v1, v55;
	v2 =	vsel vm15, v56, v2  }
0x8d: {  	s24 =	sor.u32 s16, s23;
	v6 =	vsel vm14, $0x16, v6;
	v10 =	vsel vm15, $0x16, v10;
	v2 =	vsel vm4, v3, v2  }
0x8e: {  	v59 =	vld [tilespmem:s24+$0x0];
	v10 =	vsel vm4, v9, v10;
	v3 =	vmax.f32 v3, v56;
	vm5 =	vgt.f32 v57, v5  }
0x8f: {  	s18 =	sor.u32 s15, s23;
	vm6 =	vgt.f32 v57, v1;
	v9 =	vsel vm4, $0x16, v9;
	v5 =	vsel vm5, v57, v5  }
0x90: {  	v60 =	vld [tilespmem:s18+$0x0];
	v7 =	vsel vm5, $0x17, v7;
	vm7 =	vgt.f32 v58, v2;
	vm8 =	vgt.f32 v58, v3  }
0x91: {  	v5 =	vsel vm6, v1, v5;
	v7 =	vsel vm6, v6, v7;
	v1 =	vmax.f32 v1, v57  }
0x92: {  	s25 =	sadd.s32 $0x3080, s17;
	v6 =	vsel vm6, $0x17, v6;
	v2 =	vsel vm7, v58, v2;
	v10 =	vsel vm7, $0x17, v10  }
0x93: {  	s26 =	sor.u32 s16, s25;
	v2 =	vsel vm8, v3, v2;
	v10 =	vsel vm8, v9, v10;
	vm9 =	vgt.f32 v59, v5  }
0x94: {  	v61 =	vld [tilespmem:s26+$0x0];
	v3 =	vmax.f32 v3, v58;
	vm10 =	vgt.f32 v59, v1;
	v9 =	vsel vm8, $0x17, v9  }
0x95: {  	s18 =	sor.u32 s15, s25;
	v5 =	vsel vm9, v59, v5;
	v7 =	vsel vm9, $0x18, v7;
	vm11 =	vgt.f32 v60, v2  }
0x96: {  	v62 =	vld [tilespmem:s18+$0x0];
	vm12 =	vgt.f32 v60, v3;
	v5 =	vsel vm10, v1, v5;
	v7 =	vsel vm10, v6, v7  }
0x97: {  	s28 =	sadd.s32 $0x3100, s17;
	v1 =	vmax.f32 v1, v59;
	v2 =	vsel vm11, v60, v2;
	v10 =	vsel vm11, $0x18, v10  }
0x98: {  	s29 =	sor.u32 s16, s28;
	v6 =	vsel vm10, $0x18, v6;
	v2 =	vsel vm12, v3, v2;
	v10 =	vsel vm12, v9, v10  }
0x99: {  	v63 =	vld [tilespmem:s29+$0x0];
	v3 =	vmax.f32 v3, v60;
	v9 =	vsel vm12, $0x18, v9;
	vm13 =	vgt.f32 v61, v5  }
0x9a: {  	s18 =	sor.u32 s15, s28;
	vm14 =	vgt.f32 v61, v1;
	v5 =	vsel vm13, v61, v5;
	v7 =	vsel vm13, $0x19, v7  }
0x9b: {  	v12 =	vld [tilespmem:s18+$0x0];
	vm15 =	vgt.f32 v62, v2;
	vm4 =	vgt.f32 v62, v3;
	v5 =	vsel vm14, v1, v5  }
0x9c: {  	s30 =	sadd.s32 $0x3180, s17;
	v7 =	vsel vm14, v6, v7;
	v1 =	vmax.f32 v1, v61;
	v2 =	vsel vm15, v62, v2  }
0x9d: {  	s31 =	sor.u32 s16, s30;
	v6 =	vsel vm14, $0x19, v6;
	v10 =	vsel vm15, $0x19, v10;
	v2 =	vsel vm4, v3, v2  }
0x9e: {  	v13 =	vld [tilespmem:s31+$0x0];
	v10 =	vsel vm4, v9, v10;
	v3 =	vmax.f32 v3, v62;
	vm5 =	vgt.f32 v63, v5  }
0x9f: {  	s18 =	sor.u32 s15, s30;
	vm6 =	vgt.f32 v63, v1;
	v9 =	vsel vm4, $0x19, v9;
	v5 =	vsel vm5, v63, v5  }
0xa0: {  	v14 =	vld [tilespmem:s18+$0x0];
	v7 =	vsel vm5, $0x1A, v7;
	vm7 =	vgt.f32 v12, v2;
	vm8 =	vgt.f32 v12, v3  }
0xa1: {  	v5 =	vsel vm6, v1, v5;
	v7 =	vsel vm6, v6, v7;
	v1 =	vmax.f32 v1, v63  }
0xa2: {  	s20 =	sadd.s32 $0x3200, s17;
	v6 =	vsel vm6, $0x1A, v6;
	v2 =	vsel vm7, v12, v2;
	v10 =	vsel vm7, $0x1A, v10  }
0xa3: {  	s21 =	sor.u32 s16, s20;
	v2 =	vsel vm8, v3, v2;
	v10 =	vsel vm8, v9, v10;
	vm9 =	vgt.f32 v13, v5  }
0xa4: {  	v15 =	vld [tilespmem:s21+$0x0];
	v3 =	vmax.f32 v3, v12;
	vm10 =	vgt.f32 v13, v1;
	v9 =	vsel vm8, $0x1A, v9  }
0xa5: {  	s18 =	sor.u32 s15, s20;
	v5 =	vsel vm9, v13, v5;
	v7 =	vsel vm9, $0x1B, v7;
	vm11 =	vgt.f32 v14, v2  }
0xa6: {  	v16 =	vld [tilespmem:s18+$0x0];
	vm12 =	vgt.f32 v14, v3;
	v5 =	vsel vm10, v1, v5;
	v7 =	vsel vm10, v6, v7  }
0xa7: {  	v1 =	vmax.f32 v1, v13;
	v2 =	vsel vm11, v14, v2;
	v10 =	vsel vm11, $0x1B, v10  }
0xa8: {  	s22 =	sadd.s32 $0x3280, s17;
	v6 =	vsel vm10, $0x1B, v6;
	v2 =	vsel vm12, v3, v2;
	v10 =	vsel vm12, v9, v10  }
0xa9: {  	s23 =	sor.u32 s16, s22;
	v3 =	vmax.f32 v3, v14;
	v9 =	vsel vm12, $0x1B, v9;
	vm13 =	vgt.f32 v15, v5  }
0xaa: {  	v17 =	vld [tilespmem:s23+$0x0];
	s18 =	sor.u32 s15, s22;
	vm14 =	vgt.f32 v15, v1;
	v5 =	vsel vm13, v15, v5;
	v7 =	vsel vm13, $0x1C, v7  }
0xab: {  	v18 =	vld [tilespmem:s18+$0x0];
	vm15 =	vgt.f32 v16, v2;
	vm4 =	vgt.f32 v16, v3;
	v5 =	vsel vm14, v1, v5  }
0xac: {  	v7 =	vsel vm14, v6, v7;
	v1 =	vmax.f32 v1, v15;
	v2 =	vsel vm15, v16, v2  }
0xad: {  	s24 =	sadd.s32 $0x3300, s17;
	v6 =	vsel vm14, $0x1C, v6;
	v10 =	vsel vm15, $0x1C, v10;
	v15 =	vimm.s32 $0x0  }
0xae: {  	s25 =	sor.u32 s16, s24;
	v2 =	vsel vm4, v3, v2;
	v10 =	vsel vm4, v9, v10;
	v3 =	vmax.f32 v3, v16  }
0xaf: {  	v19 =	vld [tilespmem:s25+$0x0];
	vm5 =	vgt.f32 v17, v5;
	vm6 =	vgt.f32 v17, v1;
	v9 =	vsel vm4, $0x1C, v9  }
0xb0: {  	s18 =	sor.u32 s15, s24;
	v5 =	vsel vm5, v17, v5;
	v7 =	vsel vm5, $0x1D, v7;
	vm7 =	vgt.f32 v18, v2  }
0xb1: {  	v20 =	vld [tilespmem:s18+$0x0];
	vm8 =	vgt.f32 v18, v3;
	v5 =	vsel vm6, v1, v5;
	v7 =	vsel vm6, v6, v7  }
0xb2: {  	v1 =	vmax.f32 v1, v17;
	v2 =	vsel vm7, v18, v2;
	v10 =	vsel vm7, $0x1D, v10  }
0xb3: {  	s26 =	sadd.s32 $0x3380, s17;
	v6 =	vsel vm6, $0x1D, v6;
	v2 =	vsel vm8, v3, v2;
	v10 =	vsel vm8, v9, v10  }
0xb4: {  	s28 =	sor.u32 s16, s26;
	vm9 =	vgt.f32 v19, v5;
	v3 =	vmax.f32 v3, v18;
	vm10 =	vgt.f32 v19, v1  }
0xb5: {  	v21 =	vld [tilespmem:s28+$0x0];
	v9 =	vsel vm8, $0x1D, v9;
	v18 =	vimm.s32 $0x0;
	v5 =	vsel vm9, v19, v5  }
0xb6: {  	s18 =	sor.u32 s15, s26;
	v7 =	vsel vm9, $0x1E, v7;
	vm11 =	vgt.f32 v20, v2;
	vm12 =	vgt.f32 v20, v3  }
0xb7: {  	v22 =	vld [tilespmem:s18+$0x0];
	v5 =	vsel vm10, v1, v5;
	v7 =	vsel vm10, v6, v7;
	v1 =	vmax.f32 v1, v19  }
0xb8: {  	s29 =	sadd.s32 $0x4000, s17;
	v2 =	vsel vm11, v20, v2;
	v10 =	vsel vm11, $0x1E, v10;
	v6 =	vsel vm10, $0x1E, v6  }
0xb9: {  	s30 =	sor.u32 s16, s29;
	v2 =	vsel vm12, v3, v2;
	v10 =	vsel vm12, v9, v10;
	v3 =	vmax.f32 v3, v20  }
0xba: {  	v23 =	vld [tilespmem:s30+$0x0];
	v9 =	vsel vm12, $0x1E, v9;
	vm13 =	vgt.f32 v21, v5;
	vm14 =	vgt.f32 v21, v1  }
0xbb: {  	s18 =	sor.u32 s15, s29;
	v20 =	vimm.s32 $0x0;
	v5 =	vsel vm13, v21, v5;
	v7 =	vsel vm13, $0x1F, v7  }
0xbc: {  	v24 =	vld [tilespmem:s18+$0x0];
	vm15 =	vgt.f32 v22, v2;
	vm4 =	vgt.f32 v22, v3;
	v5 =	vsel vm14, v1, v5  }
0xbd: {  	v7 =	vsel vm14, v6, v7;
	v1 =	vmax.f32 v1, v21;
	v2 =	vsel vm15, v22, v2  }
0xbe: {  	s31 =	sadd.s32 $0x4080, s17;
	v6 =	vsel vm14, $0x1F, v6;
	v10 =	vsel vm15, $0x1F, v10;
	v2 =	vsel vm4, v3, v2  }
0xbf: {  	s20 =	sor.u32 s16, s31;
	v10 =	vsel vm4, v9, v10;
	v3 =	vmax.f32 v3, v22;
	vm5 =	vgt.f32 v23, v5  }
0xc0: {  	v25 =	vld [tilespmem:s20+$0x0];
	vm6 =	vgt.f32 v23, v1;
	v9 =	vsel vm4, $0x1F, v9;
	v22 =	vimm.s32 $0x0  }
0xc1: {  	s18 =	sor.u32 s15, s31;
	v5 =	vsel vm5, v23, v5;
	v7 =	vsel vm5, $0x20, v7;
	vm7 =	vgt.f32 v24, v2  }
0xc2: {  	v26 =	vld [tilespmem:s18+$0x0];
	vm8 =	vgt.f32 v24, v3;
	v5 =	vsel vm6, v1, v5;
	v7 =	vsel vm6, v6, v7  }
0xc3: {  	v1 =	vmax.f32 v1, v23;
	v2 =	vsel vm7, v24, v2;
	v10 =	vsel vm7, $0x20, v10  }
0xc4: {  	s21 =	sadd.s32 $0x4100, s17;
	v6 =	vsel vm6, $0x20, v6;
	v2 =	vsel vm8, v3, v2;
	v10 =	vsel vm8, v9, v10  }
0xc5: {  	s22 =	sor.u32 s16, s21;
	vm9 =	vgt.f32 v25, v5;
	v3 =	vmax.f32 v3, v24;
	vm10 =	vgt.f32 v25, v1  }
0xc6: {  	v27 =	vld [tilespmem:s22+$0x0];
	v9 =	vsel vm8, $0x20, v9;
	v24 =	vimm.s32 $0x0;
	v5 =	vsel vm9, v25, v5  }
0xc7: {  	s18 =	sor.u32 s15, s21;
	v7 =	vsel vm9, $0x21, v7;
	vm11 =	vgt.f32 v26, v2;
	vm12 =	vgt.f32 v26, v3  }
0xc8: {  	v28 =	vld [tilespmem:s18+$0x0];
	v5 =	vsel vm10, v1, v5;
	v7 =	vsel vm10, v6, v7;
	v1 =	vmax.f32 v1, v25  }
0xc9: {  	v2 =	vsel vm11, v26, v2;
	v10 =	vsel vm11, $0x21, v10;
	v6 =	vsel vm10, $0x21, v6  }
0xca: {  	s23 =	sadd.s32 $0x4180, s17;
	v2 =	vsel vm12, v3, v2;
	v10 =	vsel vm12, v9, v10;
	v3 =	vmax.f32 v3, v26  }
0xcb: {  	s24 =	sor.u32 s16, s23;
	v9 =	vsel vm12, $0x21, v9;
	vm13 =	vgt.f32 v27, v5;
	vm14 =	vgt.f32 v27, v1  }
0xcc: {  	v29 =	vld [tilespmem:s24+$0x0];
	v26 =	vimm.s32 $0x0;
	v5 =	vsel vm13, v27, v5;
	v7 =	vsel vm13, $0x22, v7  }
0xcd: {  	s18 =	sor.u32 s15, s23;
	vm15 =	vgt.f32 v28, v2;
	vm4 =	vgt.f32 v28, v3;
	v5 =	vsel vm14, v1, v5  }
0xce: {  	v30 =	vld [tilespmem:s18+$0x0];
	v7 =	vsel vm14, v6, v7;
	v1 =	vmax.f32 v1, v27;
	v2 =	vsel vm15, v28, v2  }
0xcf: {  	s25 =	sadd.s32 $0x4200, s17;
	v6 =	vsel vm14, $0x22, v6;
	v10 =	vsel vm15, $0x22, v10;
	v27 =	vimm.s32 $0x0  }
0xd0: {  	s26 =	sor.u32 s16, s25;
	v2 =	vsel vm4, v3, v2;
	v10 =	vsel vm4, v9, v10;
	v3 =	vmax.f32 v3, v28  }
0xd1: {  	v31 =	vld [tilespmem:s26+$0x0];
	vm5 =	vgt.f32 v29, v5;
	vm6 =	vgt.f32 v29, v1;
	v9 =	vsel vm4, $0x22, v9  }
0xd2: {  	s18 =	sor.u32 s15, s25;
	v28 =	vimm.s32 $0x0;
	v5 =	vsel vm5, v29, v5;
	v7 =	vsel vm5, $0x23, v7  }
0xd3: {  	v32 =	vld [tilespmem:s18+$0x0];
	vm7 =	vgt.f32 v30, v2;
	vm8 =	vgt.f32 v30, v3;
	v5 =	vsel vm6, v1, v5  }
0xd4: {  	v7 =	vsel vm6, v6, v7;
	v1 =	vmax.f32 v1, v29;
	v6 =	vsel vm6, $0x23, v6  }
0xd5: {  	s28 =	sadd.s32 $0x4280, s17;
	v2 =	vsel vm7, v30, v2;
	v10 =	vsel vm7, $0x23, v10;
	v29 =	vimm.s32 $0x0  }
0xd6: {  	s29 =	sor.u32 s16, s28;
	v2 =	vsel vm8, v3, v2;
	v10 =	vsel vm8, v9, v10;
	vm9 =	vgt.f32 v31, v5  }
0xd7: {  	v33 =	vld [tilespmem:s29+$0x0];
	v3 =	vmax.f32 v3, v30;
	vm10 =	vgt.f32 v31, v1;
	v9 =	vsel vm8, $0x23, v9  }
0xd8: {  	s18 =	sor.u32 s15, s28;
	v5 =	vsel vm9, v31, v5;
	v7 =	vsel vm9, $0x24, v7;
	vm11 =	vgt.f32 v32, v2  }
0xd9: {  	v34 =	vld [tilespmem:s18+$0x0];
	vm12 =	vgt.f32 v32, v3;
	v5 =	vsel vm10, v1, v5;
	v7 =	vsel vm10, v6, v7  }
0xda: {  	v1 =	vmax.f32 v1, v31;
	v2 =	vsel vm11, v32, v2;
	v10 =	vsel vm11, $0x24, v10  }
0xdb: {  	s30 =	sadd.s32 $0x4300, s17;
	v6 =	vsel vm10, $0x24, v6;
	v31 =	vimm.s32 $0x0;
	v2 =	vsel vm12, v3, v2  }
0xdc: {  	s31 =	sor.u32 s16, s30;
	v10 =	vsel vm12, v9, v10;
	v3 =	vmax.f32 v3, v32;
	vm13 =	vgt.f32 v33, v5  }
0xdd: {  	v35 =	vld [tilespmem:s31+$0x0];
	v9 =	vsel vm12, $0x24, v9;
	vm14 =	vgt.f32 v33, v1;
	v5 =	vsel vm13, v33, v5  }
0xde: {  	s18 =	sor.u32 s15, s30;
	v7 =	vsel vm13, $0x25, v7;
	vm15 =	vgt.f32 v34, v2;
	vm4 =	vgt.f32 v34, v3  }
0xdf: {  	v36 =	vld [tilespmem:s18+$0x0];
	v5 =	vsel vm14, v1, v5;
	v7 =	vsel vm14, v6, v7;
	v1 =	vmax.f32 v1, v33  }
0xe0: {  	s20 =	sadd.s32 $0x4380, s17;
	v2 =	vsel vm15, v34, v2;
	v6 =	vsel vm14, $0x25, v6;
	v10 =	vsel vm15, $0x25, v10  }
0xe1: {  	s21 =	sor.u32 s16, s20;
	v33 =	vimm.s32 $0x0;
	v2 =	vsel vm4, v3, v2;
	v10 =	vsel vm4, v9, v10  }
0xe2: {  	v37 =	vld [tilespmem:s21+$0x0];
	v3 =	vmax.f32 v3, v34;
	vm5 =	vgt.f32 v35, v5;
	vm6 =	vgt.f32 v35, v1  }
0xe3: {  	v9 =	vsel vm4, $0x25, v9;
	v5 =	vsel vm5, v35, v5;
	v7 =	vsel vm5, $0x26, v7  }
0xe4: {  	s18 =	sor.u32 s15, s20;
	vm7 =	vgt.f32 v36, v2;
	vm8 =	vgt.f32 v36, v3;
	v5 =	vsel vm6, v1, v5  }
0xe5: {  	v38 =	vld [tilespmem:s18+$0x0];
	v7 =	vsel vm6, v6, v7;
	v1 =	vmax.f32 v1, v35;
	v6 =	vsel vm6, $0x26, v6  }
0xe6: {  	v2 =	vsel vm7, v36, v2;
	v10 =	vsel vm7, $0x26, v10;
	v35 =	vimm.s32 $0x0  }
0xe7: {  	s22 =	sadd.s32 $0x5000, s17;
	v2 =	vsel vm8, v3, v2;
	v10 =	vsel vm8, v9, v10;
	vm9 =	vgt.f32 v37, v5  }
0xe8: {  	s23 =	sor.u32 s16, s22;
	v3 =	vmax.f32 v3, v36;
	vm10 =	vgt.f32 v37, v1;
	v9 =	vsel vm8, $0x26, v9  }
0xe9: {  	s18 =	sor.u32 s15, s22;
	v39 =	vld [tilespmem:s23+$0x0];
	v36 =	vimm.s32 $0x0;
	v5 =	vsel vm9, v37, v5;
	v7 =	vsel vm9, $0x27, v7  }
0xea: {  	v40 =	vld [tilespmem:s18+$0x0];
	vm11 =	vgt.f32 v38, v2;
	vm12 =	vgt.f32 v38, v3;
	v5 =	vsel vm10, v1, v5  }
0xeb: {  	v7 =	vsel vm10, v6, v7;
	v1 =	vmax.f32 v1, v37;
	v2 =	vsel vm11, v38, v2  }
0xec: {  	s24 =	sadd.s32 $0x5080, s17;
	v10 =	vsel vm11, $0x27, v10;
	v6 =	vsel vm10, $0x27, v6;
	v2 =	vsel vm12, v3, v2  }
0xed: {  	s25 =	sor.u32 s16, s24;
	v10 =	vsel vm12, v9, v10;
	v3 =	vmax.f32 v3, v38;
	v9 =	vsel vm12, $0x27, v9  }
0xee: {  	v41 =	vld [tilespmem:s25+$0x0];
	vm13 =	vgt.f32 v39, v5;
	vm14 =	vgt.f32 v39, v1;
	v38 =	vimm.s32 $0x0  }
0xef: {  	s18 =	sor.u32 s15, s24;
	v5 =	vsel vm13, v39, v5;
	v7 =	vsel vm13, $0x28, v7;
	vm15 =	vgt.f32 v40, v2  }
0xf0: {  	v42 =	vld [tilespmem:s18+$0x0];
	vm4 =	vgt.f32 v40, v3;
	v5 =	vsel vm14, v1, v5;
	v7 =	vsel vm14, v6, v7  }
0xf1: {  	v1 =	vmax.f32 v1, v39;
	v2 =	vsel vm15, v40, v2;
	v10 =	vsel vm15, $0x28, v10  }
0xf2: {  	s26 =	sadd.s32 $0x5100, s17;
	v6 =	vsel vm14, $0x28, v6;
	v2 =	vsel vm4, v3, v2;
	v10 =	vsel vm4, v9, v10  }
0xf3: {  	s28 =	sor.u32 s16, s26;
	v3 =	vmax.f32 v3, v40;
	vm5 =	vgt.f32 v41, v5;
	vm6 =	vgt.f32 v41, v1  }
0xf4: {  	v43 =	vld [tilespmem:s28+$0x0];
	v9 =	vsel vm4, $0x28, v9;
	v40 =	vimm.s32 $0x0;
	v5 =	vsel vm5, v41, v5  }
0xf5: {  	s18 =	sor.u32 s15, s26;
	v7 =	vsel vm5, $0x29, v7;
	vm7 =	vgt.f32 v42, v2;
	vm8 =	vgt.f32 v42, v3  }
0xf6: {  	v44 =	vld [tilespmem:s18+$0x0];
	v5 =	vsel vm6, v1, v5;
	v7 =	vsel vm6, v6, v7;
	v1 =	vmax.f32 v1, v41  }
0xf7: {  	v6 =	vsel vm6, $0x29, v6;
	v2 =	vsel vm7, v42, v2;
	v10 =	vsel vm7, $0x29, v10  }
0xf8: {  	s29 =	sadd.s32 $0x5180, s17;
	v41 =	vimm.s32 $0x0;
	v2 =	vsel vm8, v3, v2;
	v10 =	vsel vm8, v9, v10  }
0xf9: {  	s30 =	sor.u32 s16, s29;
	vm9 =	vgt.f32 v43, v5;
	v3 =	vmax.f32 v3, v42;
	vm10 =	vgt.f32 v43, v1  }
0xfa: {  	v45 =	vld [tilespmem:s30+$0x0];
	v9 =	vsel vm8, $0x29, v9;
	v42 =	vimm.s32 $0x0;
	v5 =	vsel vm9, v43, v5  }
0xfb: {  	s18 =	sor.u32 s15, s29;
	v7 =	vsel vm9, $0x2A, v7;
	vm11 =	vgt.f32 v44, v2;
	vm12 =	vgt.f32 v44, v3  }
0xfc: {  	v46 =	vld [tilespmem:s18+$0x0];
	v5 =	vsel vm10, v1, v5;
	v7 =	vsel vm10, v6, v7;
	v1 =	vmax.f32 v1, v43  }
0xfd: {  	s31 =	sadd.s32 $0x5200, s17;
	v2 =	vsel vm11, v44, v2;
	v10 =	vsel vm11, $0x2A, v10;
	v6 =	vsel vm10, $0x2A, v6  }
0xfe: {  	s20 =	sor.u32 s16, s31;
	v2 =	vsel vm12, v3, v2;
	v10 =	vsel vm12, v9, v10;
	v3 =	vmax.f32 v3, v44  }
0xff: {  	v47 =	vld [tilespmem:s20+$0x0];
	v9 =	vsel vm12, $0x2A, v9;
	vm13 =	vgt.f32 v45, v5;
	vm14 =	vgt.f32 v45, v1  }
0x100: {  	s18 =	sor.u32 s15, s31;
	v44 =	vimm.s32 $0x0;
	v5 =	vsel vm13, v45, v5;
	v7 =	vsel vm13, $0x2B, v7  }
0x101: {  	v48 =	vld [tilespmem:s18+$0x0];
	vm15 =	vgt.f32 v46, v2;
	vm4 =	vgt.f32 v46, v3;
	v5 =	vsel vm14, v1, v5  }
0x102: {  	v7 =	vsel vm14, v6, v7;
	v1 =	vmax.f32 v1, v45;
	v2 =	vsel vm15, v46, v2  }
0x103: {  	s21 =	sadd.s32 $0x5280, s17;
	v6 =	vsel vm14, $0x2B, v6;
	v10 =	vsel vm15, $0x2B, v10;
	v2 =	vsel vm4, v3, v2  }
0x104: {  	s22 =	sor.u32 s16, s21;
	v10 =	vsel vm4, v9, v10;
	v3 =	vmax.f32 v3, v46;
	vm5 =	vgt.f32 v47, v5  }
0x105: {  	v49 =	vld [tilespmem:s22+$0x0];
	vm6 =	vgt.f32 v47, v1;
	v9 =	vsel vm4, $0x2B, v9;
	v46 =	vimm.s32 $0x0  }
0x106: {  	s18 =	sor.u32 s15, s21;
	v5 =	vsel vm5, v47, v5;
	v7 =	vsel vm5, $0x2C, v7;
	vm7 =	vgt.f32 v48, v2  }
0x107: {  	v50 =	vld [tilespmem:s18+$0x0];
	vm8 =	vgt.f32 v48, v3;
	v5 =	vsel vm6, v1, v5;
	v7 =	vsel vm6, v6, v7  }
0x108: {  	v1 =	vmax.f32 v1, v47;
	v6 =	vsel vm6, $0x2C, v6;
	v2 =	vsel vm7, v48, v2  }
0x109: {  	s23 =	sadd.s32 $0x5300, s17;
	v10 =	vsel vm7, $0x2C, v10;
	v47 =	vimm.s32 $0x0;
	v2 =	vsel vm8, v3, v2  }
0x10a: {  	s24 =	sor.u32 s16, s23;
	v10 =	vsel vm8, v9, v10;
	vm9 =	vgt.f32 v49, v5;
	v3 =	vmax.f32 v3, v48  }
0x10b: {  	v51 =	vld [tilespmem:s24+$0x0];
	vm10 =	vgt.f32 v49, v1;
	v9 =	vsel vm8, $0x2C, v9;
	v48 =	vimm.s32 $0x0  }
0x10c: {  	s18 =	sor.u32 s15, s23;
	v5 =	vsel vm9, v49, v5;
	v7 =	vsel vm9, $0x2D, v7;
	vm11 =	vgt.f32 v50, v2  }
0x10d: {  	v52 =	vld [tilespmem:s18+$0x0];
	vm12 =	vgt.f32 v50, v3;
	v5 =	vsel vm10, v1, v5;
	v7 =	vsel vm10, v6, v7  }
0x10e: {  	v1 =	vmax.f32 v1, v49;
	v2 =	vsel vm11, v50, v2;
	v10 =	vsel vm11, $0x2D, v10  }
0x10f: {  	s25 =	sadd.s32 $0x5380, s17;
	v6 =	vsel vm10, $0x2D, v6;
	v2 =	vsel vm12, v3, v2;
	v10 =	vsel vm12, v9, v10  }
0x110: {  	s26 =	sor.u32 s16, s25;
	v3 =	vmax.f32 v3, v50;
	v9 =	vsel vm12, $0x2D, v9;
	vm13 =	vgt.f32 v51, v5  }
0x111: {  	v53 =	vld [tilespmem:s26+$0x0];
	vm14 =	vgt.f32 v51, v1;
	v50 =	vimm.s32 $0x0;
	v5 =	vsel vm13, v51, v5  }
0x112: {  	s18 =	sor.u32 s15, s25;
	v7 =	vsel vm13, $0x2E, v7;
	vm15 =	vgt.f32 v52, v2;
	vm4 =	vgt.f32 v52, v3  }
0x113: {  	v54 =	vld [tilespmem:s18+$0x0];
	v5 =	vsel vm14, v1, v5;
	v7 =	vsel vm14, v6, v7;
	v1 =	vmax.f32 v1, v51  }
0x114: {  	s28 =	sadd.s32 $0x6000, s17;
	v2 =	vsel vm15, v52, v2;
	v6 =	vsel vm14, $0x2E, v6;
	v10 =	vsel vm15, $0x2E, v10  }
0x115: {  	s29 =	sor.u32 s16, s28;
	v2 =	vsel vm4, v3, v2;
	v10 =	vsel vm4, v9, v10;
	v3 =	vmax.f32 v3, v52  }
0x116: {  	v55 =	vld [tilespmem:s29+$0x0];
	vm5 =	vgt.f32 v53, v5;
	vm6 =	vgt.f32 v53, v1;
	v9 =	vsel vm4, $0x2E, v9  }
0x117: {  	s18 =	sor.u32 s15, s28;
	v52 =	vimm.s32 $0x0;
	v5 =	vsel vm5, v53, v5;
	v7 =	vsel vm5, $0x2F, v7  }
0x118: {  	v56 =	vld [tilespmem:s18+$0x0];
	vm7 =	vgt.f32 v54, v2;
	vm8 =	vgt.f32 v54, v3;
	v5 =	vsel vm6, v1, v5  }
0x119: {  	s30 =	sadd.s32 $0x6080, s17;
	v7 =	vsel vm6, v6, v7;
	v1 =	vmax.f32 v1, v53;
	v6 =	vsel vm6, $0x2F, v6  }
0x11a: {  	s18 =	sor.u32 s15, s30;
	v2 =	vsel vm7, v54, v2;
	v10 =	vsel vm7, $0x2F, v10;
	v53 =	vimm.s32 $0x0  }
0x11b: {  	v58 =	vld [tilespmem:s18+$0x0];
	v2 =	vsel vm8, v3, v2;
	v10 =	vsel vm8, v9, v10;
	vm9 =	vgt.f32 v55, v5  }
0x11c: {  	s31 =	sor.u32 s16, s30;
	v3 =	vmax.f32 v3, v54;
	vm10 =	vgt.f32 v55, v1;
	v9 =	vsel vm8, $0x2F, v9  }
0x11d: {  	s20 =	sadd.s32 $0x6100, s17;
	v57 =	vld [tilespmem:s31+$0x0];
	v5 =	vsel vm9, v55, v5;
	v7 =	vsel vm9, $0x30, v7;
	vm11 =	vgt.f32 v56, v2  }
0x11e: {  	s21 =	sor.u32 s16, s20;
	vm12 =	vgt.f32 v56, v3;
	v11 =	vmax.f32 v3, v56;
	v5 =	vsel vm10, v1, v5  }
0x11f: {  	v12 =	vld [tilespmem:s21+$0x0];
	v7 =	vsel vm10, v6, v7;
	v1 =	vmax.f32 v1, v55;
	v2 =	vsel vm11, v56, v2  }
0x120: {  	v10 =	vsel vm11, $0x30, v10;
	v6 =	vsel vm10, $0x30, v6;
	vm4 =	vgt.f32 v58, v11  }
0x121: {  	v4 =	vmax.f32 v11, v58;
	v55 =	vimm.s32 $0x0;
	v2 =	vsel vm12, v3, v2  }
0x122: {  	s18 =	sor.u32 s15, s20;
	v10 =	vsel vm12, v9, v10;
	v9 =	vsel vm12, $0x30, v9;
	vm13 =	vgt.f32 v57, v5  }
0x123: {  	v13 =	vld [tilespmem:s18+$0x0];
	vm14 =	vgt.f32 v57, v1;
	v8 =	vmax.f32 v1, v57;
	v3 =	vsel vm13, v57, v5  }
0x124: {  	v59 =	vsel vm13, $0x31, v7;
	vm15 =	vgt.f32 v58, v2;
	vm1 =	vgt.f32 v12, v8  }
0x125: {  	s22 =	sadd.s32 $0x6180, s17;
	v57 =	vimm.s32 $0x0;
	v60 =	vsel vm14, v1, v3;
	v5 =	vsel vm14, v6, v59  }
0x126: {  	s23 =	sor.u32 s16, s22;
	v1 =	vsel vm15, v58, v2;
	v6 =	vsel vm14, $0x31, v6;
	v59 =	vimm.s32 $0x0  }
0x127: {  	v14 =	vld [tilespmem:s23+$0x0];
	v2 =	vsel vm4, v11, v1;
	v1 =	vsel vm15, $0x31, v10;
	vm5 =	vgt.f32 v12, v60  }
0x128: {  	s19 =	sor.u32 s15, s22;
	vm15 =	vgt.f32 v13, v4;
	v3 =	vsel vm4, v9, v1;
	v1 =	vsel vm4, $0x31, v9  }
0x129: {  	v62 =	vld [tilespmem:s19+$0x0];
	v7 =	vsel vm5, v12, v60;
	v5 =	vsel vm5, $0x32, v5;
	vm0 =	vgt.f32 v13, v2  }
0x12a: {  	s24 =	sadd.s32 $0x6200, s17;
	v60 =	vimm.s32 $0x0;
	v7 =	vsel vm1, v8, v7;
	v8 =	vmax.f32 v8, v12  }
0x12b: {  	s20 =	sor.u32 s16, s24;
	v63 =	vsel vm0, v13, v2;
	v2 =	vsel vm1, v6, v5;
	v6 =	vsel vm1, $0x32, v6  }
0x12c: {  	v61 =	vld [tilespmem:s20+$0x0];
	v3 =	vsel vm0, $0x32, v3;
	vm4 =	vgt.f32 v14, v7;
	vm14 =	vgt.f32 v14, v8  }
0x12d: {  	v17 =	vsel vm15, v4, v63;
	v4 =	vmax.f32 v4, v13;
	v3 =	vsel vm15, v1, v3  }
0x12e: {  	s18 =	sor.u32 s15, s24;
	v1 =	vsel vm15, $0x32, v1;
	v7 =	vsel vm4, v14, v7;
	vm7 =	vgt.f32 v62, v17  }
0x12f: {  	s25 =	sadd.s32 $0x6280, s17;
	v19 =	vld [tilespmem:s18+$0x0];
	vm13 =	vgt.f32 v62, v4;
	v2 =	vsel vm4, $0x33, v2;
	v7 =	vsel vm14, v8, v7  }
0x130: {  	s26 =	sor.u32 s16, s25;
	v8 =	vmax.f32 v8, v14;
	v13 =	vsel vm7, $0xFFFFFFFF, v20;
	v5 =	vsel vm7, v62, v17  }
0x131: {  	v16 =	vld [tilespmem:s26+$0x0];
	v2 =	vsel vm14, v6, v2;
	v6 =	vsel vm14, $0x33, v6;
	vm6 =	vgt.f32 v61, v7  }
0x132: {  	vm10 =	vgt.f32 v61, v8;
	v5 =	vsel vm13, v4, v5;
	v4 =	vmax.f32 v4, v62  }
0x133: {  	s30 =	sor.u32 s15, s25;
	v62 =	vimm.s32 $0x0;
	v11 =	vsel vm6, $0xFFFFFFFF, v18;
	v7 =	vsel vm6, v61, v7  }
0x134: {  	v23 =	vld [tilespmem:s30+$0x0];
	vm5 =	vgt.f32 v19, v4;
	vm12 =	vgt.f32 v19, v5;
	v18 =	vimm.s32 $0x0  }
0x135: {  	s28 =	sadd.s32 $0x6300, s17;
	v7 =	vsel vm10, v8, v7;
	v8 =	vmax.f32 v8, v61;
	v14 =	vsel vm5, $0xFFFFFFFF, v26  }
0x136: {  	s29 =	sor.u32 s16, s28;
	v5 =	vsel vm12, v19, v5;
	vm9 =	vgt.f32 v16, v7;
	vm11 =	vgt.f32 v16, v8  }
0x137: {  	v21 =	vld [tilespmem:s29+$0x0];
	[tilespmem:$0x1FE20] =	vst v14;
	v14 =	vsel vm12, $0xFFFFFFFF, v27;
	v5 =	vsel vm5, v4, v5;
	v4 =	vmax.f32 v4, v19  }
0x138: {  	s20 =	sor.u32 s15, s28;
	v19 =	vimm.s32 $0x0;
	v9 =	vsel vm9, $0xFFFFFFFF, v22;
	v10 =	vsel vm11, $0xFFFFFFFF, v24  }
0x139: {  	s31 =	sadd.s32 $0x6380, s17;
	v32 =	vld [tilespmem:s20+$0x0];
	v7 =	vsel vm9, v16, v7;
	vm8 =	vgt.f32 v23, v5;
	vm9 =	vgt.f32 v23, v4  }
0x13a: {  	s22 =	sor.u32 s16, s31;
	[tilespmem:$0x1FE00] =	vst v11;
	v22 =	vimm.s32 $0x0;
	v7 =	vsel vm11, v8, v7;
	v8 =	vmax.f32 v8, v16  }
0x13b: {  	v25 =	vld [tilespmem:s22+$0x0];
	[tilespmem:$0x1FE10] =	vst v14;
	v11 =	vsel vm8, $0xFFFFFFFF, v31;
	v5 =	vsel vm8, v23, v5;
	v14 =	vsel vm9, $0xFFFFFFFF, v35  }
0x13c: {  	vm6 =	vgt.f32 v21, v7;
	vm7 =	vgt.f32 v21, v8;
	v5 =	vsel vm9, v4, v5  }
0x13d: {  	s19 =	sor.u32 s15, s31;
	s23 =	sadd.s32 $0x7000, s17;
	v4 =	vmax.f32 v4, v23;
	v12 =	vsel vm6, $0xFFFFFFFF, v28;
	v7 =	vsel vm6, v21, v7  }
0x13e: {  	s21 =	sor.u32 s16, s23;
	v37 =	vld [tilespmem:s19+$0x0];
	vm5 =	vgt.f32 v32, v5;
	[tilespmem:$0x1FE70] =	vst v12;
	v12 =	vsel vm7, $0xFFFFFFFF, v29;
	v7 =	vsel vm7, v8, v7  }
0x13f: {  	v30 =	vld [tilespmem:s21+$0x0];
	[tilespmem:$0x1FE50] =	vst v10;
	v8 =	vmax.f32 v8, v21;
	v10 =	vsel vm5, $0xFFFFFFFF, v40;
	v5 =	vsel vm5, v32, v5  }
0x140: {  	vm7 =	vgt.f32 v32, v4;
	v21 =	vimm.s32 $0x0;
	vm2 =	vgt.f32 v25, v7  }
0x141: {  	s24 =	sadd.s32 $0x7080, s17;
	[tilespmem:$0x1FDF0] =	vst v13;
	vm11 =	vgt.f32 v25, v8;
	v5 =	vsel vm7, v4, v5;
	v4 =	vmax.f32 v4, v32  }
0x142: {  	s25 =	sor.u32 s16, s24;
	[tilespmem:$0x1FE60] =	vst v14;
	v13 =	vsel vm2, $0xFFFFFFFF, v33;
	v7 =	vsel vm2, v25, v7;
	v14 =	vsel vm11, $0xFFFFFFFF, v36  }
0x143: {  	s18 =	sor.u32 s15, s23;
	v34 =	vld [tilespmem:s25+$0x0];
	vm9 =	vgt.f32 v37, v5;
	v7 =	vsel vm11, v8, v7;
	v8 =	vmax.f32 v8, v25  }
0x144: {  	v43 =	vld [tilespmem:s18+$0x0];
	[tilespmem:$0x1FE30] =	vst v9;
	v15 =	vsel vm9, $0xFFFFFFFF, v15;
	v5 =	vsel vm9, v37, v5;
	vm12 =	vgt.f32 v30, v7  }
0x145: {  	s26 =	sadd.s32 $0x7100, s17;
	[tilespmem:$0x1FE40] =	vst v11;
	vm6 =	vgt.f32 v30, v8;
	v9 =	vsel vm12, $0xFFFFFFFF, v38;
	v7 =	vsel vm12, v30, v7  }
0x146: {  	s28 =	sor.u32 s16, s26;
	[tilespmem:$0x1FE90] =	vst v10;
	v10 =	vsel vm6, $0xFFFFFFFF, v41;
	vm12 =	vgt.f32 v37, v4;
	v7 =	vsel vm6, v8, v7  }
0x147: {  	s20 =	sor.u32 s15, s24;
	v39 =	vld [tilespmem:s28+$0x0];
	[tilespmem:$0x1FF00] =	vst v10;
	v10 =	vsel vm7, $0xFFFFFFFF, v42;
	v8 =	vmax.f32 v8, v30;
	v11 =	vsel vm12, $0xFFFFFFFF, v47  }
0x148: {  	v51 =	vld [tilespmem:s20+$0x0];
	v5 =	vsel vm12, v4, v5;
	v4 =	vmax.f32 v4, v37;
	vm8 =	vgt.f32 v34, v7  }
0x149: {  	s29 =	sadd.s32 $0x7180, s17;
	[tilespmem:$0x1FE80] =	vst v12;
	vm11 =	vgt.f32 v34, v8;
	vm6 =	vgt.f32 v43, v5;
	vm12 =	vgt.f32 v43, v4  }
0x14a: {  	s30 =	sor.u32 s16, s29;
	[tilespmem:$0x1FED0] =	vst v15;
	v12 =	vsel vm8, $0xFFFFFFFF, v44;
	v7 =	vsel vm8, v34, v7;
	v15 =	vsel vm11, $0xFFFFFFFF, v46  }
0x14b: {  	v45 =	vld [tilespmem:s30+$0x0];
	[tilespmem:$0x1FEC0] =	vst v14;
	v14 =	vsel vm6, $0xFFFFFFFF, v52;
	v5 =	vsel vm6, v43, v5;
	v7 =	vsel vm11, v8, v7  }
0x14c: {  	s31 =	sadd.s32 $0x7200, s17;
	v8 =	vmax.f32 v8, v34;
	v5 =	vsel vm12, v4, v5;
	v4 =	vmax.f32 v4, v43  }
0x14d: {  	s22 =	sor.u32 s16, s31;
	[tilespmem:$0x1FEA0] =	vst v13;
	vm1 =	vgt.f32 v39, v7;
	vm5 =	vgt.f32 v39, v8;
	vm11 =	vgt.f32 v51, v5  }
0x14e: {  	s19 =	sor.u32 s15, s26;
	v49 =	vld [tilespmem:s22+$0x0];
	[tilespmem:$0x1FEF0] =	vst v11;
	v11 =	vsel vm1, $0xFFFFFFFF, v48;
	v7 =	vsel vm1, v39, v7;
	v13 =	vsel vm5, $0xFFFFFFFF, v50  }
0x14f: {  	v56 =	vld [tilespmem:s19+$0x0];
	[tilespmem:$0x1FF20] =	vst v12;
	v12 =	vsel vm11, $0xFFFFFFFF, v59;
	v7 =	vsel vm5, v8, v7;
	v8 =	vmax.f32 v8, v39  }
0x150: {  	s23 =	sadd.s32 $0x7280, s17;
	[tilespmem:$0x1FEE0] =	vst v9;
	v5 =	vsel vm11, v51, v5;
	vm7 =	vgt.f32 v45, v7;
	vm8 =	vgt.f32 v45, v8  }
0x151: {  	s24 =	sor.u32 s16, s23;
	[tilespmem:$0x1FF10] =	vst v14;
	v9 =	vsel vm7, $0xFFFFFFFF, v53;
	v7 =	vsel vm7, v45, v7;
	v14 =	vsel vm8, $0xFFFFFFFF, v55  }
0x152: {  	s21 =	sor.u32 s15, s29;
	v54 =	vld [tilespmem:s24+$0x0];
	vm7 =	vgt.f32 v51, v4;
	v7 =	vsel vm8, v8, v7;
	v8 =	vmax.f32 v8, v45  }
0x153: {  	v61 =	vld [tilespmem:s21+$0x0];
	[tilespmem:$0x1FEB0] =	vst v10;
	v5 =	vsel vm7, v4, v5;
	v4 =	vmax.f32 v4, v51;
	vm9 =	vgt.f32 v49, v7  }
0x154: {  	s25 =	sadd.s32 $0x7300, s17;
	[tilespmem:$0x1FF30] =	vst v15;
	vm5 =	vgt.f32 v49, v8;
	vm6 =	vgt.f32 v56, v5;
	v10 =	vsel vm9, $0xFFFFFFFF, v57  }
0x155: {  	s26 =	sor.u32 s16, s25;
	v25 =	vld [tilespmem:$0x1FDF0];
	[tilespmem:$0x1FF40] =	vst v12;
	v7 =	vsel vm9, v49, v7;
	v12 =	vsel vm5, $0xFFFFFFFF, v60;
	v15 =	vsel vm6, $0xFFFFFFFF, v18  }
0x156: {  	v58 =	vld [tilespmem:s26+$0x0];
	v5 =	vsel vm6, v56, v5;
	vm6 =	vgt.f32 v56, v4;
	v7 =	vsel vm5, v8, v7  }
0x157: {  	s18 =	sor.u32 s15, s31;
	v29 =	vld [tilespmem:$0x1FE20];
	v8 =	vmax.f32 v8, v49;
	v5 =	vsel vm6, v4, v5;
	v4 =	vmax.f32 v4, v56  }
0x158: {  	v20 =	vld [tilespmem:s18+$0x0];
	[tilespmem:$0x1FF50] =	vst v11;
	vm0 =	vgt.f32 v54, v7;
	vm11 =	vgt.f32 v54, v8;
	vm5 =	vgt.f32 v61, v5  }
0x159: {  	v27 =	vld [tilespmem:$0x1FE00];
	[tilespmem:$0x1FFA0] =	vst v10;
	v11 =	vsel vm0, $0xFFFFFFFF, v62;
	v7 =	vsel vm0, v54, v7;
	v10 =	vsel vm5, $0xFFFFFFFF, v21  }
0x15a: {  	v5 =	vsel vm5, v61, v5;
	vm5 =	vgt.f32 v61, v4;
	vm0 =	vnez.u8 v25  }
0x15b: {  	s17 =	sadd.s32 $0x7380, s17;
	v7 =	vsel vm11, v8, v7;
	v8 =	vmax.f32 v8, v54;
	v5 =	vsel vm5, v4, v5  }
0x15c: {  	s28 =	sor.u32 s16, s17;
	v4 =	vmax.f32 v4, v61;
	v3 =	vsel vm0, $0x33, v3;
	vm0 =	vnez.u8 v29  }
0x15d: {  	v63 =	vld [tilespmem:s28+$0x0];
	vm9 =	vgt.f32 v58, v7;
	vm15 =	vgt.f32 v20, v5;
	vm4 =	vgt.f32 v20, v4  }
0x15e: {  	v3 =	vsel vm13, v1, v3;
	v1 =	vsel vm13, $0x33, v1;
	vm13 =	vnez.u8 v27  }
0x15f: {  	s29 =	sor.u32 s15, s23;
	v28 =	vld [tilespmem:$0x1FE10];
	[tilespmem:$0x1FF80] =	vst v9;
	v9 =	vsel vm9, $0xFFFFFFFF, v19;
	v7 =	vsel vm9, v58, v7;
	vm9 =	vgt.f32 v58, v8  }
0x160: {  	v23 =	vld [tilespmem:s29+$0x0];
	v5 =	vsel vm15, v20, v5;
	v2 =	vsel vm13, $0x34, v2;
	v7 =	vsel vm9, v8, v7  }
0x161: {  	v8 =	vmax.f32 v8, v58;
	v5 =	vsel vm4, v4, v5;
	v4 =	vmax.f32 v4, v20  }
0x162: {  	s30 =	sor.u32 s15, s25;
	v30 =	vld [tilespmem:$0x1FE30];
	v2 =	vsel vm10, v6, v2;
	v6 =	vsel vm10, $0x34, v6;
	vm8 =	vgt.f32 v63, v7  }
0x163: {  	v24 =	vld [tilespmem:s30+$0x0];
	[tilespmem:$0x1FFB0] =	vst v10;
	v10 =	vsel vm8, $0xFFFFFFFF, v22;
	v7 =	vsel vm8, v63, v7;
	vm8 =	vgt.f32 v63, v8  }
0x164: {  	v31 =	vld [tilespmem:$0x1FE40];
	vm10 =	vnez.u8 v28;
	v7 =	vsel vm8, v8, v7;
	v8 =	vmax.f32 v8, v63  }
0x165: {  	s17 =	sor.u32 s15, s17;
	v32 =	vld [tilespmem:$0x1FE50];
	vm14 =	vgt.f32 v23, v5;
	v3 =	vsel vm10, $0x34, v3;
	v7 =	vsub.f32 v7, v8  }
0x166: {  	v26 =	vld [tilespmem:s17+$0x0];
	vm3 =	vgt.f32 v23, v4;
	v5 =	vsel vm14, v23, v5;
	v3 =	vsel vm0, v1, v3  }
0x167: {  	v34 =	vld [tilespmem:$0x1FE60];
	v1 =	vsel vm0, $0x34, v1;
	vm0 =	vnez.u8 v30;
	v7 =	vmul.f32 $1.442695020e+00, v7  }
0x168: {  	v35 =	vld [tilespmem:$0x1FE70];
	v5 =	vsel vm3, v4, v5;
	v4 =	vmax.f32 v4, v23;
	v2 =	vsel vm0, $0x35, v2  }
0x169: {  	v36 =	vld [tilespmem:$0x1FE80];
	vm0 =	vnez.u8 v31;
	vm13 =	vgt.f32 v24, v5;
	(erf) = vpow2.f32 v7  }
0x16a: {  	vm2 =	vgt.f32 v24, v4;
	v3 =	vsel vm0, $0x35, v3;
	vm0 =	vnez.u8 v32  }
0x16b: {  	v37 =	vld [tilespmem:$0x1FE90];
	v5 =	vsel vm13, v24, v5;
	v2 =	vsel vm0, v6, v2;
	v6 =	vsel vm0, $0x35, v6  }
0x16c: {  	v38 =	vld [tilespmem:$0x1FEA0];
	vm0 =	vnez.u8 v34;
	v5 =	vsel vm2, v4, v5;
	v4 =	vmax.f32 v4, v24  }
0x16d: {  	v39 =	vld [tilespmem:$0x1FEB0];
	v3 =	vsel vm0, v1, v3;
	v1 =	vsel vm0, $0x35, v1;
	vm0 =	vnez.u8 v35  }
0x16e: {  	vm10 =	vgt.f32 v26, v5;
	v2 =	vsel vm0, $0x36, v2;
	vm0 =	vnez.u8 v36  }
0x16f: {  	v40 =	vld [tilespmem:$0x1FEC0];
	vm1 =	vgt.f32 v26, v4;
	v5 =	vsel vm10, v26, v5;
	v2 =	vsel vm0, v6, v2  }
0x170: {  	v6 =	vsel vm0, $0x36, v6;
	vm0 =	vnez.u8 v37;
	v5 =	vsel vm1, v4, v5  }
0x171: {  	v41 =	vld [tilespmem:$0x1FED0];
	v4 =	vmax.f32 v4, v26;
	v3 =	vsel vm0, $0x36, v3;
	vm0 =	vnez.u8 v38  }
0x172: {  	v42 =	vld [tilespmem:$0x1FEE0];
	v4 =	vsub.f32 v5, v4;
	v2 =	vsel vm0, $0x37, v2;
	vm0 =	vnez.u8 v39;
	v33 =	vpop (erf)  }
0x173: {  	v43 =	vld [tilespmem:$0x1FEF0];
	v3 =	vsel vm0, v1, v3;
	v5 =	vadd.f32 $1.000000000e+00, v33  }
0x174: {  	v44 =	vld [tilespmem:$0x1FF00];
	v1 =	vsel vm0, $0x36, v1;
	vm0 =	vnez.u8 v40;
	v4 =	vmul.f32 $1.442695020e+00, v4  }
0x175: {  	v45 =	vld [tilespmem:$0x1FF10];
	v2 =	vsel vm0, v6, v2;
	(erf) = vrcp.f32 v5  }
0x176: {  	v46 =	vld [tilespmem:$0x1FF20];
	(erf) = vpow2.f32 v4;
	v4 =	vsel vm0, $0x37, v6;
	vm0 =	vnez.u8 v41  }
0x177: {  	v3 =	vsel vm0, $0x37, v3;
	vm0 =	vnez.u8 v42  }
0x178: {  	v47 =	vld [tilespmem:$0x1FF30];
	v2 =	vsel vm0, $0x38, v2;
	vm0 =	vnez.u8 v43  }
0x179: {  	v48 =	vld [tilespmem:$0x1FF40];
	v3 =	vsel vm0, v1, v3;
	v1 =	vsel vm0, $0x37, v1;
	vm0 =	vnez.u8 v44  }
0x17a: {  	[tilespmem:$0x1FF60] =	vst v13;
	v49 =	vld [tilespmem:$0x1FF50];
	v2 =	vsel vm0, v4, v2;
	v4 =	vsel vm0, $0x38, v4;
	vm0 =	vnez.u8 v45  }
0x17b: {  	v50 =	vld [tilespmem:$0x1FF60];
	[tilespmem:$0x1FF70] =	vst v15;
	v3 =	vsel vm0, $0x38, v3;
	vm0 =	vnez.u8 v46  }
0x17c: {  	v51 =	vld [tilespmem:$0x1FF70];
	v2 =	vsel vm0, $0x39, v2  }
0x17d: {  	v52 =	vld [tilespmem:$0x1FF80];
	v3 =	vsel vm12, v1, v3;
	v1 =	vsel vm12, $0x38, v1;
	vm12 =	vnez.u8 v47  }
0x17e: {  	[tilespmem:$0x1FF90] =	vst v14;
	v56 =	vld [tilespmem:$0x1FFA0];
	v2 =	vsel vm12, v4, v2;
	v4 =	vsel vm12, $0x39, v4;
	vm12 =	vnez.u8 v48  }
0x17f: {  	v54 =	vld [tilespmem:$0x1FF90];
	v3 =	vsel vm12, $0x39, v3;
	vm12 =	vnez.u8 v49  }
0x180: {  	[tilespmem:$0x1FFC0] =	vst v12;
	v57 =	vld [tilespmem:$0x1FFB0];
	v2 =	vsel vm12, $0x3A, v2;
	v3 =	vsel vm7, v1, v3  }
0x181: {  	[tilespmem:$0x1FFD0] =	vst v11;
	v58 =	vld [tilespmem:$0x1FFC0];
	v1 =	vsel vm7, $0x39, v1;
	vm12 =	vnez.u8 v50;
	vm7 =	vnez.u8 v51  }
0x182: {  	v59 =	vld [tilespmem:$0x1FFD0];
	v2 =	vsel vm12, v4, v2;
	v4 =	vsel vm12, $0x3A, v4;
	vm12 =	vnez.u8 v52  }
0x183: {  	[tilespmem:$0x1FFE0] =	vst v9;
	v53 =	vpop (erf);
	v3 =	vsel vm7, $0x3A, v3;
	vm7 =	vnez.u8 v56;
	v2 =	vsel vm12, $0x3B, v2  }
0x184: {  	v60 =	vld [tilespmem:$0x1FFE0];
	v55 =	vpop (erf);
	v3 =	vsel vm6, v1, v3;
	v1 =	vsel vm6, $0x3A, v1;
	vm6 =	vnez.u8 v54  }
0x185: {  	[tilespmem:$0x1FFF0] =	vst v10;
	v6 =	vadd.f32 $1.000000000e+00, v55;
	vm12 =	vnez.u8 v57;
	v2 =	vsel vm6, v4, v2  }
0x186: {  	v61 =	vld [tilespmem:$0x1FFF0];
	v4 =	vsel vm6, $0x3B, v4;
	vm6 =	vnez.u8 v58;
	v2 =	vsel vm7, $0x3C, v2  }
0x187: {  	v3 =	vsel vm12, $0x3B, v3;
	vm7 =	vnez.u8 v59;
	v2 =	vsel vm6, v4, v2  }
0x188: {  	(erf) = vrcp.f32 v6;
	v4 =	vsel vm6, $0x3C, v4;
	v2 =	vsel vm7, $0x3D, v2  }
0x189: {  	vm12 =	vnez.u8 v60;
	v3 =	vsel vm5, v1, v3;
	v2 =	vsel vm11, v4, v2  }
0x18a: {  	v1 =	vsel vm5, $0x3B, v1;
	v4 =	vsel vm11, $0x3D, v4;
	v2 =	vsel vm12, $0x3E, v2  }
0x18b: {  	s31 =	sshll.u32 s14, $0x6;
	v3 =	vsel vm15, $0x3C, v3;
	vm15 =	vnez.u8 v61;
	v2 =	vsel vm9, v4, v2  }
0x18c: {  	s17 =	sand.u32 $0xFFFFFF00, s31;
	v3 =	vsel vm4, v1, v3;
	v4 =	vsel vm9, $0x3E, v4;
	v2 =	vsel vm15, $0x3F, v2  }
0x18d: {  	s16 =	sor.u32 s16, s17;
	v1 =	vsel vm4, $0x3C, v1;
	v3 =	vsel vm14, $0x3D, v3;
	v2 =	vsel vm8, v4, v2  }
0x18e: {  	v3 =	vsel vm3, v1, v3;
	[tilespmem:s16+$0x8080] =	vst v2;
	v2 =	vsub.f32 $1.000000000e+00, v53  }
0x18f: {  	[tilespmem:s16+$0x8400] =	vst v53;
	v1 =	vsel vm3, $0x3D, v1;
	v3 =	vsel vm13, $0x3E, v3;
	v62 =	vsel vm8, $0x3F, v4  }
0x190: {  	p0 =	sne.s32 s14, $0xF;
	v3 =	vsel vm2, v1, v3;
	v1 =	vsel vm2, $0x3E, v1;
	[tilespmem:s16+$0x8000] =	vst v62  }
.Ltmp0:
0x191: {  	s15 =	sor.u32 s17, s15;
	v3 =	vsel vm10, $0x3F, v3;
	v63 =	vsel vm1, $0x3F, v1;
	[tilespmem:s16+$0x8480] =	vst v2;
	(pc) =	sbr.rel @p0 .LBB2_2-.Ltmp0, $4  }
0x192: {  	v1 =	vsel vm1, v1, v3;
	[tilespmem:s15+$0x8000] =	vst v63;
	v2 =	vpop (erf)  }
0x193: {  	[tilespmem:s15+$0x8080] =	vst v1;
	v1 =	vsub.f32 $1.000000000e+00, v2  }
0x194: {  	[tilespmem:s15+$0x8400] =	vst v2  }
0x195: {  	s13 =	sadd.s32 $0x20, s13;
	s14 =	sadd.s32 $0x1, s14;
	[tilespmem:s15+$0x8480] =	vst v1  }
0x196: {  	[hbm4b:s4+s2] =	stream.linear.scatter [tilespmem:s10], [sflag:$0x1], $0x400, $0x38;
	[tilespmem:$0x8800] =	vst v63  }
0x197: {  	s12 =	sadd.s32 $0x1, s12;
	_ =	swait.ge [sflag:s9], $0x400  }
0x198: {  	p0 =	sne.s32 s12, s6;
	[sflag:s9] =	ssyncset.done $0x0  }
.Ltmp1:
0x199: {  	[sflag:s9] =	ssyncadd.s32 $0xFFFFFC00;
	(pc) =	sbr.rel @p0 .LBB2_1-.Ltmp1, $4  }
0x19a: {  	[hbm4b:s5+s2] =	stream.linear.scatter [tilespmem:s11], [sflag:$0x1], $0x400, $0x38;
	[tilespmem:$0x8800] =	vst v63  }
0x19b: {  	_ =	swait.ge [sflag:s9], $0x400  }
0x19c: {  	[sflag:s9] =	ssyncset.done $0x0  }
0x19d: {  	[sflag:s9] =	ssyncadd.s32 $0xFFFFFC00  }
0x19e: {  	_ =	sfence.sel $0x180000  }
0x19f: {  	[bflag:$0x0] =	sbarrier.arrive $0xFFFF  }
0x1a0: {  	p0 =	sne.s32 s1, $0x0;
	_ =	strace $0x90000047  }
0x1a1: {  	s0 =	sadd.s32 @!p0 $0x100000, s0;
	[bflag:$0x2] =	sbarrier.arrive $0xFFFF  }
0x1a2: {  	[sflag:s0] =	ssyncadd.tile.s32 @!p0 $0x1;
	_ =	shalt  }
.Lfunc_end2:
_tile_overlayer_lowered:
.L_overlay_start_2:
0x1a3: {  	(tag) =	ssettag $0x2  }
0x1a4: {  	s0 =	rddreg [dreg:$0x0];
	s2 =	stileid.u32  }
0x1a5: {  	s1 =	rddreg [dreg:$0x1];
	p0 =	sne.s32 s2, $0x0  }
0x1a6: {  	s3 =	rddreg [dreg:$0x2];
	[bflag:$0x3] =	sbarrier.arrive $0xFFFF;
	s2 =	simm.s32 @!p0 $0x1C01  }
0x1a7: {  	[timem:s3], [sflag:s2] =	dma.local @!p0 [hbm:s0], s1  }
0x1a8: {  	s0 =	simm.s32 @!p0 $0x1  }
0x1a9: {  	_ =	swait.ge @!p0 [sflag:s0], s1  }
0x1aa: {  	s1 =	ssub.s32 @!p0 $0x0, s1;
	[sflag:s0] =	ssyncset.done @!p0 $0x0  }
0x1ab: {  	[sflag:s0] =	ssyncadd.s32 @!p0 s1  }
0x1ac: {  	[bflag:$0x3] =	sbarrier.arrive $0xFFFF  }
0x1ad: {  	_ =	shalt  }

</sc_bundles>
